<compile_context>
chip_gen: v7x
topology: tpu7x:2x2x1
jax: 0.10.2.dev20260603
libtpu: 0.0.44.dev20260713+nightly
codegen_flags: <defaults>
</compile_context>

<pallas_src>
import functools

import jax
import jax.numpy as jnp
from jax import lax
from jax.experimental import pallas as pl
from jax.experimental.pallas import tpu as pltpu
from jax.experimental.pallas import tpu_sc as plsc

B = 16384
F = 26
V = 1000000
E = 16
D = F * E
H1 = 1024
H2 = 512

NUM_WORKERS = 32

SLAB = 512
NSLAB = 61 * NUM_WORKERS
SLAB_REM = V - NSLAB * SLAB
REM0 = NSLAB * SLAB
REM_A = 512
REM_B = SLAB_REM - REM_A
KPT = NSLAB // NUM_WORKERS

IDX_PER_TILE = (B * F) // NUM_WORKERS
CHUNK = 3328
NCHUNK = IDX_PER_TILE // CHUNK
DCHUNK = 6656
NDCHUNK = IDX_PER_TILE // DCHUNK


def _transpose_slab(tbuf, obuf, iota16, n_ch):
    def ch_body(ch, c):
        for e in range(E):
            vals = tbuf[e, pl.ds(ch * 16, 16)]
            idxv = iota16 * 16 + (ch * 256 + e)
            plsc.store_scatter(obuf, [idxv], vals)
        return c
    lax.fori_loop(0, n_ch, ch_body, 0)


def _colsum_slab(tbuf, csbuf, n_ch):
    def ch_body(ch, c):
        acc = tbuf[0, pl.ds(ch * 16, 16)]
        for e in range(1, E):
            acc = acc + tbuf[e, pl.ds(ch * 16, 16)]
        csbuf[pl.ds(ch * 16, 16)] = acc
        return c
    lax.fori_loop(0, n_ch, ch_body, 0)


@functools.lru_cache(maxsize=1)
def _make_sc_format():
    mesh = plsc.VectorSubcoreMesh(core_axis_name="c", subcore_axis_name="s")

    @functools.partial(
        pl.kernel,
        mesh=mesh,
        out_type=jax.ShapeDtypeStruct((V * E,), jnp.float32),
        scratch_types=[
            pltpu.VMEM((E, SLAB), jnp.float32),
            pltpu.VMEM((E, SLAB), jnp.float32),
            pltpu.VMEM((E, SLAB), jnp.float32),
            pltpu.VMEM((SLAB * E,), jnp.float32),
            pltpu.VMEM((SLAB * E,), jnp.float32),
            pltpu.VMEM((SLAB * E,), jnp.float32),
            pltpu.SemaphoreType.DMA,
            pltpu.SemaphoreType.DMA,
            pltpu.SemaphoreType.DMA,
            pltpu.SemaphoreType.DMA,
            pltpu.SemaphoreType.DMA,
            pltpu.SemaphoreType.DMA,
        ],
        compiler_params=pltpu.CompilerParams(
            use_tc_tiling_on_sc=True, needs_layout_passes=False),
    )
    def _sc_format(deepT, tail_deep, ddense,
                   tbuf0, tbuf1, tbuf2, obuf0, obuf1, obuf2,
                   sin0, sin1, sin2, sout0, sout1, sout2):
        wid = lax.axis_index("s") * 2 + lax.axis_index("c")
        iota16 = lax.iota(jnp.int32, 16)
        tb = (tbuf0, tbuf1, tbuf2)
        ob = (obuf0, obuf1, obuf2)
        sin = (sin0, sin1, sin2)
        sout = (sout0, sout1, sout2)

        def col0(k):
            return (wid + NUM_WORKERS * k) * SLAB

        def wait_in(q):
            pltpu.make_async_copy(
                deepT.at[:, pl.ds(0, SLAB)], tb[q], sin[q]).wait()

        def wait_out(q):
            pltpu.make_async_copy(
                ob[q], ddense.at[pl.ds(0, SLAB * E)], sout[q]).wait()

        def compute_and_out(k, q):
            c0 = col0(k)
            _transpose_slab(tb[q], ob[q], iota16, SLAB // 16)
            pltpu.async_copy(
                ob[q], ddense.at[pl.ds(c0 * E, SLAB * E)], sout[q])

        for q in range(3):
            pltpu.async_copy(deepT.at[:, pl.ds(col0(q), SLAB)],
                             tb[q], sin[q])

        def body3(r, c):
            for q in range(3):
                k = 3 * r + q
                wait_in(q)

                @pl.when(r >= 1)
                def _():
                    wait_out(q)
                compute_and_out(k, q)
                if q == 0:
                    pltpu.async_copy(
                        deepT.at[:, pl.ds(col0(k + 3), SLAB)], tb[q], sin[q])
                else:
                    @pl.when(r < 19)
                    def _():
                        pltpu.async_copy(
                            deepT.at[:, pl.ds(col0(k + 3), SLAB)],
                            tb[q], sin[q])
            return c

        lax.fori_loop(0, 20, body3, 0)
        wait_in(0)
        wait_out(0)
        compute_and_out(60, 0)
        wait_out(0)
        wait_out(1)
        wait_out(2)

        @pl.when(wid == 28)
        def _():
            pltpu.sync_copy(deepT.at[:, pl.ds(REM0, REM_A)],
                            tbuf0.at[:, pl.ds(0, REM_A)])
            _transpose_slab(tbuf0, obuf0, iota16, REM_A // 16)
            pltpu.sync_copy(obuf0.at[pl.ds(0, REM_A * E)],
                            ddense.at[pl.ds(REM0 * E, REM_A * E)])

        @pl.when(wid == 29)
        def _():
            pltpu.sync_copy(tail_deep, obuf1.at[pl.ds(0, REM_B * E)])
            pltpu.sync_copy(obuf1.at[pl.ds(0, REM_B * E)],
                            ddense.at[pl.ds((REM0 + REM_A) * E, REM_B * E)])

    return _sc_format


@functools.lru_cache(maxsize=1)
def _make_sc_gather_deep():
    mesh = plsc.VectorSubcoreMesh(core_axis_name="c", subcore_axis_name="s")

    @functools.partial(
        pl.kernel,
        mesh=mesh,
        out_type=jax.ShapeDtypeStruct((B * F, E), jnp.float32),
        scratch_types=[
            pltpu.VMEM((DCHUNK,), jnp.int32),
            pltpu.VMEM((DCHUNK, E), jnp.float32),
            pltpu.SemaphoreType.DMA,
            pltpu.SemaphoreType.DMA,
        ],
        compiler_params=pltpu.CompilerParams(
            use_tc_tiling_on_sc=False, needs_layout_passes=False),
    )
    def _sc_gather_deep(idx_hbm, deep_hbm, deep_out, idx_v, drows,
                        sem_g, sem_o):
        wid = lax.axis_index("s") * 2 + lax.axis_index("c")
        base = wid * IDX_PER_TILE
        pltpu.sync_copy(idx_hbm.at[pl.ds(base, DCHUNK)], idx_v)
        pltpu.async_copy(deep_hbm.at[idx_v], drows, sem_g).wait()
        pltpu.async_copy(drows, deep_out.at[pl.ds(base, DCHUNK)], sem_o)
        pltpu.sync_copy(idx_hbm.at[pl.ds(base + DCHUNK, DCHUNK)], idx_v)
        pltpu.make_async_copy(
            drows, deep_out.at[pl.ds(0, DCHUNK)], sem_o).wait()
        pltpu.async_copy(deep_hbm.at[idx_v], drows, sem_g).wait()
        pltpu.sync_copy(drows, deep_out.at[pl.ds(base + DCHUNK, DCHUNK)])

    return _sc_gather_deep


@functools.lru_cache(maxsize=1)
def _make_sc_gather_wide():
    mesh = plsc.VectorSubcoreMesh(core_axis_name="c", subcore_axis_name="s")

    @functools.partial(
        pl.kernel,
        mesh=mesh,
        out_type=jax.ShapeDtypeStruct((B * F,), jnp.float32),
        scratch_types=[
            pltpu.VMEM((CHUNK,), jnp.int32),
            pltpu.VMEM((CHUNK,), jnp.int32),
            pltpu.VMEM((CHUNK,), jnp.int32),
            pltpu.VMEM((CHUNK,), jnp.int32),
            pltpu.VMEM((CHUNK, E), jnp.float32),
            pltpu.VMEM((CHUNK, E), jnp.float32),
            pltpu.VMEM((CHUNK,), jnp.float32),
            pltpu.SemaphoreType.DMA,
            pltpu.SemaphoreType.DMA,
        ],
        compiler_params=pltpu.CompilerParams(
            use_tc_tiling_on_sc=False, needs_layout_passes=False),
    )
    def _sc_gather_wide(idx_hbm, cs2d_hbm, wsum_out,
                        idx_v0, idx_v1, widx_v0, widx_v1,
                        wrows0, wrows1, wv, sem0, sem1):
        wid = lax.axis_index("s") * 2 + lax.axis_index("c")
        base = wid * IDX_PER_TILE
        iota16 = lax.iota(jnp.int32, 16)
        iv_ = (idx_v0, idx_v1)
        wi_ = (widx_v0, widx_v1)
        wr_ = (wrows0, wrows1)
        sm_ = (sem0, sem1)

        def start_gather(ci, p):
            off = base + ci * CHUNK
            pltpu.sync_copy(idx_hbm.at[pl.ds(off, CHUNK)], iv_[p])

            def wi_body(t, c2):
                v = iv_[p][pl.ds(t * 16, 16)]
                wi_[p][pl.ds(t * 16, 16)] = lax.shift_right_logical(v, 4)
                return c2
            lax.fori_loop(0, CHUNK // 16, wi_body, 0)
            pltpu.async_copy(cs2d_hbm.at[wi_[p]], wr_[p], sm_[p])

        def finish(ci, p):
            off = base + ci * CHUNK
            pltpu.make_async_copy(
                cs2d_hbm.at[wi_[p]], wr_[p], sm_[p]).wait()

            def ex_body(t, c2):
                rows = iota16 + t * 16
                cm = lax.bitwise_and(iv_[p][pl.ds(t * 16, 16)], 15)
                wv[pl.ds(t * 16, 16)] = plsc.load_gather(wr_[p], [rows, cm])
                return c2
            lax.fori_loop(0, CHUNK // 16, ex_body, 0)
            pltpu.sync_copy(wv, wsum_out.at[pl.ds(off, CHUNK)])

        start_gather(0, 0)
        for ci in range(NCHUNK):
            p = ci & 1
            if ci + 1 < NCHUNK:
                start_gather(ci + 1, 1 - p)
            finish(ci, p)

    return _sc_gather_wide


def _colsum_body(wt_ref, out_ref):
    s = jnp.sum(wt_ref[...], axis=0)
    out_ref[...] = s.reshape(out_ref.shape)


_CS_BLK = 32768


def _stats_body(x_ref, s1_ref, s2_ref):
    i = pl.program_id(0)

    @pl.when(i == 0)
    def _():
        s1_ref[...] = jnp.zeros_like(s1_ref)
        s2_ref[...] = jnp.zeros_like(s2_ref)

    xb = x_ref[...]
    s1_ref[...] += jnp.sum(xb, axis=0, keepdims=True)
    s2_ref[...] += jnp.sum(xb * xb, axis=0, keepdims=True)


def _mlp_body(s1_ref, s2_ref, gamma_ref, beta_ref, w1_ref, b1_ref,
              w2_ref, b2_ref, w3_ref, b3_ref, x_ref, wide_ref, out_ref):
    mean = s1_ref[...] * (1.0 / B)
    var = s2_ref[...] * (1.0 / B) - mean * mean
    scale = gamma_ref[...] * lax.rsqrt(var + 1e-5)
    shift = beta_ref[...] - mean * scale
    xn = x_ref[...] * scale + shift
    h = jnp.dot(xn.astype(jnp.bfloat16), w1_ref[...],
                preferred_element_type=jnp.float32)
    h = jnp.maximum(h + b1_ref[...], 0.0)
    h = jnp.dot(h.astype(jnp.bfloat16), w2_ref[...],
                preferred_element_type=jnp.float32)
    h = jnp.maximum(h + b2_ref[...], 0.0)
    d = jnp.dot(h.astype(jnp.bfloat16), w3_ref[...],
                preferred_element_type=jnp.float32)
    d = d + b3_ref[...]
    w = jnp.sum(wide_ref[...], axis=1, keepdims=True)
    out_ref[...] = jax.nn.sigmoid(d + w)


_STATS_BLK = 2048
_MLP_BLK = 2048


@jax.jit
def kernel(inputs, wide_table, deep_table, gamma, beta, W1, b1, W2, b2, W3, b3):
    idx_flat = inputs.reshape(B * F).astype(jnp.int32)

    tail_deep = deep_table[REM0 + REM_A:, :].reshape(REM_B * E)
    deep_dense = _make_sc_format()(deep_table.T, tail_deep)
    ncs = (V + _CS_BLK - 1) // _CS_BLK
    wide_colsum = pl.pallas_call(
        _colsum_body,
        grid=(ncs,),
        in_specs=[pl.BlockSpec((E, _CS_BLK), lambda i: (0, i))],
        out_specs=pl.BlockSpec((_CS_BLK // 128, 128), lambda i: (i, 0)),
        out_shape=jax.ShapeDtypeStruct((8192, 128), jnp.float32),
    )(wide_table.T)
    deep_rows = _make_sc_gather_deep()(idx_flat, deep_dense.reshape(V, E))
    wsum = _make_sc_gather_wide()(idx_flat, wide_colsum.reshape(65536, E))
    x = deep_rows.reshape(B, D)
    wmat = wsum.reshape(B, F)

    s1, s2 = pl.pallas_call(
        _stats_body,
        grid=(B // _STATS_BLK,),
        in_specs=[pl.BlockSpec((_STATS_BLK, D), lambda i: (i, 0))],
        out_specs=[
            pl.BlockSpec((1, D), lambda i: (0, 0)),
            pl.BlockSpec((1, D), lambda i: (0, 0)),
        ],
        out_shape=[
            jax.ShapeDtypeStruct((1, D), jnp.float32),
            jax.ShapeDtypeStruct((1, D), jnp.float32),
        ],
    )(x)

    out = pl.pallas_call(
        _mlp_body,
        grid=(B // _MLP_BLK,),
        in_specs=[
            pl.BlockSpec((1, D), lambda i: (0, 0)),
            pl.BlockSpec((1, D), lambda i: (0, 0)),
            pl.BlockSpec((1, D), lambda i: (0, 0)),
            pl.BlockSpec((1, D), lambda i: (0, 0)),
            pl.BlockSpec((D, H1), lambda i: (0, 0)),
            pl.BlockSpec((1, H1), lambda i: (0, 0)),
            pl.BlockSpec((H1, H2), lambda i: (0, 0)),
            pl.BlockSpec((1, H2), lambda i: (0, 0)),
            pl.BlockSpec((H2, 1), lambda i: (0, 0)),
            pl.BlockSpec((1, 1), lambda i: (0, 0)),
            pl.BlockSpec((_MLP_BLK, D), lambda i: (i, 0)),
            pl.BlockSpec((_MLP_BLK, F), lambda i: (i, 0)),
        ],
        out_specs=pl.BlockSpec((_MLP_BLK, 1), lambda i: (i, 0)),
        out_shape=jax.ShapeDtypeStruct((B, 1), jnp.float32),
    )(
        s1, s2,
        gamma.reshape(1, D), beta.reshape(1, D),
        W1.astype(jnp.bfloat16), b1.reshape(1, H1),
        W2.astype(jnp.bfloat16), b2.reshape(1, H2),
        W3.astype(jnp.bfloat16), b3.reshape(1, 1),
        x, wmat,
    )
    return out

# --- scband reference (transcript-rebuilt; emitter-appended) ---
"""Pipeline reference for scband-wide-and-deep-module-25512105739111 (READ-ONLY COPY).

The authoritative reference and input builder live on the scoring server;
editing this copy changes nothing except your own understanding.
"""

import jax, jax.numpy as jnp
import numpy as np

B = 16384
F = 26
V = 1000000
E = 16
D = F * E
H1 = 1024
H2 = 512


def setup_inputs(seed: int = 0) -> dict:
    key = jax.random.key(seed)
    ks = jax.random.split(key, 12)
    inputs = jax.random.randint(ks[0], (B, F), 0, V, dtype=jnp.int64) if jax.config.read('jax_enable_x64') else jax.random.randint(ks[0], (B, F), 0, V, dtype=jnp.int32)
    wide_table = jax.random.normal(ks[1], (V, E), dtype=jnp.float32) * 0.1
    deep_table = jax.random.normal(ks[2], (V, E), dtype=jnp.float32) * 0.1
    gamma = jnp.ones((D,), dtype=jnp.float32)
    beta = jnp.zeros((D,), dtype=jnp.float32)
    W1 = jax.random.normal(ks[3], (D, H1), dtype=jnp.float32) * 0.05
    b1 = jnp.zeros((H1,), dtype=jnp.float32)
    W2 = jax.random.normal(ks[4], (H1, H2), dtype=jnp.float32) * 0.05
    b2 = jnp.zeros((H2,), dtype=jnp.float32)
    W3 = jax.random.normal(ks[5], (H2, 1), dtype=jnp.float32) * 0.05
    b3 = jnp.zeros((1,), dtype=jnp.float32)
    return {
        'inputs': inputs,
        'wide_table': wide_table,
        'deep_table': deep_table,
        'gamma': gamma,
        'beta': beta,
        'W1': W1, 'b1': b1,
        'W2': W2, 'b2': b2,
        'W3': W3, 'b3': b3,
    }


def reference(inputs, wide_table, deep_table, gamma, beta, W1, b1, W2, b2, W3, b3):
    # Wide path: EmbeddingSumConcat -> [B, F*E], then sum over dim 1 keepdim
    wide_emb = jnp.take(wide_table, inputs, axis=0)  # [B, F, E]
    wide_concat = wide_emb.reshape(B, F * E)
    wide_out = jnp.sum(wide_concat, axis=1, keepdims=True)  # [B, 1]

    # Deep sparse path: EmbeddingSumConcat -> [B, F*E]
    deep_emb = jnp.take(deep_table, inputs, axis=0)  # [B, F, E]
    x = deep_emb.reshape(B, F * E)

    # Normalization (batch-norm style over batch dim)
    mean = jnp.mean(x, axis=0, keepdims=True)
    var = jnp.var(x, axis=0, keepdims=True)
    x = (x - mean) / jnp.sqrt(var + 1e-5) * gamma + beta

    # Deep dense MLP: Linear(D,1024) ReLU Linear(1024,512) ReLU Linear(512,1)
    x = jax.nn.relu(x @ W1 + b1)
    x = jax.nn.relu(x @ W2 + b2)
    deep_out = x @ W3 + b3  # [B, 1]

    return jax.nn.sigmoid(wide_out + deep_out)

if __name__ == "__main__":
    import jax
    _d = setup_inputs()
    print(jax.jit(kernel)(*tuple(_d.values())))

</pallas_src>

<mosaic_0001>
#map = affine_map<(d0, d1) -> (0)>
#map1 = affine_map<(d0, d1) -> (0, 0)>
module attributes {stable_mosaic.version = 14 : i64} {
  func.func @_sc_gather_deep(%arg0: i32, %arg1: i32, %arg2: memref<425984xi32, #tpu.memory_space<hbm>>, %arg3: memref<1000000x16xf32, #tpu.memory_space<hbm>>, %arg4: memref<425984x16xf32, #tpu.memory_space<hbm>>, %arg5: memref<6656xi32, #tpu.memory_space<vmem>>, %arg6: memref<6656x16xf32, #tpu.memory_space<vmem>>, %arg7: memref<!tpu.dma_semaphore, #tpu.memory_space<semaphore_mem>>, %arg8: memref<!tpu.dma_semaphore, #tpu.memory_space<semaphore_mem>>) attributes {dimension_semantics = [#tpu.dimension_semantics<core_parallel>, #tpu.dimension_semantics<subcore_parallel>], iteration_bounds = array<i64: 2, 16>, scalar_prefetch = 0 : i64, scratch_operands = 4 : i64, tpu.core_type = #tpu.core_type<sc_vector_subcore>, window_params = [{transform_indices = #map}, {transform_indices = #map1}, {transform_indices = #map1}]} {
    %mul3A = arith.constant 2 : i32
    %mul3A_0 = arith.muli %arg1, %mul3A : i32
    %add3A = arith.addi %mul3A_0, %arg0 : i32
    %mul3A_1 = arith.constant 13312 : i32
    %mul3A_2 = arith.muli %add3A, %mul3A_1 : i32
    "tpu.region"() ({
      %run_scoped3A = tpu.sem_alloc : memref<!tpu.dma_semaphore, #tpu.memory_space<semaphore_mem>>
      %dma_start3A_27 = tpu.memref_slice %arg2[%mul3A_2] : memref<425984xi32, #tpu.memory_space<hbm>> -> memref<6656xi32, #tpu.memory_space<hbm>>
      %dma_start3A_28 = tpu.memref_slice %arg2[%mul3A_2] : memref<425984xi32, #tpu.memory_space<hbm>> -> memref<6656xi32, #tpu.memory_space<hbm>>
      tpu.enqueue_dma source(%dma_start3A_28 : memref<6656xi32, #tpu.memory_space<hbm>>) target(%arg5 : memref<6656xi32, #tpu.memory_space<vmem>>) target_semaphore(%run_scoped3A : memref<!tpu.dma_semaphore, #tpu.memory_space<semaphore_mem>>)
      %dma_wait3A_29 = tpu.memref_slice %arg2[%mul3A_2] : memref<425984xi32, #tpu.memory_space<hbm>> -> memref<6656xi32, #tpu.memory_space<hbm>>
      %dma_wait3A_30 = tpu.memref_slice %arg2[%mul3A_2] : memref<425984xi32, #tpu.memory_space<hbm>> -> memref<6656xi32, #tpu.memory_space<hbm>>
      tpu.wait_dma2 semaphore(%run_scoped3A : memref<!tpu.dma_semaphore, #tpu.memory_space<semaphore_mem>>) src(%dma_wait3A_30 : memref<6656xi32, #tpu.memory_space<hbm>>) dst(%arg5 : memref<6656xi32, #tpu.memory_space<vmem>>)
      tpu.yield
    }) : () -> ()
    %dma_start3A = arith.constant 0 : i32
    %dma_start3A_3 = arith.constant 0 : i32
    %dma_start3A_4 = tpu.memref_slice %arg3[%dma_start3A, %dma_start3A_3] : memref<1000000x16xf32, #tpu.memory_space<hbm>> -> memref<1000000x16xf32, #tpu.memory_space<hbm>>
    tpu.enqueue_indirect_dma source(%dma_start3A_4 : memref<1000000x16xf32, #tpu.memory_space<hbm>>) target(%arg6 : memref<6656x16xf32, #tpu.memory_space<vmem>>) offsets(%arg5 : memref<6656xi32, #tpu.memory_space<vmem>>) semaphore(%arg7 : memref<!tpu.dma_semaphore, #tpu.memory_space<semaphore_mem>>)
    %dma_wait3A = arith.constant 0 : i32
    %dma_wait3A_5 = arith.constant 0 : i32
    %dma_wait3A_6 = tpu.memref_slice %arg3[%dma_wait3A, %dma_wait3A_5] : memref<1000000x16xf32, #tpu.memory_space<hbm>> -> memref<1000000x16xf32, #tpu.memory_space<hbm>>
    tpu.wait_indirect_dma semaphore(%arg7 : memref<!tpu.dma_semaphore, #tpu.memory_space<semaphore_mem>>) src(%dma_wait3A_6 : memref<1000000x16xf32, #tpu.memory_space<hbm>>) dst(%arg6 : memref<6656x16xf32, #tpu.memory_space<vmem>>)
    %dma_start3A_7 = arith.constant 0 : i32
    %dma_start3A_8 = tpu.memref_slice %arg4[%mul3A_2, %dma_start3A_7] : memref<425984x16xf32, #tpu.memory_space<hbm>> -> memref<6656x16xf32, #tpu.memory_space<hbm>>
    %dma_start3A_9 = arith.constant 0 : i32
    %dma_start3A_10 = tpu.memref_slice %arg4[%mul3A_2, %dma_start3A_9] : memref<425984x16xf32, #tpu.memory_space<hbm>> -> memref<6656x16xf32, #tpu.memory_space<hbm>>
    tpu.enqueue_dma source(%arg6 : memref<6656x16xf32, #tpu.memory_space<vmem>>) target(%dma_start3A_10 : memref<6656x16xf32, #tpu.memory_space<hbm>>) target_semaphore(%arg8 : memref<!tpu.dma_semaphore, #tpu.memory_space<semaphore_mem>>)
    %add3A_11 = arith.constant 6656 : i32
    %add3A_12 = arith.addi %mul3A_2, %add3A_11 : i32
    "tpu.region"() ({
      %run_scoped3A = tpu.sem_alloc : memref<!tpu.dma_semaphore, #tpu.memory_space<semaphore_mem>>
      %dma_start3A_27 = tpu.memref_slice %arg2[%add3A_12] : memref<425984xi32, #tpu.memory_space<hbm>> -> memref<6656xi32, #tpu.memory_space<hbm>>
      %dma_start3A_28 = tpu.memref_slice %arg2[%add3A_12] : memref<425984xi32, #tpu.memory_space<hbm>> -> memref<6656xi32, #tpu.memory_space<hbm>>
      tpu.enqueue_dma source(%dma_start3A_28 : memref<6656xi32, #tpu.memory_space<hbm>>) target(%arg5 : memref<6656xi32, #tpu.memory_space<vmem>>) target_semaphore(%run_scoped3A : memref<!tpu.dma_semaphore, #tpu.memory_space<semaphore_mem>>)
      %dma_wait3A_29 = tpu.memref_slice %arg2[%add3A_12] : memref<425984xi32, #tpu.memory_space<hbm>> -> memref<6656xi32, #tpu.memory_space<hbm>>
      %dma_wait3A_30 = tpu.memref_slice %arg2[%add3A_12] : memref<425984xi32, #tpu.memory_space<hbm>> -> memref<6656xi32, #tpu.memory_space<hbm>>
      tpu.wait_dma2 semaphore(%run_scoped3A : memref<!tpu.dma_semaphore, #tpu.memory_space<semaphore_mem>>) src(%dma_wait3A_30 : memref<6656xi32, #tpu.memory_space<hbm>>) dst(%arg5 : memref<6656xi32, #tpu.memory_space<vmem>>)
      tpu.yield
    }) : () -> ()
    %dma_wait3A_13 = arith.constant 0 : i32
    %dma_wait3A_14 = arith.constant 0 : i32
    %dma_wait3A_15 = tpu.memref_slice %arg4[%dma_wait3A_13, %dma_wait3A_14] : memref<425984x16xf32, #tpu.memory_space<hbm>> -> memref<6656x16xf32, #tpu.memory_space<hbm>>
    %dma_wait3A_16 = arith.constant 0 : i32
    %dma_wait3A_17 = arith.constant 0 : i32
    %dma_wait3A_18 = tpu.memref_slice %arg4[%dma_wait3A_16, %dma_wait3A_17] : memref<425984x16xf32, #tpu.memory_space<hbm>> -> memref<6656x16xf32, #tpu.memory_space<hbm>>
    tpu.wait_dma2 semaphore(%arg8 : memref<!tpu.dma_semaphore, #tpu.memory_space<semaphore_mem>>) src(%arg6 : memref<6656x16xf32, #tpu.memory_space<vmem>>) dst(%dma_wait3A_18 : memref<6656x16xf32, #tpu.memory_space<hbm>>)
    %dma_start3A_19 = arith.constant 0 : i32
    %dma_start3A_20 = arith.constant 0 : i32
    %dma_start3A_21 = tpu.memref_slice %arg3[%dma_start3A_19, %dma_start3A_20] : memref<1000000x16xf32, #tpu.memory_space<hbm>> -> memref<1000000x16xf32, #tpu.memory_space<hbm>>
    tpu.enqueue_indirect_dma source(%dma_start3A_21 : memref<1000000x16xf32, #tpu.memory_space<hbm>>) target(%arg6 : memref<6656x16xf32, #tpu.memory_space<vmem>>) offsets(%arg5 : memref<6656xi32, #tpu.memory_space<vmem>>) semaphore(%arg7 : memref<!tpu.dma_semaphore, #tpu.memory_space<semaphore_mem>>)
    %dma_wait3A_22 = arith.constant 0 : i32
    %dma_wait3A_23 = arith.constant 0 : i32
    %dma_wait3A_24 = tpu.memref_slice %arg3[%dma_wait3A_22, %dma_wait3A_23] : memref<1000000x16xf32, #tpu.memory_space<hbm>> -> memref<1000000x16xf32, #tpu.memory_space<hbm>>
    tpu.wait_indirect_dma semaphore(%arg7 : memref<!tpu.dma_semaphore, #tpu.memory_space<semaphore_mem>>) src(%dma_wait3A_24 : memref<1000000x16xf32, #tpu.memory_space<hbm>>) dst(%arg6 : memref<6656x16xf32, #tpu.memory_space<vmem>>)
    %add3A_25 = arith.constant 6656 : i32
    %add3A_26 = arith.addi %mul3A_2, %add3A_25 : i32
    "tpu.region"() ({
      %run_scoped3A = tpu.sem_alloc : memref<!tpu.dma_semaphore, #tpu.memory_space<semaphore_mem>>
      %dma_start3A_27 = arith.constant 0 : i32
      %dma_start3A_28 = tpu.memref_slice %arg4[%add3A_26, %dma_start3A_27] : memref<425984x16xf32, #tpu.memory_space<hbm>> -> memref<6656x16xf32, #tpu.memory_space<hbm>>
      %dma_start3A_29 = arith.constant 0 : i32
      %dma_start3A_30 = tpu.memref_slice %arg4[%add3A_26, %dma_start3A_29] : memref<425984x16xf32, #tpu.memory_space<hbm>> -> memref<6656x16xf32, #tpu.memory_space<hbm>>
      tpu.enqueue_dma source(%arg6 : memref<6656x16xf32, #tpu.memory_space<vmem>>) target(%dma_start3A_30 : memref<6656x16xf32, #tpu.memory_space<hbm>>) target_semaphore(%run_scoped3A : memref<!tpu.dma_semaphore, #tpu.memory_space<semaphore_mem>>)
      %dma_wait3A_31 = arith.constant 0 : i32
      %dma_wait3A_32 = tpu.memref_slice %arg4[%add3A_26, %dma_wait3A_31] : memref<425984x16xf32, #tpu.memory_space<hbm>> -> memref<6656x16xf32, #tpu.memory_space<hbm>>
      %dma_wait3A_33 = arith.constant 0 : i32
      %dma_wait3A_34 = tpu.memref_slice %arg4[%add3A_26, %dma_wait3A_33] : memref<425984x16xf32, #tpu.memory_space<hbm>> -> memref<6656x16xf32, #tpu.memory_space<hbm>>
      tpu.wait_dma2 semaphore(%run_scoped3A : memref<!tpu.dma_semaphore, #tpu.memory_space<semaphore_mem>>) src(%arg6 : memref<6656x16xf32, #tpu.memory_space<vmem>>) dst(%dma_wait3A_34 : memref<6656x16xf32, #tpu.memory_space<hbm>>)
      tpu.yield
    }) : () -> ()
    return
  }
}

#map = affine_map<(d0, d1) -> (0)>
#map1 = affine_map<(d0, d1) -> (0, 0)>
module attributes {stable_mosaic.version = 14 : i64} {
  func.func @_sc_gather_wide(%arg0: i32, %arg1: i32, %arg2: memref<425984xi32, #tpu.memory_space<hbm>>, %arg3: memref<65536x16xf32, #tpu.memory_space<hbm>>, %arg4: memref<425984xf32, #tpu.memory_space<hbm>>, %arg5: memref<3328xi32, #tpu.memory_space<vmem>>, %arg6: memref<3328xi32, #tpu.memory_space<vmem>>, %arg7: memref<3328xi32, #tpu.memory_space<vmem>>, %arg8: memref<3328xi32, #tpu.memory_space<vmem>>, %arg9: memref<3328x16xf32, #tpu.memory_space<vmem>>, %arg10: memref<3328x16xf32, #tpu.memory_space<vmem>>, %arg11: memref<3328xf32, #tpu.memory_space<vmem>>, %arg12: memref<!tpu.dma_semaphore, #tpu.memory_space<semaphore_mem>>, %arg13: memref<!tpu.dma_semaphore, #tpu.memory_space<semaphore_mem>>) attributes {dimension_semantics = [#tpu.dimension_semantics<core_parallel>, #tpu.dimension_semantics<subcore_parallel>], iteration_bounds = array<i64: 2, 16>, scalar_prefetch = 0 : i64, scratch_operands = 9 : i64, tpu.core_type = #tpu.core_type<sc_vector_subcore>, window_params = [{transform_indices = #map}, {transform_indices = #map1}, {transform_indices = #map}]} {
    %mul3A = arith.constant 2 : i32
    %mul3A_0 = arith.muli %arg1, %mul3A : i32
    %add3A = arith.addi %mul3A_0, %arg0 : i32
    %mul3A_1 = arith.constant 13312 : i32
    %mul3A_2 = arith.muli %add3A, %mul3A_1 : i32
    %iota3A = tpu.iota {dimensions = array<i32: 0>} : vector<16xi32>
    %add3A_3 = arith.constant 0 : i32
    %add3A_4 = arith.addi %mul3A_2, %add3A_3 : i32
    "tpu.region"() ({
      %run_scoped3A = tpu.sem_alloc : memref<!tpu.dma_semaphore, #tpu.memory_space<semaphore_mem>>
      %dma_start3A_88 = tpu.memref_slice %arg2[%add3A_4] : memref<425984xi32, #tpu.memory_space<hbm>> -> memref<3328xi32, #tpu.memory_space<hbm>>
      %dma_start3A_89 = tpu.memref_slice %arg2[%add3A_4] : memref<425984xi32, #tpu.memory_space<hbm>> -> memref<3328xi32, #tpu.memory_space<hbm>>
      tpu.enqueue_dma source(%dma_start3A_89 : memref<3328xi32, #tpu.memory_space<hbm>>) target(%arg5 : memref<3328xi32, #tpu.memory_space<vmem>>) target_semaphore(%run_scoped3A : memref<!tpu.dma_semaphore, #tpu.memory_space<semaphore_mem>>)
      %dma_wait3A_90 = tpu.memref_slice %arg2[%add3A_4] : memref<425984xi32, #tpu.memory_space<hbm>> -> memref<3328xi32, #tpu.memory_space<hbm>>
      %dma_wait3A_91 = tpu.memref_slice %arg2[%add3A_4] : memref<425984xi32, #tpu.memory_space<hbm>> -> memref<3328xi32, #tpu.memory_space<hbm>>
      tpu.wait_dma2 semaphore(%run_scoped3A : memref<!tpu.dma_semaphore, #tpu.memory_space<semaphore_mem>>) src(%dma_wait3A_91 : memref<3328xi32, #tpu.memory_space<hbm>>) dst(%arg5 : memref<3328xi32, #tpu.memory_space<vmem>>)
      tpu.yield
    }) : () -> ()
    %scan3A = arith.constant 0 : i32
    %scan3A_5 = arith.constant 0 : i32
    %scan3A_6 = arith.constant 208 : i32
    %scan3A_7 = arith.addi %scan3A_5, %scan3A_6 : i32
    %scan3A_8 = arith.constant 1 : i32
    scf.for %scan3A_88 = %scan3A_5 to %scan3A_7 step %scan3A_8  : i32 {
      %mul3A_89 = arith.constant 16 : i32
      %mul3A_90 = arith.muli %scan3A_88, %mul3A_89 : i32
      %get3A = arith.index_cast %mul3A_90 : i32 to index
      %get3A_91 = tpu.vector_load %arg5[%get3A] {strides = array<i32>} : memref<3328xi32, #tpu.memory_space<vmem>>, vector<16xi32>,
      %shift_right_logical3A = arith.constant 4 : i32
      %shift_right_logical3A_92 = vector.broadcast %shift_right_logical3A : i32 to vector<16xi32>
      %shift_right_logical3A_93 = arith.shrui %get3A_91, %shift_right_logical3A_92 : vector<16xi32>
      %mul3A_94 = arith.constant 16 : i32
      %mul3A_95 = arith.muli %scan3A_88, %mul3A_94 : i32
      %swap3A = arith.index_cast %mul3A_95 : i32 to index
      %swap3A_96 = tpu.vector_load %arg7[%swap3A] {strides = array<i32>} : memref<3328xi32, #tpu.memory_space<vmem>>, vector<16xi32>,
      tpu.vector_store %arg7[%swap3A], %shift_right_logical3A_93 {strides = array<i32>} : memref<3328xi32, #tpu.memory_space<vmem>>, vector<16xi32>,
    }
    %scan3A_9 = arith.constant 208 : i32
    %dma_start3A = arith.constant 0 : i32
    %dma_start3A_10 = arith.constant 0 : i32
    %dma_start3A_11 = tpu.memref_slice %arg3[%dma_start3A, %dma_start3A_10] : memref<65536x16xf32, #tpu.memory_space<hbm>> -> memref<65536x16xf32, #tpu.memory_space<hbm>>
    tpu.enqueue_indirect_dma source(%dma_start3A_11 : memref<65536x16xf32, #tpu.memory_space<hbm>>) target(%arg9 : memref<3328x16xf32, #tpu.memory_space<vmem>>) offsets(%arg7 : memref<3328xi32, #tpu.memory_space<vmem>>) semaphore(%arg12 : memref<!tpu.dma_semaphore, #tpu.memory_space<semaphore_mem>>)
    %add3A_12 = arith.constant 3328 : i32
    %add3A_13 = arith.addi %mul3A_2, %add3A_12 : i32
    "tpu.region"() ({
      %run_scoped3A = tpu.sem_alloc : memref<!tpu.dma_semaphore, #tpu.memory_space<semaphore_mem>>
      %dma_start3A_88 = tpu.memref_slice %arg2[%add3A_13] : memref<425984xi32, #tpu.memory_space<hbm>> -> memref<3328xi32, #tpu.memory_space<hbm>>
      %dma_start3A_89 = tpu.memref_slice %arg2[%add3A_13] : memref<425984xi32, #tpu.memory_space<hbm>> -> memref<3328xi32, #tpu.memory_space<hbm>>
      tpu.enqueue_dma source(%dma_start3A_89 : memref<3328xi32, #tpu.memory_space<hbm>>) target(%arg6 : memref<3328xi32, #tpu.memory_space<vmem>>) target_semaphore(%run_scoped3A : memref<!tpu.dma_semaphore, #tpu.memory_space<semaphore_mem>>)
      %dma_wait3A_90 = tpu.memref_slice %arg2[%add3A_13] : memref<425984xi32, #tpu.memory_space<hbm>> -> memref<3328xi32, #tpu.memory_space<hbm>>
      %dma_wait3A_91 = tpu.memref_slice %arg2[%add3A_13] : memref<425984xi32, #tpu.memory_space<hbm>> -> memref<3328xi32, #tpu.memory_space<hbm>>
      tpu.wait_dma2 semaphore(%run_scoped3A : memref<!tpu.dma_semaphore, #tpu.memory_space<semaphore_mem>>) src(%dma_wait3A_91 : memref<3328xi32, #tpu.memory_space<hbm>>) dst(%arg6 : memref<3328xi32, #tpu.memory_space<vmem>>)
      tpu.yield
    }) : () -> ()
    %scan3A_14 = arith.constant 0 : i32
    %scan3A_15 = arith.constant 0 : i32
    %scan3A_16 = arith.constant 208 : i32
    %scan3A_17 = arith.addi %scan3A_15, %scan3A_16 : i32
    %scan3A_18 = arith.constant 1 : i32
    scf.for %scan3A_88 = %scan3A_15 to %scan3A_17 step %scan3A_18  : i32 {
      %mul3A_89 = arith.constant 16 : i32
      %mul3A_90 = arith.muli %scan3A_88, %mul3A_89 : i32
      %get3A = arith.index_cast %mul3A_90 : i32 to index
      %get3A_91 = tpu.vector_load %arg6[%get3A] {strides = array<i32>} : memref<3328xi32, #tpu.memory_space<vmem>>, vector<16xi32>,
      %shift_right_logical3A = arith.constant 4 : i32
      %shift_right_logical3A_92 = vector.broadcast %shift_right_logical3A : i32 to vector<16xi32>
      %shift_right_logical3A_93 = arith.shrui %get3A_91, %shift_right_logical3A_92 : vector<16xi32>
      %mul3A_94 = arith.constant 16 : i32
      %mul3A_95 = arith.muli %scan3A_88, %mul3A_94 : i32
      %swap3A = arith.index_cast %mul3A_95 : i32 to index
      %swap3A_96 = tpu.vector_load %arg8[%swap3A] {strides = array<i32>} : memref<3328xi32, #tpu.memory_space<vmem>>, vector<16xi32>,
      tpu.vector_store %arg8[%swap3A], %shift_right_logical3A_93 {strides = array<i32>} : memref<3328xi32, #tpu.memory_space<vmem>>, vector<16xi32>,
    }
    %scan3A_19 = arith.constant 208 : i32
    %dma_start3A_20 = arith.constant 0 : i32
    %dma_start3A_21 = arith.constant 0 : i32
    %dma_start3A_22 = tpu.memref_slice %arg3[%dma_start3A_20, %dma_start3A_21] : memref<65536x16xf32, #tpu.memory_space<hbm>> -> memref<65536x16xf32, #tpu.memory_space<hbm>>
    tpu.enqueue_indirect_dma source(%dma_start3A_22 : memref<65536x16xf32, #tpu.memory_space<hbm>>) target(%arg10 : memref<3328x16xf32, #tpu.memory_space<vmem>>) offsets(%arg8 : memref<3328xi32, #tpu.memory_space<vmem>>) semaphore(%arg13 : memref<!tpu.dma_semaphore, #tpu.memory_space<semaphore_mem>>)
    %add3A_23 = arith.constant 0 : i32
    %add3A_24 = arith.addi %mul3A_2, %add3A_23 : i32
    %dma_wait3A = arith.constant 0 : i32
    %dma_wait3A_25 = arith.constant 0 : i32
    %dma_wait3A_26 = tpu.memref_slice %arg3[%dma_wait3A, %dma_wait3A_25] : memref<65536x16xf32, #tpu.memory_space<hbm>> -> memref<65536x16xf32, #tpu.memory_space<hbm>>
    tpu.wait_indirect_dma semaphore(%arg12 : memref<!tpu.dma_semaphore, #tpu.memory_space<semaphore_mem>>) src(%dma_wait3A_26 : memref<65536x16xf32, #tpu.memory_space<hbm>>) dst(%arg9 : memref<3328x16xf32, #tpu.memory_space<vmem>>)
    %scan3A_27 = arith.constant 0 : i32
    %scan3A_28 = arith.constant 0 : i32
    %scan3A_29 = arith.constant 208 : i32
    %scan3A_30 = arith.addi %scan3A_28, %scan3A_29 : i32
    %scan3A_31 = arith.constant 1 : i32
    scf.for %scan3A_88 = %scan3A_28 to %scan3A_30 step %scan3A_31  : i32 {
      %mul3A_89 = arith.constant 16 : i32
      %mul3A_90 = arith.muli %scan3A_88, %mul3A_89 : i32
      %add3A_91 = vector.broadcast %mul3A_90 : i32 to vector<16xi32>
      %add3A_92 = arith.addi %iota3A, %add3A_91 : vector<16xi32>
      %mul3A_93 = arith.constant 16 : i32
      %mul3A_94 = arith.muli %scan3A_88, %mul3A_93 : i32
      %get3A = arith.index_cast %mul3A_94 : i32 to index
      %get3A_95 = tpu.vector_load %arg5[%get3A] {strides = array<i32>} : memref<3328xi32, #tpu.memory_space<vmem>>, vector<16xi32>,
      %and3A = arith.constant 15 : i32
      %and3A_96 = vector.broadcast %and3A : i32 to vector<16xi32>
      %and3A_97 = arith.andi %get3A_95, %and3A_96 : vector<16xi32>
      %gather3A = tpu.vector_load_idx %arg9[%add3A_92, %and3A_97] : memref<3328x16xf32, #tpu.memory_space<vmem>>[vector<16xi32>, vector<16xi32>], vector<16xf32>,
      %mul3A_98 = arith.constant 16 : i32
      %mul3A_99 = arith.muli %scan3A_88, %mul3A_98 : i32
      %swap3A = arith.index_cast %mul3A_99 : i32 to index
      %swap3A_100 = tpu.vector_load %arg11[%swap3A] {strides = array<i32>} : memref<3328xf32, #tpu.memory_space<vmem>>, vector<16xf32>,
      tpu.vector_store %arg11[%swap3A], %gather3A {strides = array<i32>} : memref<3328xf32, #tpu.memory_space<vmem>>, vector<16xf32>,
    }
    %scan3A_32 = arith.constant 208 : i32
    "tpu.region"() ({
      %run_scoped3A = tpu.sem_alloc : memref<!tpu.dma_semaphore, #tpu.memory_space<semaphore_mem>>
      %dma_start3A_88 = tpu.memref_slice %arg4[%add3A_24] : memref<425984xf32, #tpu.memory_space<hbm>> -> memref<3328xf32, #tpu.memory_space<hbm>>
      %dma_start3A_89 = tpu.memref_slice %arg4[%add3A_24] : memref<425984xf32, #tpu.memory_space<hbm>> -> memref<3328xf32, #tpu.memory_space<hbm>>
      tpu.enqueue_dma source(%arg11 : memref<3328xf32, #tpu.memory_space<vmem>>) target(%dma_start3A_89 : memref<3328xf32, #tpu.memory_space<hbm>>) target_semaphore(%run_scoped3A : memref<!tpu.dma_semaphore, #tpu.memory_space<semaphore_mem>>)
      %dma_wait3A_90 = tpu.memref_slice %arg4[%add3A_24] : memref<425984xf32, #tpu.memory_space<hbm>> -> memref<3328xf32, #tpu.memory_space<hbm>>
      %dma_wait3A_91 = tpu.memref_slice %arg4[%add3A_24] : memref<425984xf32, #tpu.memory_space<hbm>> -> memref<3328xf32, #tpu.memory_space<hbm>>
      tpu.wait_dma2 semaphore(%run_scoped3A : memref<!tpu.dma_semaphore, #tpu.memory_space<semaphore_mem>>) src(%arg11 : memref<3328xf32, #tpu.memory_space<vmem>>) dst(%dma_wait3A_91 : memref<3328xf32, #tpu.memory_space<hbm>>)
      tpu.yield
    }) : () -> ()
    %add3A_33 = arith.constant 6656 : i32
    %add3A_34 = arith.addi %mul3A_2, %add3A_33 : i32
    "tpu.region"() ({
      %run_scoped3A = tpu.sem_alloc : memref<!tpu.dma_semaphore, #tpu.memory_space<semaphore_mem>>
      %dma_start3A_88 = tpu.memref_slice %arg2[%add3A_34] : memref<425984xi32, #tpu.memory_space<hbm>> -> memref<3328xi32, #tpu.memory_space<hbm>>
      %dma_start3A_89 = tpu.memref_slice %arg2[%add3A_34] : memref<425984xi32, #tpu.memory_space<hbm>> -> memref<3328xi32, #tpu.memory_space<hbm>>
      tpu.enqueue_dma source(%dma_start3A_89 : memref<3328xi32, #tpu.memory_space<hbm>>) target(%arg5 : memref<3328xi32, #tpu.memory_space<vmem>>) target_semaphore(%run_scoped3A : memref<!tpu.dma_semaphore, #tpu.memory_space<semaphore_mem>>)
      %dma_wait3A_90 = tpu.memref_slice %arg2[%add3A_34] : memref<425984xi32, #tpu.memory_space<hbm>> -> memref<3328xi32, #tpu.memory_space<hbm>>
      %dma_wait3A_91 = tpu.memref_slice %arg2[%add3A_34] : memref<425984xi32, #tpu.memory_space<hbm>> -> memref<3328xi32, #tpu.memory_space<hbm>>
      tpu.wait_dma2 semaphore(%run_scoped3A : memref<!tpu.dma_semaphore, #tpu.memory_space<semaphore_mem>>) src(%dma_wait3A_91 : memref<3328xi32, #tpu.memory_space<hbm>>) dst(%arg5 : memref<3328xi32, #tpu.memory_space<vmem>>)
      tpu.yield
    }) : () -> ()
    %scan3A_35 = arith.constant 0 : i32
    %scan3A_36 = arith.constant 0 : i32
    %scan3A_37 = arith.constant 208 : i32
    %scan3A_38 = arith.addi %scan3A_36, %scan3A_37 : i32
    %scan3A_39 = arith.constant 1 : i32
    scf.for %scan3A_88 = %scan3A_36 to %scan3A_38 step %scan3A_39  : i32 {
      %mul3A_89 = arith.constant 16 : i32
      %mul3A_90 = arith.muli %scan3A_88, %mul3A_89 : i32
      %get3A = arith.index_cast %mul3A_90 : i32 to index
      %get3A_91 = tpu.vector_load %arg5[%get3A] {strides = array<i32>} : memref<3328xi32, #tpu.memory_space<vmem>>, vector<16xi32>,
      %shift_right_logical3A = arith.constant 4 : i32
      %shift_right_logical3A_92 = vector.broadcast %shift_right_logical3A : i32 to vector<16xi32>
      %shift_right_logical3A_93 = arith.shrui %get3A_91, %shift_right_logical3A_92 : vector<16xi32>
      %mul3A_94 = arith.constant 16 : i32
      %mul3A_95 = arith.muli %scan3A_88, %mul3A_94 : i32
      %swap3A = arith.index_cast %mul3A_95 : i32 to index
      %swap3A_96 = tpu.vector_load %arg7[%swap3A] {strides = array<i32>} : memref<3328xi32, #tpu.memory_space<vmem>>, vector<16xi32>,
      tpu.vector_store %arg7[%swap3A], %shift_right_logical3A_93 {strides = array<i32>} : memref<3328xi32, #tpu.memory_space<vmem>>, vector<16xi32>,
    }
    %scan3A_40 = arith.constant 208 : i32
    %dma_start3A_41 = arith.constant 0 : i32
    %dma_start3A_42 = arith.constant 0 : i32
    %dma_start3A_43 = tpu.memref_slice %arg3[%dma_start3A_41, %dma_start3A_42] : memref<65536x16xf32, #tpu.memory_space<hbm>> -> memref<65536x16xf32, #tpu.memory_space<hbm>>
    tpu.enqueue_indirect_dma source(%dma_start3A_43 : memref<65536x16xf32, #tpu.memory_space<hbm>>) target(%arg9 : memref<3328x16xf32, #tpu.memory_space<vmem>>) offsets(%arg7 : memref<3328xi32, #tpu.memory_space<vmem>>) semaphore(%arg12 : memref<!tpu.dma_semaphore, #tpu.memory_space<semaphore_mem>>)
    %add3A_44 = arith.constant 3328 : i32
    %add3A_45 = arith.addi %mul3A_2, %add3A_44 : i32
    %dma_wait3A_46 = arith.constant 0 : i32
    %dma_wait3A_47 = arith.constant 0 : i32
    %dma_wait3A_48 = tpu.memref_slice %arg3[%dma_wait3A_46, %dma_wait3A_47] : memref<65536x16xf32, #tpu.memory_space<hbm>> -> memref<65536x16xf32, #tpu.memory_space<hbm>>
    tpu.wait_indirect_dma semaphore(%arg13 : memref<!tpu.dma_semaphore, #tpu.memory_space<semaphore_mem>>) src(%dma_wait3A_48 : memref<65536x16xf32, #tpu.memory_space<hbm>>) dst(%arg10 : memref<3328x16xf32, #tpu.memory_space<vmem>>)
    %scan3A_49 = arith.constant 0 : i32
    %scan3A_50 = arith.constant 0 : i32
    %scan3A_51 = arith.constant 208 : i32
    %scan3A_52 = arith.addi %scan3A_50, %scan3A_51 : i32
    %scan3A_53 = arith.constant 1 : i32
    scf.for %scan3A_88 = %scan3A_50 to %scan3A_52 step %scan3A_53  : i32 {
      %mul3A_89 = arith.constant 16 : i32
      %mul3A_90 = arith.muli %scan3A_88, %mul3A_89 : i32
      %add3A_91 = vector.broadcast %mul3A_90 : i32 to vector<16xi32>
      %add3A_92 = arith.addi %iota3A, %add3A_91 : vector<16xi32>
      %mul3A_93 = arith.constant 16 : i32
      %mul3A_94 = arith.muli %scan3A_88, %mul3A_93 : i32
      %get3A = arith.index_cast %mul3A_94 : i32 to index
      %get3A_95 = tpu.vector_load %arg6[%get3A] {strides = array<i32>} : memref<3328xi32, #tpu.memory_space<vmem>>, vector<16xi32>,
      %and3A = arith.constant 15 : i32
      %and3A_96 = vector.broadcast %and3A : i32 to vector<16xi32>
      %and3A_97 = arith.andi %get3A_95, %and3A_96 : vector<16xi32>
      %gather3A = tpu.vector_load_idx %arg10[%add3A_92, %and3A_97] : memref<3328x16xf32, #tpu.memory_space<vmem>>[vector<16xi32>, vector<16xi32>], vector<16xf32>,
      %mul3A_98 = arith.constant 16 : i32
      %mul3A_99 = arith.muli %scan3A_88, %mul3A_98 : i32
      %swap3A = arith.index_cast %mul3A_99 : i32 to index
      %swap3A_100 = tpu.vector_load %arg11[%swap3A] {strides = array<i32>} : memref<3328xf32, #tpu.memory_space<vmem>>, vector<16xf32>,
      tpu.vector_store %arg11[%swap3A], %gather3A {strides = array<i32>} : memref<3328xf32, #tpu.memory_space<vmem>>, vector<16xf32>,
    }
    %scan3A_54 = arith.constant 208 : i32
    "tpu.region"() ({
      %run_scoped3A = tpu.sem_alloc : memref<!tpu.dma_semaphore, #tpu.memory_space<semaphore_mem>>
      %dma_start3A_88 = tpu.memref_slice %arg4[%add3A_45] : memref<425984xf32, #tpu.memory_space<hbm>> -> memref<3328xf32, #tpu.memory_space<hbm>>
      %dma_start3A_89 = tpu.memref_slice %arg4[%add3A_45] : memref<425984xf32, #tpu.memory_space<hbm>> -> memref<3328xf32, #tpu.memory_space<hbm>>
      tpu.enqueue_dma source(%arg11 : memref<3328xf32, #tpu.memory_space<vmem>>) target(%dma_start3A_89 : memref<3328xf32, #tpu.memory_space<hbm>>) target_semaphore(%run_scoped3A : memref<!tpu.dma_semaphore, #tpu.memory_space<semaphore_mem>>)
      %dma_wait3A_90 = tpu.memref_slice %arg4[%add3A_45] : memref<425984xf32, #tpu.memory_space<hbm>> -> memref<3328xf32, #tpu.memory_space<hbm>>
      %dma_wait3A_91 = tpu.memref_slice %arg4[%add3A_45] : memref<425984xf32, #tpu.memory_space<hbm>> -> memref<3328xf32, #tpu.memory_space<hbm>>
      tpu.wait_dma2 semaphore(%run_scoped3A : memref<!tpu.dma_semaphore, #tpu.memory_space<semaphore_mem>>) src(%arg11 : memref<3328xf32, #tpu.memory_space<vmem>>) dst(%dma_wait3A_91 : memref<3328xf32, #tpu.memory_space<hbm>>)
      tpu.yield
    }) : () -> ()
    %add3A_55 = arith.constant 9984 : i32
    %add3A_56 = arith.addi %mul3A_2, %add3A_55 : i32
    "tpu.region"() ({
      %run_scoped3A = tpu.sem_alloc : memref<!tpu.dma_semaphore, #tpu.memory_space<semaphore_mem>>
      %dma_start3A_88 = tpu.memref_slice %arg2[%add3A_56] : memref<425984xi32, #tpu.memory_space<hbm>> -> memref<3328xi32, #tpu.memory_space<hbm>>
      %dma_start3A_89 = tpu.memref_slice %arg2[%add3A_56] : memref<425984xi32, #tpu.memory_space<hbm>> -> memref<3328xi32, #tpu.memory_space<hbm>>
      tpu.enqueue_dma source(%dma_start3A_89 : memref<3328xi32, #tpu.memory_space<hbm>>) target(%arg6 : memref<3328xi32, #tpu.memory_space<vmem>>) target_semaphore(%run_scoped3A : memref<!tpu.dma_semaphore, #tpu.memory_space<semaphore_mem>>)
      %dma_wait3A_90 = tpu.memref_slice %arg2[%add3A_56] : memref<425984xi32, #tpu.memory_space<hbm>> -> memref<3328xi32, #tpu.memory_space<hbm>>
      %dma_wait3A_91 = tpu.memref_slice %arg2[%add3A_56] : memref<425984xi32, #tpu.memory_space<hbm>> -> memref<3328xi32, #tpu.memory_space<hbm>>
      tpu.wait_dma2 semaphore(%run_scoped3A : memref<!tpu.dma_semaphore, #tpu.memory_space<semaphore_mem>>) src(%dma_wait3A_91 : memref<3328xi32, #tpu.memory_space<hbm>>) dst(%arg6 : memref<3328xi32, #tpu.memory_space<vmem>>)
      tpu.yield
    }) : () -> ()
    %scan3A_57 = arith.constant 0 : i32
    %scan3A_58 = arith.constant 0 : i32
    %scan3A_59 = arith.constant 208 : i32
    %scan3A_60 = arith.addi %scan3A_58, %scan3A_59 : i32
    %scan3A_61 = arith.constant 1 : i32
    scf.for %scan3A_88 = %scan3A_58 to %scan3A_60 step %scan3A_61  : i32 {
      %mul3A_89 = arith.constant 16 : i32
      %mul3A_90 = arith.muli %scan3A_88, %mul3A_89 : i32
      %get3A = arith.index_cast %mul3A_90 : i32 to index
      %get3A_91 = tpu.vector_load %arg6[%get3A] {strides = array<i32>} : memref<3328xi32, #tpu.memory_space<vmem>>, vector<16xi32>,
      %shift_right_logical3A = arith.constant 4 : i32
      %shift_right_logical3A_92 = vector.broadcast %shift_right_logical3A : i32 to vector<16xi32>
      %shift_right_logical3A_93 = arith.shrui %get3A_91, %shift_right_logical3A_92 : vector<16xi32>
      %mul3A_94 = arith.constant 16 : i32
      %mul3A_95 = arith.muli %scan3A_88, %mul3A_94 : i32
      %swap3A = arith.index_cast %mul3A_95 : i32 to index
      %swap3A_96 = tpu.vector_load %arg8[%swap3A] {strides = array<i32>} : memref<3328xi32, #tpu.memory_space<vmem>>, vector<16xi32>,
      tpu.vector_store %arg8[%swap3A], %shift_right_logical3A_93 {strides = array<i32>} : memref<3328xi32, #tpu.memory_space<vmem>>, vector<16xi32>,
    }
    %scan3A_62 = arith.constant 208 : i32
    %dma_start3A_63 = arith.constant 0 : i32
    %dma_start3A_64 = arith.constant 0 : i32
    %dma_start3A_65 = tpu.memref_slice %arg3[%dma_start3A_63, %dma_start3A_64] : memref<65536x16xf32, #tpu.memory_space<hbm>> -> memref<65536x16xf32, #tpu.memory_space<hbm>>
    tpu.enqueue_indirect_dma source(%dma_start3A_65 : memref<65536x16xf32, #tpu.memory_space<hbm>>) target(%arg10 : memref<3328x16xf32, #tpu.memory_space<vmem>>) offsets(%arg8 : memref<3328xi32, #tpu.memory_space<vmem>>) semaphore(%arg13 : memref<!tpu.dma_semaphore, #tpu.memory_space<semaphore_mem>>)
    %add3A_66 = arith.constant 6656 : i32
    %add3A_67 = arith.addi %mul3A_2, %add3A_66 : i32
    %dma_wait3A_68 = arith.constant 0 : i32
    %dma_wait3A_69 = arith.constant 0 : i32
    %dma_wait3A_70 = tpu.memref_slice %arg3[%dma_wait3A_68, %dma_wait3A_69] : memref<65536x16xf32, #tpu.memory_space<hbm>> -> memref<65536x16xf32, #tpu.memory_space<hbm>>
    tpu.wait_indirect_dma semaphore(%arg12 : memref<!tpu.dma_semaphore, #tpu.memory_space<semaphore_mem>>) src(%dma_wait3A_70 : memref<65536x16xf32, #tpu.memory_space<hbm>>) dst(%arg9 : memref<3328x16xf32, #tpu.memory_space<vmem>>)
    %scan3A_71 = arith.constant 0 : i32
    %scan3A_72 = arith.constant 0 : i32
    %scan3A_73 = arith.constant 208 : i32
    %scan3A_74 = arith.addi %scan3A_72, %scan3A_73 : i32
    %scan3A_75 = arith.constant 1 : i32
    scf.for %scan3A_88 = %scan3A_72 to %scan3A_74 step %scan3A_75  : i32 {
      %mul3A_89 = arith.constant 16 : i32
      %mul3A_90 = arith.muli %scan3A_88, %mul3A_89 : i32
      %add3A_91 = vector.broadcast %mul3A_90 : i32 to vector<16xi32>
      %add3A_92 = arith.addi %iota3A, %add3A_91 : vector<16xi32>
      %mul3A_93 = arith.constant 16 : i32
      %mul3A_94 = arith.muli %scan3A_88, %mul3A_93 : i32
      %get3A = arith.index_cast %mul3A_94 : i32 to index
      %get3A_95 = tpu.vector_load %arg5[%get3A] {strides = array<i32>} : memref<3328xi32, #tpu.memory_space<vmem>>, vector<16xi32>,
      %and3A = arith.constant 15 : i32
      %and3A_96 = vector.broadcast %and3A : i32 to vector<16xi32>
      %and3A_97 = arith.andi %get3A_95, %and3A_96 : vector<16xi32>
      %gather3A = tpu.vector_load_idx %arg9[%add3A_92, %and3A_97] : memref<3328x16xf32, #tpu.memory_space<vmem>>[vector<16xi32>, vector<16xi32>], vector<16xf32>,
      %mul3A_98 = arith.constant 16 : i32
      %mul3A_99 = arith.muli %scan3A_88, %mul3A_98 : i32
      %swap3A = arith.index_cast %mul3A_99 : i32 to index
      %swap3A_100 = tpu.vector_load %arg11[%swap3A] {strides = array<i32>} : memref<3328xf32, #tpu.memory_space<vmem>>, vector<16xf32>,
      tpu.vector_store %arg11[%swap3A], %gather3A {strides = array<i32>} : memref<3328xf32, #tpu.memory_space<vmem>>, vector<16xf32>,
    }
    %scan3A_76 = arith.constant 208 : i32
    "tpu.region"() ({
      %run_scoped3A = tpu.sem_alloc : memref<!tpu.dma_semaphore, #tpu.memory_space<semaphore_mem>>
      %dma_start3A_88 = tpu.memref_slice %arg4[%add3A_67] : memref<425984xf32, #tpu.memory_space<hbm>> -> memref<3328xf32, #tpu.memory_space<hbm>>
      %dma_start3A_89 = tpu.memref_slice %arg4[%add3A_67] : memref<425984xf32, #tpu.memory_space<hbm>> -> memref<3328xf32, #tpu.memory_space<hbm>>
      tpu.enqueue_dma source(%arg11 : memref<3328xf32, #tpu.memory_space<vmem>>) target(%dma_start3A_89 : memref<3328xf32, #tpu.memory_space<hbm>>) target_semaphore(%run_scoped3A : memref<!tpu.dma_semaphore, #tpu.memory_space<semaphore_mem>>)
      %dma_wait3A_90 = tpu.memref_slice %arg4[%add3A_67] : memref<425984xf32, #tpu.memory_space<hbm>> -> memref<3328xf32, #tpu.memory_space<hbm>>
      %dma_wait3A_91 = tpu.memref_slice %arg4[%add3A_67] : memref<425984xf32, #tpu.memory_space<hbm>> -> memref<3328xf32, #tpu.memory_space<hbm>>
      tpu.wait_dma2 semaphore(%run_scoped3A : memref<!tpu.dma_semaphore, #tpu.memory_space<semaphore_mem>>) src(%arg11 : memref<3328xf32, #tpu.memory_space<vmem>>) dst(%dma_wait3A_91 : memref<3328xf32, #tpu.memory_space<hbm>>)
      tpu.yield
    }) : () -> ()
    %add3A_77 = arith.constant 9984 : i32
    %add3A_78 = arith.addi %mul3A_2, %add3A_77 : i32
    %dma_wait3A_79 = arith.constant 0 : i32
    %dma_wait3A_80 = arith.constant 0 : i32
    %dma_wait3A_81 = tpu.memref_slice %arg3[%dma_wait3A_79, %dma_wait3A_80] : memref<65536x16xf32, #tpu.memory_space<hbm>> -> memref<65536x16xf32, #tpu.memory_space<hbm>>
    tpu.wait_indirect_dma semaphore(%arg13 : memref<!tpu.dma_semaphore, #tpu.memory_space<semaphore_mem>>) src(%dma_wait3A_81 : memref<65536x16xf32, #tpu.memory_space<hbm>>) dst(%arg10 : memref<3328x16xf32, #tpu.memory_space<vmem>>)
    %scan3A_82 = arith.constant 0 : i32
    %scan3A_83 = arith.constant 0 : i32
    %scan3A_84 = arith.constant 208 : i32
    %scan3A_85 = arith.addi %scan3A_83, %scan3A_84 : i32
    %scan3A_86 = arith.constant 1 : i32
    scf.for %scan3A_88 = %scan3A_83 to %scan3A_85 step %scan3A_86  : i32 {
      %mul3A_89 = arith.constant 16 : i32
      %mul3A_90 = arith.muli %scan3A_88, %mul3A_89 : i32
      %add3A_91 = vector.broadcast %mul3A_90 : i32 to vector<16xi32>
      %add3A_92 = arith.addi %iota3A, %add3A_91 : vector<16xi32>
      %mul3A_93 = arith.constant 16 : i32
      %mul3A_94 = arith.muli %scan3A_88, %mul3A_93 : i32
      %get3A = arith.index_cast %mul3A_94 : i32 to index
      %get3A_95 = tpu.vector_load %arg6[%get3A] {strides = array<i32>} : memref<3328xi32, #tpu.memory_space<vmem>>, vector<16xi32>,
      %and3A = arith.constant 15 : i32
      %and3A_96 = vector.broadcast %and3A : i32 to vector<16xi32>
      %and3A_97 = arith.andi %get3A_95, %and3A_96 : vector<16xi32>
      %gather3A = tpu.vector_load_idx %arg10[%add3A_92, %and3A_97] : memref<3328x16xf32, #tpu.memory_space<vmem>>[vector<16xi32>, vector<16xi32>], vector<16xf32>,
      %mul3A_98 = arith.constant 16 : i32
      %mul3A_99 = arith.muli %scan3A_88, %mul3A_98 : i32
      %swap3A = arith.index_cast %mul3A_99 : i32 to index
      %swap3A_100 = tpu.vector_load %arg11[%swap3A] {strides = array<i32>} : memref<3328xf32, #tpu.memory_space<vmem>>, vector<16xf32>,
      tpu.vector_store %arg11[%swap3A], %gather3A {strides = array<i32>} : memref<3328xf32, #tpu.memory_space<vmem>>, vector<16xf32>,
    }
    %scan3A_87 = arith.constant 208 : i32
    "tpu.region"() ({
      %run_scoped3A = tpu.sem_alloc : memref<!tpu.dma_semaphore, #tpu.memory_space<semaphore_mem>>
      %dma_start3A_88 = tpu.memref_slice %arg4[%add3A_78] : memref<425984xf32, #tpu.memory_space<hbm>> -> memref<3328xf32, #tpu.memory_space<hbm>>
      %dma_start3A_89 = tpu.memref_slice %arg4[%add3A_78] : memref<425984xf32, #tpu.memory_space<hbm>> -> memref<3328xf32, #tpu.memory_space<hbm>>
      tpu.enqueue_dma source(%arg11 : memref<3328xf32, #tpu.memory_space<vmem>>) target(%dma_start3A_89 : memref<3328xf32, #tpu.memory_space<hbm>>) target_semaphore(%run_scoped3A : memref<!tpu.dma_semaphore, #tpu.memory_space<semaphore_mem>>)
      %dma_wait3A_90 = tpu.memref_slice %arg4[%add3A_78] : memref<425984xf32, #tpu.memory_space<hbm>> -> memref<3328xf32, #tpu.memory_space<hbm>>
      %dma_wait3A_91 = tpu.memref_slice %arg4[%add3A_78] : memref<425984xf32, #tpu.memory_space<hbm>> -> memref<3328xf32, #tpu.memory_space<hbm>>
      tpu.wait_dma2 semaphore(%run_scoped3A : memref<!tpu.dma_semaphore, #tpu.memory_space<semaphore_mem>>) src(%arg11 : memref<3328xf32, #tpu.memory_space<vmem>>) dst(%dma_wait3A_91 : memref<3328xf32, #tpu.memory_space<hbm>>)
      tpu.yield
    }) : () -> ()
    return
  }
}

#map = affine_map<(d0, d1) -> (0, 0)>
#map1 = affine_map<(d0, d1) -> (0)>
module attributes {stable_mosaic.version = 14 : i64} {
  func.func @_sc_format(%arg0: i32, %arg1: i32, %arg2: memref<16x1000000xf32, #tpu.memory_space<hbm>>, %arg3: memref<1024xf32, #tpu.memory_space<hbm>>, %arg4: memref<16000000xf32, #tpu.memory_space<hbm>>, %arg5: memref<16x512xf32, #tpu.memory_space<vmem>>, %arg6: memref<16x512xf32, #tpu.memory_space<vmem>>, %arg7: memref<16x512xf32, #tpu.memory_space<vmem>>, %arg8: memref<8192xf32, #tpu.memory_space<vmem>>, %arg9: memref<8192xf32, #tpu.memory_space<vmem>>, %arg10: memref<8192xf32, #tpu.memory_space<vmem>>, %arg11: memref<!tpu.dma_semaphore, #tpu.memory_space<semaphore_mem>>, %arg12: memref<!tpu.dma_semaphore, #tpu.memory_space<semaphore_mem>>, %arg13: memref<!tpu.dma_semaphore, #tpu.memory_space<semaphore_mem>>, %arg14: memref<!tpu.dma_semaphore, #tpu.memory_space<semaphore_mem>>, %arg15: memref<!tpu.dma_semaphore, #tpu.memory_space<semaphore_mem>>, %arg16: memref<!tpu.dma_semaphore, #tpu.memory_space<semaphore_mem>>) attributes {dimension_semantics = [#tpu.dimension_semantics<core_parallel>, #tpu.dimension_semantics<subcore_parallel>], iteration_bounds = array<i64: 2, 16>, scalar_prefetch = 0 : i64, scratch_operands = 12 : i64, tpu.core_type = #tpu.core_type<sc_vector_subcore>, window_params = [{transform_indices = #map}, {transform_indices = #map1}, {transform_indices = #map1}]} {
    %mul3A = arith.constant 2 : i32
    %mul3A_0 = arith.muli %arg1, %mul3A : i32
    %add3A = arith.addi %mul3A_0, %arg0 : i32
    %iota3A = tpu.iota {dimensions = array<i32: 0>} : vector<16xi32>
    %add3A_1 = arith.constant 0 : i32
    %add3A_2 = arith.addi %add3A, %add3A_1 : i32
    %mul3A_3 = arith.constant 512 : i32
    %mul3A_4 = arith.muli %add3A_2, %mul3A_3 : i32
    %dma_start3A = arith.constant 0 : i32
    %dma_start3A_5 = tpu.memref_slice %arg2[%dma_start3A, %mul3A_4] : memref<16x1000000xf32, #tpu.memory_space<hbm>> -> memref<16x512xf32, #tpu.memory_space<hbm>>
    %dma_start3A_6 = arith.constant 0 : i32
    %dma_start3A_7 = tpu.memref_slice %arg2[%dma_start3A_6, %mul3A_4] : memref<16x1000000xf32, #tpu.memory_space<hbm>> -> memref<16x512xf32, #tpu.memory_space<hbm>>
    tpu.enqueue_dma source(%dma_start3A_7 : memref<16x512xf32, #tpu.memory_space<hbm>>) target(%arg5 : memref<16x512xf32, #tpu.memory_space<vmem>>) target_semaphore(%arg11 : memref<!tpu.dma_semaphore, #tpu.memory_space<semaphore_mem>>)
    %add3A_8 = arith.constant 32 : i32
    %add3A_9 = arith.addi %add3A, %add3A_8 : i32
    %mul3A_10 = arith.constant 512 : i32
    %mul3A_11 = arith.muli %add3A_9, %mul3A_10 : i32
    %dma_start3A_12 = arith.constant 0 : i32
    %dma_start3A_13 = tpu.memref_slice %arg2[%dma_start3A_12, %mul3A_11] : memref<16x1000000xf32, #tpu.memory_space<hbm>> -> memref<16x512xf32, #tpu.memory_space<hbm>>
    %dma_start3A_14 = arith.constant 0 : i32
    %dma_start3A_15 = tpu.memref_slice %arg2[%dma_start3A_14, %mul3A_11] : memref<16x1000000xf32, #tpu.memory_space<hbm>> -> memref<16x512xf32, #tpu.memory_space<hbm>>
    tpu.enqueue_dma source(%dma_start3A_15 : memref<16x512xf32, #tpu.memory_space<hbm>>) target(%arg6 : memref<16x512xf32, #tpu.memory_space<vmem>>) target_semaphore(%arg12 : memref<!tpu.dma_semaphore, #tpu.memory_space<semaphore_mem>>)
    %add3A_16 = arith.constant 64 : i32
    %add3A_17 = arith.addi %add3A, %add3A_16 : i32
    %mul3A_18 = arith.constant 512 : i32
    %mul3A_19 = arith.muli %add3A_17, %mul3A_18 : i32
    %dma_start3A_20 = arith.constant 0 : i32
    %dma_start3A_21 = tpu.memref_slice %arg2[%dma_start3A_20, %mul3A_19] : memref<16x1000000xf32, #tpu.memory_space<hbm>> -> memref<16x512xf32, #tpu.memory_space<hbm>>
    %dma_start3A_22 = arith.constant 0 : i32
    %dma_start3A_23 = tpu.memref_slice %arg2[%dma_start3A_22, %mul3A_19] : memref<16x1000000xf32, #tpu.memory_space<hbm>> -> memref<16x512xf32, #tpu.memory_space<hbm>>
    tpu.enqueue_dma source(%dma_start3A_23 : memref<16x512xf32, #tpu.memory_space<hbm>>) target(%arg7 : memref<16x512xf32, #tpu.memory_space<vmem>>) target_semaphore(%arg13 : memref<!tpu.dma_semaphore, #tpu.memory_space<semaphore_mem>>)
    %scan3A = arith.constant 0 : i32
    %scan3A_24 = arith.constant 0 : i32
    %scan3A_25 = arith.constant 20 : i32
    %scan3A_26 = arith.addi %scan3A_24, %scan3A_25 : i32
    %scan3A_27 = arith.constant 1 : i32
    scf.for %scan3A_71 = %scan3A_24 to %scan3A_26 step %scan3A_27  : i32 {
      %mul3A_72 = arith.constant 3 : i32
      %mul3A_73 = arith.muli %mul3A_72, %scan3A_71 : i32
      %add3A_74 = arith.constant 0 : i32
      %add3A_75 = arith.addi %mul3A_73, %add3A_74 : i32
      %dma_wait3A_76 = arith.constant 0 : i32
      %dma_wait3A_77 = arith.constant 0 : i32
      %dma_wait3A_78 = tpu.memref_slice %arg2[%dma_wait3A_76, %dma_wait3A_77] : memref<16x1000000xf32, #tpu.memory_space<hbm>> -> memref<16x512xf32, #tpu.memory_space<hbm>>
      %dma_wait3A_79 = arith.constant 0 : i32
      %dma_wait3A_80 = arith.constant 0 : i32
      %dma_wait3A_81 = tpu.memref_slice %arg2[%dma_wait3A_79, %dma_wait3A_80] : memref<16x1000000xf32, #tpu.memory_space<hbm>> -> memref<16x512xf32, #tpu.memory_space<hbm>>
      tpu.wait_dma2 semaphore(%arg11 : memref<!tpu.dma_semaphore, #tpu.memory_space<semaphore_mem>>) src(%dma_wait3A_81 : memref<16x512xf32, #tpu.memory_space<hbm>>) dst(%arg5 : memref<16x512xf32, #tpu.memory_space<vmem>>)
      %ge3A = arith.constant 1 : i32
      %ge3A_82 = arith.cmpi sge, %scan3A_71, %ge3A : i32
      %convert_element_type3A_83 = arith.extui %ge3A_82 : i1 to i32
      %cond3A_84 = arith.constant 0 : i32
      %cond3A_85 = arith.cmpi ne, %convert_element_type3A_83, %cond3A_84 : i32
      scf.if %cond3A_85 {
        %dma_wait3A_181 = arith.constant 0 : i32
        %dma_wait3A_182 = tpu.memref_slice %arg4[%dma_wait3A_181] : memref<16000000xf32, #tpu.memory_space<hbm>> -> memref<8192xf32, #tpu.memory_space<hbm>>
        %dma_wait3A_183 = arith.constant 0 : i32
        %dma_wait3A_184 = tpu.memref_slice %arg4[%dma_wait3A_183] : memref<16000000xf32, #tpu.memory_space<hbm>> -> memref<8192xf32, #tpu.memory_space<hbm>>
        tpu.wait_dma2 semaphore(%arg14 : memref<!tpu.dma_semaphore, #tpu.memory_space<semaphore_mem>>) src(%arg8 : memref<8192xf32, #tpu.memory_space<vmem>>) dst(%dma_wait3A_184 : memref<8192xf32, #tpu.memory_space<hbm>>)
      } else {
      }
      %mul3A_86 = arith.constant 32 : i32
      %mul3A_87 = arith.muli %mul3A_86, %add3A_75 : i32
      %add3A_88 = arith.addi %add3A, %mul3A_87 : i32
      %mul3A_89 = arith.constant 512 : i32
      %mul3A_90 = arith.muli %add3A_88, %mul3A_89 : i32
      %scan3A_91 = arith.constant 0 : i32
      %scan3A_92 = arith.constant 0 : i32
      %scan3A_93 = arith.constant 32 : i32
      %scan3A_94 = arith.addi %scan3A_92, %scan3A_93 : i32
      %scan3A_95 = arith.constant 1 : i32
      scf.for %scan3A_181 = %scan3A_92 to %scan3A_94 step %scan3A_95  : i32 {
        %mul3A_182 = arith.constant 16 : i32
        %mul3A_183 = arith.muli %scan3A_181, %mul3A_182 : i32
        %get3A = arith.constant 0 : i32
        %get3A_184 = arith.index_cast %get3A : i32 to index
        %get3A_185 = arith.index_cast %mul3A_183 : i32 to index
        %get3A_186 = tpu.vector_load %arg5[%get3A_184, %get3A_185] {strides = array<i32>} : memref<16x512xf32, #tpu.memory_space<vmem>>, vector<16xf32>,
        %mul3A_187 = arith.constant 16 : i32
        %mul3A_188 = vector.broadcast %mul3A_187 : i32 to vector<16xi32>
        %mul3A_189 = arith.muli %iota3A, %mul3A_188 : vector<16xi32>
        %mul3A_190 = arith.constant 256 : i32
        %mul3A_191 = arith.muli %scan3A_181, %mul3A_190 : i32
        %add3A_192 = arith.constant 0 : i32
        %add3A_193 = arith.addi %mul3A_191, %add3A_192 : i32
        %add3A_194 = vector.broadcast %add3A_193 : i32 to vector<16xi32>
        %add3A_195 = arith.addi %mul3A_189, %add3A_194 : vector<16xi32>
        tpu.vector_store_idx %arg8[%add3A_195], %get3A_186 : memref<8192xf32, #tpu.memory_space<vmem>>[vector<16xi32>], vector<16xf32>,
        %mul3A_196 = arith.constant 16 : i32
        %mul3A_197 = arith.muli %scan3A_181, %mul3A_196 : i32
        %get3A_198 = arith.constant 1 : i32
        %get3A_199 = arith.index_cast %get3A_198 : i32 to index
        %get3A_200 = arith.index_cast %mul3A_197 : i32 to index
        %get3A_201 = tpu.vector_load %arg5[%get3A_199, %get3A_200] {strides = array<i32>} : memref<16x512xf32, #tpu.memory_space<vmem>>, vector<16xf32>,
        %mul3A_202 = arith.constant 16 : i32
        %mul3A_203 = vector.broadcast %mul3A_202 : i32 to vector<16xi32>
        %mul3A_204 = arith.muli %iota3A, %mul3A_203 : vector<16xi32>
        %mul3A_205 = arith.constant 256 : i32
        %mul3A_206 = arith.muli %scan3A_181, %mul3A_205 : i32
        %add3A_207 = arith.constant 1 : i32
        %add3A_208 = arith.addi %mul3A_206, %add3A_207 : i32
        %add3A_209 = vector.broadcast %add3A_208 : i32 to vector<16xi32>
        %add3A_210 = arith.addi %mul3A_204, %add3A_209 : vector<16xi32>
        tpu.vector_store_idx %arg8[%add3A_210], %get3A_201 : memref<8192xf32, #tpu.memory_space<vmem>>[vector<16xi32>], vector<16xf32>,
        %mul3A_211 = arith.constant 16 : i32
        %mul3A_212 = arith.muli %scan3A_181, %mul3A_211 : i32
        %get3A_213 = arith.constant 2 : i32
        %get3A_214 = arith.index_cast %get3A_213 : i32 to index
        %get3A_215 = arith.index_cast %mul3A_212 : i32 to index
        %get3A_216 = tpu.vector_load %arg5[%get3A_214, %get3A_215] {strides = array<i32>} : memref<16x512xf32, #tpu.memory_space<vmem>>, vector<16xf32>,
        %mul3A_217 = arith.constant 16 : i32
        %mul3A_218 = vector.broadcast %mul3A_217 : i32 to vector<16xi32>
        %mul3A_219 = arith.muli %iota3A, %mul3A_218 : vector<16xi32>
        %mul3A_220 = arith.constant 256 : i32
        %mul3A_221 = arith.muli %scan3A_181, %mul3A_220 : i32
        %add3A_222 = arith.constant 2 : i32
        %add3A_223 = arith.addi %mul3A_221, %add3A_222 : i32
        %add3A_224 = vector.broadcast %add3A_223 : i32 to vector<16xi32>
        %add3A_225 = arith.addi %mul3A_219, %add3A_224 : vector<16xi32>
        tpu.vector_store_idx %arg8[%add3A_225], %get3A_216 : memref<8192xf32, #tpu.memory_space<vmem>>[vector<16xi32>], vector<16xf32>,
        %mul3A_226 = arith.constant 16 : i32
        %mul3A_227 = arith.muli %scan3A_181, %mul3A_226 : i32
        %get3A_228 = arith.constant 3 : i32
        %get3A_229 = arith.index_cast %get3A_228 : i32 to index
        %get3A_230 = arith.index_cast %mul3A_227 : i32 to index
        %get3A_231 = tpu.vector_load %arg5[%get3A_229, %get3A_230] {strides = array<i32>} : memref<16x512xf32, #tpu.memory_space<vmem>>, vector<16xf32>,
        %mul3A_232 = arith.constant 16 : i32
        %mul3A_233 = vector.broadcast %mul3A_232 : i32 to vector<16xi32>
        %mul3A_234 = arith.muli %iota3A, %mul3A_233 : vector<16xi32>
        %mul3A_235 = arith.constant 256 : i32
        %mul3A_236 = arith.muli %scan3A_181, %mul3A_235 : i32
        %add3A_237 = arith.constant 3 : i32
        %add3A_238 = arith.addi %mul3A_236, %add3A_237 : i32
        %add3A_239 = vector.broadcast %add3A_238 : i32 to vector<16xi32>
        %add3A_240 = arith.addi %mul3A_234, %add3A_239 : vector<16xi32>
        tpu.vector_store_idx %arg8[%add3A_240], %get3A_231 : memref<8192xf32, #tpu.memory_space<vmem>>[vector<16xi32>], vector<16xf32>,
        %mul3A_241 = arith.constant 16 : i32
        %mul3A_242 = arith.muli %scan3A_181, %mul3A_241 : i32
        %get3A_243 = arith.constant 4 : i32
        %get3A_244 = arith.index_cast %get3A_243 : i32 to index
        %get3A_245 = arith.index_cast %mul3A_242 : i32 to index
        %get3A_246 = tpu.vector_load %arg5[%get3A_244, %get3A_245] {strides = array<i32>} : memref<16x512xf32, #tpu.memory_space<vmem>>, vector<16xf32>,
        %mul3A_247 = arith.constant 16 : i32
        %mul3A_248 = vector.broadcast %mul3A_247 : i32 to vector<16xi32>
        %mul3A_249 = arith.muli %iota3A, %mul3A_248 : vector<16xi32>
        %mul3A_250 = arith.constant 256 : i32
        %mul3A_251 = arith.muli %scan3A_181, %mul3A_250 : i32
        %add3A_252 = arith.constant 4 : i32
        %add3A_253 = arith.addi %mul3A_251, %add3A_252 : i32
        %add3A_254 = vector.broadcast %add3A_253 : i32 to vector<16xi32>
        %add3A_255 = arith.addi %mul3A_249, %add3A_254 : vector<16xi32>
        tpu.vector_store_idx %arg8[%add3A_255], %get3A_246 : memref<8192xf32, #tpu.memory_space<vmem>>[vector<16xi32>], vector<16xf32>,
        %mul3A_256 = arith.constant 16 : i32
        %mul3A_257 = arith.muli %scan3A_181, %mul3A_256 : i32
        %get3A_258 = arith.constant 5 : i32
        %get3A_259 = arith.index_cast %get3A_258 : i32 to index
        %get3A_260 = arith.index_cast %mul3A_257 : i32 to index
        %get3A_261 = tpu.vector_load %arg5[%get3A_259, %get3A_260] {strides = array<i32>} : memref<16x512xf32, #tpu.memory_space<vmem>>, vector<16xf32>,
        %mul3A_262 = arith.constant 16 : i32
        %mul3A_263 = vector.broadcast %mul3A_262 : i32 to vector<16xi32>
        %mul3A_264 = arith.muli %iota3A, %mul3A_263 : vector<16xi32>
        %mul3A_265 = arith.constant 256 : i32
        %mul3A_266 = arith.muli %scan3A_181, %mul3A_265 : i32
        %add3A_267 = arith.constant 5 : i32
        %add3A_268 = arith.addi %mul3A_266, %add3A_267 : i32
        %add3A_269 = vector.broadcast %add3A_268 : i32 to vector<16xi32>
        %add3A_270 = arith.addi %mul3A_264, %add3A_269 : vector<16xi32>
        tpu.vector_store_idx %arg8[%add3A_270], %get3A_261 : memref<8192xf32, #tpu.memory_space<vmem>>[vector<16xi32>], vector<16xf32>,
        %mul3A_271 = arith.constant 16 : i32
        %mul3A_272 = arith.muli %scan3A_181, %mul3A_271 : i32
        %get3A_273 = arith.constant 6 : i32
        %get3A_274 = arith.index_cast %get3A_273 : i32 to index
        %get3A_275 = arith.index_cast %mul3A_272 : i32 to index
        %get3A_276 = tpu.vector_load %arg5[%get3A_274, %get3A_275] {strides = array<i32>} : memref<16x512xf32, #tpu.memory_space<vmem>>, vector<16xf32>,
        %mul3A_277 = arith.constant 16 : i32
        %mul3A_278 = vector.broadcast %mul3A_277 : i32 to vector<16xi32>
        %mul3A_279 = arith.muli %iota3A, %mul3A_278 : vector<16xi32>
        %mul3A_280 = arith.constant 256 : i32
        %mul3A_281 = arith.muli %scan3A_181, %mul3A_280 : i32
        %add3A_282 = arith.constant 6 : i32
        %add3A_283 = arith.addi %mul3A_281, %add3A_282 : i32
        %add3A_284 = vector.broadcast %add3A_283 : i32 to vector<16xi32>
        %add3A_285 = arith.addi %mul3A_279, %add3A_284 : vector<16xi32>
        tpu.vector_store_idx %arg8[%add3A_285], %get3A_276 : memref<8192xf32, #tpu.memory_space<vmem>>[vector<16xi32>], vector<16xf32>,
        %mul3A_286 = arith.constant 16 : i32
        %mul3A_287 = arith.muli %scan3A_181, %mul3A_286 : i32
        %get3A_288 = arith.constant 7 : i32
        %get3A_289 = arith.index_cast %get3A_288 : i32 to index
        %get3A_290 = arith.index_cast %mul3A_287 : i32 to index
        %get3A_291 = tpu.vector_load %arg5[%get3A_289, %get3A_290] {strides = array<i32>} : memref<16x512xf32, #tpu.memory_space<vmem>>, vector<16xf32>,
        %mul3A_292 = arith.constant 16 : i32
        %mul3A_293 = vector.broadcast %mul3A_292 : i32 to vector<16xi32>
        %mul3A_294 = arith.muli %iota3A, %mul3A_293 : vector<16xi32>
        %mul3A_295 = arith.constant 256 : i32
        %mul3A_296 = arith.muli %scan3A_181, %mul3A_295 : i32
        %add3A_297 = arith.constant 7 : i32
        %add3A_298 = arith.addi %mul3A_296, %add3A_297 : i32
        %add3A_299 = vector.broadcast %add3A_298 : i32 to vector<16xi32>
        %add3A_300 = arith.addi %mul3A_294, %add3A_299 : vector<16xi32>
        tpu.vector_store_idx %arg8[%add3A_300], %get3A_291 : memref<8192xf32, #tpu.memory_space<vmem>>[vector<16xi32>], vector<16xf32>,
        %mul3A_301 = arith.constant 16 : i32
        %mul3A_302 = arith.muli %scan3A_181, %mul3A_301 : i32
        %get3A_303 = arith.constant 8 : i32
        %get3A_304 = arith.index_cast %get3A_303 : i32 to index
        %get3A_305 = arith.index_cast %mul3A_302 : i32 to index
        %get3A_306 = tpu.vector_load %arg5[%get3A_304, %get3A_305] {strides = array<i32>} : memref<16x512xf32, #tpu.memory_space<vmem>>, vector<16xf32>,
        %mul3A_307 = arith.constant 16 : i32
        %mul3A_308 = vector.broadcast %mul3A_307 : i32 to vector<16xi32>
        %mul3A_309 = arith.muli %iota3A, %mul3A_308 : vector<16xi32>
        %mul3A_310 = arith.constant 256 : i32
        %mul3A_311 = arith.muli %scan3A_181, %mul3A_310 : i32
        %add3A_312 = arith.constant 8 : i32
        %add3A_313 = arith.addi %mul3A_311, %add3A_312 : i32
        %add3A_314 = vector.broadcast %add3A_313 : i32 to vector<16xi32>
        %add3A_315 = arith.addi %mul3A_309, %add3A_314 : vector<16xi32>
        tpu.vector_store_idx %arg8[%add3A_315], %get3A_306 : memref<8192xf32, #tpu.memory_space<vmem>>[vector<16xi32>], vector<16xf32>,
        %mul3A_316 = arith.constant 16 : i32
        %mul3A_317 = arith.muli %scan3A_181, %mul3A_316 : i32
        %get3A_318 = arith.constant 9 : i32
        %get3A_319 = arith.index_cast %get3A_318 : i32 to index
        %get3A_320 = arith.index_cast %mul3A_317 : i32 to index
        %get3A_321 = tpu.vector_load %arg5[%get3A_319, %get3A_320] {strides = array<i32>} : memref<16x512xf32, #tpu.memory_space<vmem>>, vector<16xf32>,
        %mul3A_322 = arith.constant 16 : i32
        %mul3A_323 = vector.broadcast %mul3A_322 : i32 to vector<16xi32>
        %mul3A_324 = arith.muli %iota3A, %mul3A_323 : vector<16xi32>
        %mul3A_325 = arith.constant 256 : i32
        %mul3A_326 = arith.muli %scan3A_181, %mul3A_325 : i32
        %add3A_327 = arith.constant 9 : i32
        %add3A_328 = arith.addi %mul3A_326, %add3A_327 : i32
        %add3A_329 = vector.broadcast %add3A_328 : i32 to vector<16xi32>
        %add3A_330 = arith.addi %mul3A_324, %add3A_329 : vector<16xi32>
        tpu.vector_store_idx %arg8[%add3A_330], %get3A_321 : memref<8192xf32, #tpu.memory_space<vmem>>[vector<16xi32>], vector<16xf32>,
        %mul3A_331 = arith.constant 16 : i32
        %mul3A_332 = arith.muli %scan3A_181, %mul3A_331 : i32
        %get3A_333 = arith.constant 10 : i32
        %get3A_334 = arith.index_cast %get3A_333 : i32 to index
        %get3A_335 = arith.index_cast %mul3A_332 : i32 to index
        %get3A_336 = tpu.vector_load %arg5[%get3A_334, %get3A_335] {strides = array<i32>} : memref<16x512xf32, #tpu.memory_space<vmem>>, vector<16xf32>,
        %mul3A_337 = arith.constant 16 : i32
        %mul3A_338 = vector.broadcast %mul3A_337 : i32 to vector<16xi32>
        %mul3A_339 = arith.muli %iota3A, %mul3A_338 : vector<16xi32>
        %mul3A_340 = arith.constant 256 : i32
        %mul3A_341 = arith.muli %scan3A_181, %mul3A_340 : i32
        %add3A_342 = arith.constant 10 : i32
        %add3A_343 = arith.addi %mul3A_341, %add3A_342 : i32
        %add3A_344 = vector.broadcast %add3A_343 : i32 to vector<16xi32>
        %add3A_345 = arith.addi %mul3A_339, %add3A_344 : vector<16xi32>
        tpu.vector_store_idx %arg8[%add3A_345], %get3A_336 : memref<8192xf32, #tpu.memory_space<vmem>>[vector<16xi32>], vector<16xf32>,
        %mul3A_346 = arith.constant 16 : i32
        %mul3A_347 = arith.muli %scan3A_181, %mul3A_346 : i32
        %get3A_348 = arith.constant 11 : i32
        %get3A_349 = arith.index_cast %get3A_348 : i32 to index
        %get3A_350 = arith.index_cast %mul3A_347 : i32 to index
        %get3A_351 = tpu.vector_load %arg5[%get3A_349, %get3A_350] {strides = array<i32>} : memref<16x512xf32, #tpu.memory_space<vmem>>, vector<16xf32>,
        %mul3A_352 = arith.constant 16 : i32
        %mul3A_353 = vector.broadcast %mul3A_352 : i32 to vector<16xi32>
        %mul3A_354 = arith.muli %iota3A, %mul3A_353 : vector<16xi32>
        %mul3A_355 = arith.constant 256 : i32
        %mul3A_356 = arith.muli %scan3A_181, %mul3A_355 : i32
        %add3A_357 = arith.constant 11 : i32
        %add3A_358 = arith.addi %mul3A_356, %add3A_357 : i32
        %add3A_359 = vector.broadcast %add3A_358 : i32 to vector<16xi32>
        %add3A_360 = arith.addi %mul3A_354, %add3A_359 : vector<16xi32>
        tpu.vector_store_idx %arg8[%add3A_360], %get3A_351 : memref<8192xf32, #tpu.memory_space<vmem>>[vector<16xi32>], vector<16xf32>,
        %mul3A_361 = arith.constant 16 : i32
        %mul3A_362 = arith.muli %scan3A_181, %mul3A_361 : i32
        %get3A_363 = arith.constant 12 : i32
        %get3A_364 = arith.index_cast %get3A_363 : i32 to index
        %get3A_365 = arith.index_cast %mul3A_362 : i32 to index
        %get3A_366 = tpu.vector_load %arg5[%get3A_364, %get3A_365] {strides = array<i32>} : memref<16x512xf32, #tpu.memory_space<vmem>>, vector<16xf32>,
        %mul3A_367 = arith.constant 16 : i32
        %mul3A_368 = vector.broadcast %mul3A_367 : i32 to vector<16xi32>
        %mul3A_369 = arith.muli %iota3A, %mul3A_368 : vector<16xi32>
        %mul3A_370 = arith.constant 256 : i32
        %mul3A_371 = arith.muli %scan3A_181, %mul3A_370 : i32
        %add3A_372 = arith.constant 12 : i32
        %add3A_373 = arith.addi %mul3A_371, %add3A_372 : i32
        %add3A_374 = vector.broadcast %add3A_373 : i32 to vector<16xi32>
        %add3A_375 = arith.addi %mul3A_369, %add3A_374 : vector<16xi32>
        tpu.vector_store_idx %arg8[%add3A_375], %get3A_366 : memref<8192xf32, #tpu.memory_space<vmem>>[vector<16xi32>], vector<16xf32>,
        %mul3A_376 = arith.constant 16 : i32
        %mul3A_377 = arith.muli %scan3A_181, %mul3A_376 : i32
        %get3A_378 = arith.constant 13 : i32
        %get3A_379 = arith.index_cast %get3A_378 : i32 to index
        %get3A_380 = arith.index_cast %mul3A_377 : i32 to index
        %get3A_381 = tpu.vector_load %arg5[%get3A_379, %get3A_380] {strides = array<i32>} : memref<16x512xf32, #tpu.memory_space<vmem>>, vector<16xf32>,
        %mul3A_382 = arith.constant 16 : i32
        %mul3A_383 = vector.broadcast %mul3A_382 : i32 to vector<16xi32>
        %mul3A_384 = arith.muli %iota3A, %mul3A_383 : vector<16xi32>
        %mul3A_385 = arith.constant 256 : i32
        %mul3A_386 = arith.muli %scan3A_181, %mul3A_385 : i32
        %add3A_387 = arith.constant 13 : i32
        %add3A_388 = arith.addi %mul3A_386, %add3A_387 : i32
        %add3A_389 = vector.broadcast %add3A_388 : i32 to vector<16xi32>
        %add3A_390 = arith.addi %mul3A_384, %add3A_389 : vector<16xi32>
        tpu.vector_store_idx %arg8[%add3A_390], %get3A_381 : memref<8192xf32, #tpu.memory_space<vmem>>[vector<16xi32>], vector<16xf32>,
        %mul3A_391 = arith.constant 16 : i32
        %mul3A_392 = arith.muli %scan3A_181, %mul3A_391 : i32
        %get3A_393 = arith.constant 14 : i32
        %get3A_394 = arith.index_cast %get3A_393 : i32 to index
        %get3A_395 = arith.index_cast %mul3A_392 : i32 to index
        %get3A_396 = tpu.vector_load %arg5[%get3A_394, %get3A_395] {strides = array<i32>} : memref<16x512xf32, #tpu.memory_space<vmem>>, vector<16xf32>,
        %mul3A_397 = arith.constant 16 : i32
        %mul3A_398 = vector.broadcast %mul3A_397 : i32 to vector<16xi32>
        %mul3A_399 = arith.muli %iota3A, %mul3A_398 : vector<16xi32>
        %mul3A_400 = arith.constant 256 : i32
        %mul3A_401 = arith.muli %scan3A_181, %mul3A_400 : i32
        %add3A_402 = arith.constant 14 : i32
        %add3A_403 = arith.addi %mul3A_401, %add3A_402 : i32
        %add3A_404 = vector.broadcast %add3A_403 : i32 to vector<16xi32>
        %add3A_405 = arith.addi %mul3A_399, %add3A_404 : vector<16xi32>
        tpu.vector_store_idx %arg8[%add3A_405], %get3A_396 : memref<8192xf32, #tpu.memory_space<vmem>>[vector<16xi32>], vector<16xf32>,
        %mul3A_406 = arith.constant 16 : i32
        %mul3A_407 = arith.muli %scan3A_181, %mul3A_406 : i32
        %get3A_408 = arith.constant 15 : i32
        %get3A_409 = arith.index_cast %get3A_408 : i32 to index
        %get3A_410 = arith.index_cast %mul3A_407 : i32 to index
        %get3A_411 = tpu.vector_load %arg5[%get3A_409, %get3A_410] {strides = array<i32>} : memref<16x512xf32, #tpu.memory_space<vmem>>, vector<16xf32>,
        %mul3A_412 = arith.constant 16 : i32
        %mul3A_413 = vector.broadcast %mul3A_412 : i32 to vector<16xi32>
        %mul3A_414 = arith.muli %iota3A, %mul3A_413 : vector<16xi32>
        %mul3A_415 = arith.constant 256 : i32
        %mul3A_416 = arith.muli %scan3A_181, %mul3A_415 : i32
        %add3A_417 = arith.constant 15 : i32
        %add3A_418 = arith.addi %mul3A_416, %add3A_417 : i32
        %add3A_419 = vector.broadcast %add3A_418 : i32 to vector<16xi32>
        %add3A_420 = arith.addi %mul3A_414, %add3A_419 : vector<16xi32>
        tpu.vector_store_idx %arg8[%add3A_420], %get3A_411 : memref<8192xf32, #tpu.memory_space<vmem>>[vector<16xi32>], vector<16xf32>,
      }
      %scan3A_96 = arith.constant 32 : i32
      %mul3A_97 = arith.constant 16 : i32
      %mul3A_98 = arith.muli %mul3A_90, %mul3A_97 : i32
      %dma_start3A_99 = tpu.memref_slice %arg4[%mul3A_98] : memref<16000000xf32, #tpu.memory_space<hbm>> -> memref<8192xf32, #tpu.memory_space<hbm>>
      %dma_start3A_100 = tpu.memref_slice %arg4[%mul3A_98] : memref<16000000xf32, #tpu.memory_space<hbm>> -> memref<8192xf32, #tpu.memory_space<hbm>>
      tpu.enqueue_dma source(%arg8 : memref<8192xf32, #tpu.memory_space<vmem>>) target(%dma_start3A_100 : memref<8192xf32, #tpu.memory_space<hbm>>) target_semaphore(%arg14 : memref<!tpu.dma_semaphore, #tpu.memory_space<semaphore_mem>>)
      %add3A_101 = arith.constant 3 : i32
      %add3A_102 = arith.addi %add3A_75, %add3A_101 : i32
      %mul3A_103 = arith.constant 32 : i32
      %mul3A_104 = arith.muli %mul3A_103, %add3A_102 : i32
      %add3A_105 = arith.addi %add3A, %mul3A_104 : i32
      %mul3A_106 = arith.constant 512 : i32
      %mul3A_107 = arith.muli %add3A_105, %mul3A_106 : i32
      %dma_start3A_108 = arith.constant 0 : i32
      %dma_start3A_109 = tpu.memref_slice %arg2[%dma_start3A_108, %mul3A_107] : memref<16x1000000xf32, #tpu.memory_space<hbm>> -> memref<16x512xf32, #tpu.memory_space<hbm>>
      %dma_start3A_110 = arith.constant 0 : i32
      %dma_start3A_111 = tpu.memref_slice %arg2[%dma_start3A_110, %mul3A_107] : memref<16x1000000xf32, #tpu.memory_space<hbm>> -> memref<16x512xf32, #tpu.memory_space<hbm>>
      tpu.enqueue_dma source(%dma_start3A_111 : memref<16x512xf32, #tpu.memory_space<hbm>>) target(%arg5 : memref<16x512xf32, #tpu.memory_space<vmem>>) target_semaphore(%arg11 : memref<!tpu.dma_semaphore, #tpu.memory_space<semaphore_mem>>)
      %mul3A_112 = arith.constant 3 : i32
      %mul3A_113 = arith.muli %mul3A_112, %scan3A_71 : i32
      %add3A_114 = arith.constant 1 : i32
      %add3A_115 = arith.addi %mul3A_113, %add3A_114 : i32
      %dma_wait3A_116 = arith.constant 0 : i32
      %dma_wait3A_117 = arith.constant 0 : i32
      %dma_wait3A_118 = tpu.memref_slice %arg2[%dma_wait3A_116, %dma_wait3A_117] : memref<16x1000000xf32, #tpu.memory_space<hbm>> -> memref<16x512xf32, #tpu.memory_space<hbm>>
      %dma_wait3A_119 = arith.constant 0 : i32
      %dma_wait3A_120 = arith.constant 0 : i32
      %dma_wait3A_121 = tpu.memref_slice %arg2[%dma_wait3A_119, %dma_wait3A_120] : memref<16x1000000xf32, #tpu.memory_space<hbm>> -> memref<16x512xf32, #tpu.memory_space<hbm>>
      tpu.wait_dma2 semaphore(%arg12 : memref<!tpu.dma_semaphore, #tpu.memory_space<semaphore_mem>>) src(%dma_wait3A_121 : memref<16x512xf32, #tpu.memory_space<hbm>>) dst(%arg6 : memref<16x512xf32, #tpu.memory_space<vmem>>)
      %ge3A_122 = arith.constant 1 : i32
      %ge3A_123 = arith.cmpi sge, %scan3A_71, %ge3A_122 : i32
      %convert_element_type3A_124 = arith.extui %ge3A_123 : i1 to i32
      %cond3A_125 = arith.constant 0 : i32
      %cond3A_126 = arith.cmpi ne, %convert_element_type3A_124, %cond3A_125 : i32
      scf.if %cond3A_126 {
        %dma_wait3A_181 = arith.constant 0 : i32
        %dma_wait3A_182 = tpu.memref_slice %arg4[%dma_wait3A_181] : memref<16000000xf32, #tpu.memory_space<hbm>> -> memref<8192xf32, #tpu.memory_space<hbm>>
        %dma_wait3A_183 = arith.constant 0 : i32
        %dma_wait3A_184 = tpu.memref_slice %arg4[%dma_wait3A_183] : memref<16000000xf32, #tpu.memory_space<hbm>> -> memref<8192xf32, #tpu.memory_space<hbm>>
        tpu.wait_dma2 semaphore(%arg15 : memref<!tpu.dma_semaphore, #tpu.memory_space<semaphore_mem>>) src(%arg9 : memref<8192xf32, #tpu.memory_space<vmem>>) dst(%dma_wait3A_184 : memref<8192xf32, #tpu.memory_space<hbm>>)
      } else {
      }
      %mul3A_127 = arith.constant 32 : i32
      %mul3A_128 = arith.muli %mul3A_127, %add3A_115 : i32
      %add3A_129 = arith.addi %add3A, %mul3A_128 : i32
      %mul3A_130 = arith.constant 512 : i32
      %mul3A_131 = arith.muli %add3A_129, %mul3A_130 : i32
      %scan3A_132 = arith.constant 0 : i32
      %scan3A_133 = arith.constant 0 : i32
      %scan3A_134 = arith.constant 32 : i32
      %scan3A_135 = arith.addi %scan3A_133, %scan3A_134 : i32
      %scan3A_136 = arith.constant 1 : i32
      scf.for %scan3A_181 = %scan3A_133 to %scan3A_135 step %scan3A_136  : i32 {
        %mul3A_182 = arith.constant 16 : i32
        %mul3A_183 = arith.muli %scan3A_181, %mul3A_182 : i32
        %get3A = arith.constant 0 : i32
        %get3A_184 = arith.index_cast %get3A : i32 to index
        %get3A_185 = arith.index_cast %mul3A_183 : i32 to index
        %get3A_186 = tpu.vector_load %arg6[%get3A_184, %get3A_185] {strides = array<i32>} : memref<16x512xf32, #tpu.memory_space<vmem>>, vector<16xf32>,
        %mul3A_187 = arith.constant 16 : i32
        %mul3A_188 = vector.broadcast %mul3A_187 : i32 to vector<16xi32>
        %mul3A_189 = arith.muli %iota3A, %mul3A_188 : vector<16xi32>
        %mul3A_190 = arith.constant 256 : i32
        %mul3A_191 = arith.muli %scan3A_181, %mul3A_190 : i32
        %add3A_192 = arith.constant 0 : i32
        %add3A_193 = arith.addi %mul3A_191, %add3A_192 : i32
        %add3A_194 = vector.broadcast %add3A_193 : i32 to vector<16xi32>
        %add3A_195 = arith.addi %mul3A_189, %add3A_194 : vector<16xi32>
        tpu.vector_store_idx %arg9[%add3A_195], %get3A_186 : memref<8192xf32, #tpu.memory_space<vmem>>[vector<16xi32>], vector<16xf32>,
        %mul3A_196 = arith.constant 16 : i32
        %mul3A_197 = arith.muli %scan3A_181, %mul3A_196 : i32
        %get3A_198 = arith.constant 1 : i32
        %get3A_199 = arith.index_cast %get3A_198 : i32 to index
        %get3A_200 = arith.index_cast %mul3A_197 : i32 to index
        %get3A_201 = tpu.vector_load %arg6[%get3A_199, %get3A_200] {strides = array<i32>} : memref<16x512xf32, #tpu.memory_space<vmem>>, vector<16xf32>,
        %mul3A_202 = arith.constant 16 : i32
        %mul3A_203 = vector.broadcast %mul3A_202 : i32 to vector<16xi32>
        %mul3A_204 = arith.muli %iota3A, %mul3A_203 : vector<16xi32>
        %mul3A_205 = arith.constant 256 : i32
        %mul3A_206 = arith.muli %scan3A_181, %mul3A_205 : i32
        %add3A_207 = arith.constant 1 : i32
        %add3A_208 = arith.addi %mul3A_206, %add3A_207 : i32
        %add3A_209 = vector.broadcast %add3A_208 : i32 to vector<16xi32>
        %add3A_210 = arith.addi %mul3A_204, %add3A_209 : vector<16xi32>
        tpu.vector_store_idx %arg9[%add3A_210], %get3A_201 : memref<8192xf32, #tpu.memory_space<vmem>>[vector<16xi32>], vector<16xf32>,
        %mul3A_211 = arith.constant 16 : i32
        %mul3A_212 = arith.muli %scan3A_181, %mul3A_211 : i32
        %get3A_213 = arith.constant 2 : i32
        %get3A_214 = arith.index_cast %get3A_213 : i32 to index
        %get3A_215 = arith.index_cast %mul3A_212 : i32 to index
        %get3A_216 = tpu.vector_load %arg6[%get3A_214, %get3A_215] {strides = array<i32>} : memref<16x512xf32, #tpu.memory_space<vmem>>, vector<16xf32>,
        %mul3A_217 = arith.constant 16 : i32
        %mul3A_218 = vector.broadcast %mul3A_217 : i32 to vector<16xi32>
        %mul3A_219 = arith.muli %iota3A, %mul3A_218 : vector<16xi32>
        %mul3A_220 = arith.constant 256 : i32
        %mul3A_221 = arith.muli %scan3A_181, %mul3A_220 : i32
        %add3A_222 = arith.constant 2 : i32
        %add3A_223 = arith.addi %mul3A_221, %add3A_222 : i32
        %add3A_224 = vector.broadcast %add3A_223 : i32 to vector<16xi32>
        %add3A_225 = arith.addi %mul3A_219, %add3A_224 : vector<16xi32>
        tpu.vector_store_idx %arg9[%add3A_225], %get3A_216 : memref<8192xf32, #tpu.memory_space<vmem>>[vector<16xi32>], vector<16xf32>,
        %mul3A_226 = arith.constant 16 : i32
        %mul3A_227 = arith.muli %scan3A_181, %mul3A_226 : i32
        %get3A_228 = arith.constant 3 : i32
        %get3A_229 = arith.index_cast %get3A_228 : i32 to index
        %get3A_230 = arith.index_cast %mul3A_227 : i32 to index
        %get3A_231 = tpu.vector_load %arg6[%get3A_229, %get3A_230] {strides = array<i32>} : memref<16x512xf32, #tpu.memory_space<vmem>>, vector<16xf32>,
        %mul3A_232 = arith.constant 16 : i32
        %mul3A_233 = vector.broadcast %mul3A_232 : i32 to vector<16xi32>
        %mul3A_234 = arith.muli %iota3A, %mul3A_233 : vector<16xi32>
        %mul3A_235 = arith.constant 256 : i32
        %mul3A_236 = arith.muli %scan3A_181, %mul3A_235 : i32
        %add3A_237 = arith.constant 3 : i32
        %add3A_238 = arith.addi %mul3A_236, %add3A_237 : i32
        %add3A_239 = vector.broadcast %add3A_238 : i32 to vector<16xi32>
        %add3A_240 = arith.addi %mul3A_234, %add3A_239 : vector<16xi32>
        tpu.vector_store_idx %arg9[%add3A_240], %get3A_231 : memref<8192xf32, #tpu.memory_space<vmem>>[vector<16xi32>], vector<16xf32>,
        %mul3A_241 = arith.constant 16 : i32
        %mul3A_242 = arith.muli %scan3A_181, %mul3A_241 : i32
        %get3A_243 = arith.constant 4 : i32
        %get3A_244 = arith.index_cast %get3A_243 : i32 to index
        %get3A_245 = arith.index_cast %mul3A_242 : i32 to index
        %get3A_246 = tpu.vector_load %arg6[%get3A_244, %get3A_245] {strides = array<i32>} : memref<16x512xf32, #tpu.memory_space<vmem>>, vector<16xf32>,
        %mul3A_247 = arith.constant 16 : i32
        %mul3A_248 = vector.broadcast %mul3A_247 : i32 to vector<16xi32>
        %mul3A_249 = arith.muli %iota3A, %mul3A_248 : vector<16xi32>
        %mul3A_250 = arith.constant 256 : i32
        %mul3A_251 = arith.muli %scan3A_181, %mul3A_250 : i32
        %add3A_252 = arith.constant 4 : i32
        %add3A_253 = arith.addi %mul3A_251, %add3A_252 : i32
        %add3A_254 = vector.broadcast %add3A_253 : i32 to vector<16xi32>
        %add3A_255 = arith.addi %mul3A_249, %add3A_254 : vector<16xi32>
        tpu.vector_store_idx %arg9[%add3A_255], %get3A_246 : memref<8192xf32, #tpu.memory_space<vmem>>[vector<16xi32>], vector<16xf32>,
        %mul3A_256 = arith.constant 16 : i32
        %mul3A_257 = arith.muli %scan3A_181, %mul3A_256 : i32
        %get3A_258 = arith.constant 5 : i32
        %get3A_259 = arith.index_cast %get3A_258 : i32 to index
        %get3A_260 = arith.index_cast %mul3A_257 : i32 to index
        %get3A_261 = tpu.vector_load %arg6[%get3A_259, %get3A_260] {strides = array<i32>} : memref<16x512xf32, #tpu.memory_space<vmem>>, vector<16xf32>,
        %mul3A_262 = arith.constant 16 : i32
        %mul3A_263 = vector.broadcast %mul3A_262 : i32 to vector<16xi32>
        %mul3A_264 = arith.muli %iota3A, %mul3A_263 : vector<16xi32>
        %mul3A_265 = arith.constant 256 : i32
        %mul3A_266 = arith.muli %scan3A_181, %mul3A_265 : i32
        %add3A_267 = arith.constant 5 : i32
        %add3A_268 = arith.addi %mul3A_266, %add3A_267 : i32
        %add3A_269 = vector.broadcast %add3A_268 : i32 to vector<16xi32>
        %add3A_270 = arith.addi %mul3A_264, %add3A_269 : vector<16xi32>
        tpu.vector_store_idx %arg9[%add3A_270], %get3A_261 : memref<8192xf32, #tpu.memory_space<vmem>>[vector<16xi32>], vector<16xf32>,
        %mul3A_271 = arith.constant 16 : i32
        %mul3A_272 = arith.muli %scan3A_181, %mul3A_271 : i32
        %get3A_273 = arith.constant 6 : i32
        %get3A_274 = arith.index_cast %get3A_273 : i32 to index
        %get3A_275 = arith.index_cast %mul3A_272 : i32 to index
        %get3A_276 = tpu.vector_load %arg6[%get3A_274, %get3A_275] {strides = array<i32>} : memref<16x512xf32, #tpu.memory_space<vmem>>, vector<16xf32>,
        %mul3A_277 = arith.constant 16 : i32
        %mul3A_278 = vector.broadcast %mul3A_277 : i32 to vector<16xi32>
        %mul3A_279 = arith.muli %iota3A, %mul3A_278 : vector<16xi32>
        %mul3A_280 = arith.constant 256 : i32
        %mul3A_281 = arith.muli %scan3A_181, %mul3A_280 : i32
        %add3A_282 = arith.constant 6 : i32
        %add3A_283 = arith.addi %mul3A_281, %add3A_282 : i32
        %add3A_284 = vector.broadcast %add3A_283 : i32 to vector<16xi32>
        %add3A_285 = arith.addi %mul3A_279, %add3A_284 : vector<16xi32>
        tpu.vector_store_idx %arg9[%add3A_285], %get3A_276 : memref<8192xf32, #tpu.memory_space<vmem>>[vector<16xi32>], vector<16xf32>,
        %mul3A_286 = arith.constant 16 : i32
        %mul3A_287 = arith.muli %scan3A_181, %mul3A_286 : i32
        %get3A_288 = arith.constant 7 : i32
        %get3A_289 = arith.index_cast %get3A_288 : i32 to index
        %get3A_290 = arith.index_cast %mul3A_287 : i32 to index
        %get3A_291 = tpu.vector_load %arg6[%get3A_289, %get3A_290] {strides = array<i32>} : memref<16x512xf32, #tpu.memory_space<vmem>>, vector<16xf32>,
        %mul3A_292 = arith.constant 16 : i32
        %mul3A_293 = vector.broadcast %mul3A_292 : i32 to vector<16xi32>
        %mul3A_294 = arith.muli %iota3A, %mul3A_293 : vector<16xi32>
        %mul3A_295 = arith.constant 256 : i32
        %mul3A_296 = arith.muli %scan3A_181, %mul3A_295 : i32
        %add3A_297 = arith.constant 7 : i32
        %add3A_298 = arith.addi %mul3A_296, %add3A_297 : i32
        %add3A_299 = vector.broadcast %add3A_298 : i32 to vector<16xi32>
        %add3A_300 = arith.addi %mul3A_294, %add3A_299 : vector<16xi32>
        tpu.vector_store_idx %arg9[%add3A_300], %get3A_291 : memref<8192xf32, #tpu.memory_space<vmem>>[vector<16xi32>], vector<16xf32>,
        %mul3A_301 = arith.constant 16 : i32
        %mul3A_302 = arith.muli %scan3A_181, %mul3A_301 : i32
        %get3A_303 = arith.constant 8 : i32
        %get3A_304 = arith.index_cast %get3A_303 : i32 to index
        %get3A_305 = arith.index_cast %mul3A_302 : i32 to index
        %get3A_306 = tpu.vector_load %arg6[%get3A_304, %get3A_305] {strides = array<i32>} : memref<16x512xf32, #tpu.memory_space<vmem>>, vector<16xf32>,
        %mul3A_307 = arith.constant 16 : i32
        %mul3A_308 = vector.broadcast %mul3A_307 : i32 to vector<16xi32>
        %mul3A_309 = arith.muli %iota3A, %mul3A_308 : vector<16xi32>
        %mul3A_310 = arith.constant 256 : i32
        %mul3A_311 = arith.muli %scan3A_181, %mul3A_310 : i32
        %add3A_312 = arith.constant 8 : i32
        %add3A_313 = arith.addi %mul3A_311, %add3A_312 : i32
        %add3A_314 = vector.broadcast %add3A_313 : i32 to vector<16xi32>
        %add3A_315 = arith.addi %mul3A_309, %add3A_314 : vector<16xi32>
        tpu.vector_store_idx %arg9[%add3A_315], %get3A_306 : memref<8192xf32, #tpu.memory_space<vmem>>[vector<16xi32>], vector<16xf32>,
        %mul3A_316 = arith.constant 16 : i32
        %mul3A_317 = arith.muli %scan3A_181, %mul3A_316 : i32
        %get3A_318 = arith.constant 9 : i32
        %get3A_319 = arith.index_cast %get3A_318 : i32 to index
        %get3A_320 = arith.index_cast %mul3A_317 : i32 to index
        %get3A_321 = tpu.vector_load %arg6[%get3A_319, %get3A_320] {strides = array<i32>} : memref<16x512xf32, #tpu.memory_space<vmem>>, vector<16xf32>,
        %mul3A_322 = arith.constant 16 : i32
        %mul3A_323 = vector.broadcast %mul3A_322 : i32 to vector<16xi32>
        %mul3A_324 = arith.muli %iota3A, %mul3A_323 : vector<16xi32>
        %mul3A_325 = arith.constant 256 : i32
        %mul3A_326 = arith.muli %scan3A_181, %mul3A_325 : i32
        %add3A_327 = arith.constant 9 : i32
        %add3A_328 = arith.addi %mul3A_326, %add3A_327 : i32
        %add3A_329 = vector.broadcast %add3A_328 : i32 to vector<16xi32>
        %add3A_330 = arith.addi %mul3A_324, %add3A_329 : vector<16xi32>
        tpu.vector_store_idx %arg9[%add3A_330], %get3A_321 : memref<8192xf32, #tpu.memory_space<vmem>>[vector<16xi32>], vector<16xf32>,
        %mul3A_331 = arith.constant 16 : i32
        %mul3A_332 = arith.muli %scan3A_181, %mul3A_331 : i32
        %get3A_333 = arith.constant 10 : i32
        %get3A_334 = arith.index_cast %get3A_333 : i32 to index
        %get3A_335 = arith.index_cast %mul3A_332 : i32 to index
        %get3A_336 = tpu.vector_load %arg6[%get3A_334, %get3A_335] {strides = array<i32>} : memref<16x512xf32, #tpu.memory_space<vmem>>, vector<16xf32>,
        %mul3A_337 = arith.constant 16 : i32
        %mul3A_338 = vector.broadcast %mul3A_337 : i32 to vector<16xi32>
        %mul3A_339 = arith.muli %iota3A, %mul3A_338 : vector<16xi32>
        %mul3A_340 = arith.constant 256 : i32
        %mul3A_341 = arith.muli %scan3A_181, %mul3A_340 : i32
        %add3A_342 = arith.constant 10 : i32
        %add3A_343 = arith.addi %mul3A_341, %add3A_342 : i32
        %add3A_344 = vector.broadcast %add3A_343 : i32 to vector<16xi32>
        %add3A_345 = arith.addi %mul3A_339, %add3A_344 : vector<16xi32>
        tpu.vector_store_idx %arg9[%add3A_345], %get3A_336 : memref<8192xf32, #tpu.memory_space<vmem>>[vector<16xi32>], vector<16xf32>,
        %mul3A_346 = arith.constant 16 : i32
        %mul3A_347 = arith.muli %scan3A_181, %mul3A_346 : i32
        %get3A_348 = arith.constant 11 : i32
        %get3A_349 = arith.index_cast %get3A_348 : i32 to index
        %get3A_350 = arith.index_cast %mul3A_347 : i32 to index
        %get3A_351 = tpu.vector_load %arg6[%get3A_349, %get3A_350] {strides = array<i32>} : memref<16x512xf32, #tpu.memory_space<vmem>>, vector<16xf32>,
        %mul3A_352 = arith.constant 16 : i32
        %mul3A_353 = vector.broadcast %mul3A_352 : i32 to vector<16xi32>
        %mul3A_354 = arith.muli %iota3A, %mul3A_353 : vector<16xi32>
        %mul3A_355 = arith.constant 256 : i32
        %mul3A_356 = arith.muli %scan3A_181, %mul3A_355 : i32
        %add3A_357 = arith.constant 11 : i32
        %add3A_358 = arith.addi %mul3A_356, %add3A_357 : i32
        %add3A_359 = vector.broadcast %add3A_358 : i32 to vector<16xi32>
        %add3A_360 = arith.addi %mul3A_354, %add3A_359 : vector<16xi32>
        tpu.vector_store_idx %arg9[%add3A_360], %get3A_351 : memref<8192xf32, #tpu.memory_space<vmem>>[vector<16xi32>], vector<16xf32>,
        %mul3A_361 = arith.constant 16 : i32
        %mul3A_362 = arith.muli %scan3A_181, %mul3A_361 : i32
        %get3A_363 = arith.constant 12 : i32
        %get3A_364 = arith.index_cast %get3A_363 : i32 to index
        %get3A_365 = arith.index_cast %mul3A_362 : i32 to index
        %get3A_366 = tpu.vector_load %arg6[%get3A_364, %get3A_365] {strides = array<i32>} : memref<16x512xf32, #tpu.memory_space<vmem>>, vector<16xf32>,
        %mul3A_367 = arith.constant 16 : i32
        %mul3A_368 = vector.broadcast %mul3A_367 : i32 to vector<16xi32>
        %mul3A_369 = arith.muli %iota3A, %mul3A_368 : vector<16xi32>
        %mul3A_370 = arith.constant 256 : i32
        %mul3A_371 = arith.muli %scan3A_181, %mul3A_370 : i32
        %add3A_372 = arith.constant 12 : i32
        %add3A_373 = arith.addi %mul3A_371, %add3A_372 : i32
        %add3A_374 = vector.broadcast %add3A_373 : i32 to vector<16xi32>
        %add3A_375 = arith.addi %mul3A_369, %add3A_374 : vector<16xi32>
        tpu.vector_store_idx %arg9[%add3A_375], %get3A_366 : memref<8192xf32, #tpu.memory_space<vmem>>[vector<16xi32>], vector<16xf32>,
        %mul3A_376 = arith.constant 16 : i32
        %mul3A_377 = arith.muli %scan3A_181, %mul3A_376 : i32
        %get3A_378 = arith.constant 13 : i32
        %get3A_379 = arith.index_cast %get3A_378 : i32 to index
        %get3A_380 = arith.index_cast %mul3A_377 : i32 to index
        %get3A_381 = tpu.vector_load %arg6[%get3A_379, %get3A_380] {strides = array<i32>} : memref<16x512xf32, #tpu.memory_space<vmem>>, vector<16xf32>,
        %mul3A_382 = arith.constant 16 : i32
        %mul3A_383 = vector.broadcast %mul3A_382 : i32 to vector<16xi32>
        %mul3A_384 = arith.muli %iota3A, %mul3A_383 : vector<16xi32>
        %mul3A_385 = arith.constant 256 : i32
        %mul3A_386 = arith.muli %scan3A_181, %mul3A_385 : i32
        %add3A_387 = arith.constant 13 : i32
        %add3A_388 = arith.addi %mul3A_386, %add3A_387 : i32
        %add3A_389 = vector.broadcast %add3A_388 : i32 to vector<16xi32>
        %add3A_390 = arith.addi %mul3A_384, %add3A_389 : vector<16xi32>
        tpu.vector_store_idx %arg9[%add3A_390], %get3A_381 : memref<8192xf32, #tpu.memory_space<vmem>>[vector<16xi32>], vector<16xf32>,
        %mul3A_391 = arith.constant 16 : i32
        %mul3A_392 = arith.muli %scan3A_181, %mul3A_391 : i32
        %get3A_393 = arith.constant 14 : i32
        %get3A_394 = arith.index_cast %get3A_393 : i32 to index
        %get3A_395 = arith.index_cast %mul3A_392 : i32 to index
        %get3A_396 = tpu.vector_load %arg6[%get3A_394, %get3A_395] {strides = array<i32>} : memref<16x512xf32, #tpu.memory_space<vmem>>, vector<16xf32>,
        %mul3A_397 = arith.constant 16 : i32
        %mul3A_398 = vector.broadcast %mul3A_397 : i32 to vector<16xi32>
        %mul3A_399 = arith.muli %iota3A, %mul3A_398 : vector<16xi32>
        %mul3A_400 = arith.constant 256 : i32
        %mul3A_401 = arith.muli %scan3A_181, %mul3A_400 : i32
        %add3A_402 = arith.constant 14 : i32
        %add3A_403 = arith.addi %mul3A_401, %add3A_402 : i32
        %add3A_404 = vector.broadcast %add3A_403 : i32 to vector<16xi32>
        %add3A_405 = arith.addi %mul3A_399, %add3A_404 : vector<16xi32>
        tpu.vector_store_idx %arg9[%add3A_405], %get3A_396 : memref<8192xf32, #tpu.memory_space<vmem>>[vector<16xi32>], vector<16xf32>,
        %mul3A_406 = arith.constant 16 : i32
        %mul3A_407 = arith.muli %scan3A_181, %mul3A_406 : i32
        %get3A_408 = arith.constant 15 : i32
        %get3A_409 = arith.index_cast %get3A_408 : i32 to index
        %get3A_410 = arith.index_cast %mul3A_407 : i32 to index
        %get3A_411 = tpu.vector_load %arg6[%get3A_409, %get3A_410] {strides = array<i32>} : memref<16x512xf32, #tpu.memory_space<vmem>>, vector<16xf32>,
        %mul3A_412 = arith.constant 16 : i32
        %mul3A_413 = vector.broadcast %mul3A_412 : i32 to vector<16xi32>
        %mul3A_414 = arith.muli %iota3A, %mul3A_413 : vector<16xi32>
        %mul3A_415 = arith.constant 256 : i32
        %mul3A_416 = arith.muli %scan3A_181, %mul3A_415 : i32
        %add3A_417 = arith.constant 15 : i32
        %add3A_418 = arith.addi %mul3A_416, %add3A_417 : i32
        %add3A_419 = vector.broadcast %add3A_418 : i32 to vector<16xi32>
        %add3A_420 = arith.addi %mul3A_414, %add3A_419 : vector<16xi32>
        tpu.vector_store_idx %arg9[%add3A_420], %get3A_411 : memref<8192xf32, #tpu.memory_space<vmem>>[vector<16xi32>], vector<16xf32>,
      }
      %scan3A_137 = arith.constant 32 : i32
      %mul3A_138 = arith.constant 16 : i32
      %mul3A_139 = arith.muli %mul3A_131, %mul3A_138 : i32
      %dma_start3A_140 = tpu.memref_slice %arg4[%mul3A_139] : memref<16000000xf32, #tpu.memory_space<hbm>> -> memref<8192xf32, #tpu.memory_space<hbm>>
      %dma_start3A_141 = tpu.memref_slice %arg4[%mul3A_139] : memref<16000000xf32, #tpu.memory_space<hbm>> -> memref<8192xf32, #tpu.memory_space<hbm>>
      tpu.enqueue_dma source(%arg9 : memref<8192xf32, #tpu.memory_space<vmem>>) target(%dma_start3A_141 : memref<8192xf32, #tpu.memory_space<hbm>>) target_semaphore(%arg15 : memref<!tpu.dma_semaphore, #tpu.memory_space<semaphore_mem>>)
      %lt3A = arith.constant 19 : i32
      %lt3A_142 = arith.cmpi slt, %scan3A_71, %lt3A : i32
      %convert_element_type3A_143 = arith.extui %lt3A_142 : i1 to i32
      %cond3A_144 = arith.constant 0 : i32
      %cond3A_145 = arith.cmpi ne, %convert_element_type3A_143, %cond3A_144 : i32
      scf.if %cond3A_145 {
        %add3A_181 = arith.constant 3 : i32
        %add3A_182 = arith.addi %add3A_115, %add3A_181 : i32
        %mul3A_183 = arith.constant 32 : i32
        %mul3A_184 = arith.muli %mul3A_183, %add3A_182 : i32
        %add3A_185 = arith.addi %add3A, %mul3A_184 : i32
        %mul3A_186 = arith.constant 512 : i32
        %mul3A_187 = arith.muli %add3A_185, %mul3A_186 : i32
        %dma_start3A_188 = arith.constant 0 : i32
        %dma_start3A_189 = tpu.memref_slice %arg2[%dma_start3A_188, %mul3A_187] : memref<16x1000000xf32, #tpu.memory_space<hbm>> -> memref<16x512xf32, #tpu.memory_space<hbm>>
        %dma_start3A_190 = arith.constant 0 : i32
        %dma_start3A_191 = tpu.memref_slice %arg2[%dma_start3A_190, %mul3A_187] : memref<16x1000000xf32, #tpu.memory_space<hbm>> -> memref<16x512xf32, #tpu.memory_space<hbm>>
        tpu.enqueue_dma source(%dma_start3A_191 : memref<16x512xf32, #tpu.memory_space<hbm>>) target(%arg6 : memref<16x512xf32, #tpu.memory_space<vmem>>) target_semaphore(%arg12 : memref<!tpu.dma_semaphore, #tpu.memory_space<semaphore_mem>>)
      } else {
      }
      %mul3A_146 = arith.constant 3 : i32
      %mul3A_147 = arith.muli %mul3A_146, %scan3A_71 : i32
      %add3A_148 = arith.constant 2 : i32
      %add3A_149 = arith.addi %mul3A_147, %add3A_148 : i32
      %dma_wait3A_150 = arith.constant 0 : i32
      %dma_wait3A_151 = arith.constant 0 : i32
      %dma_wait3A_152 = tpu.memref_slice %arg2[%dma_wait3A_150, %dma_wait3A_151] : memref<16x1000000xf32, #tpu.memory_space<hbm>> -> memref<16x512xf32, #tpu.memory_space<hbm>>
      %dma_wait3A_153 = arith.constant 0 : i32
      %dma_wait3A_154 = arith.constant 0 : i32
      %dma_wait3A_155 = tpu.memref_slice %arg2[%dma_wait3A_153, %dma_wait3A_154] : memref<16x1000000xf32, #tpu.memory_space<hbm>> -> memref<16x512xf32, #tpu.memory_space<hbm>>
      tpu.wait_dma2 semaphore(%arg13 : memref<!tpu.dma_semaphore, #tpu.memory_space<semaphore_mem>>) src(%dma_wait3A_155 : memref<16x512xf32, #tpu.memory_space<hbm>>) dst(%arg7 : memref<16x512xf32, #tpu.memory_space<vmem>>)
      %ge3A_156 = arith.constant 1 : i32
      %ge3A_157 = arith.cmpi sge, %scan3A_71, %ge3A_156 : i32
      %convert_element_type3A_158 = arith.extui %ge3A_157 : i1 to i32
      %cond3A_159 = arith.constant 0 : i32
      %cond3A_160 = arith.cmpi ne, %convert_element_type3A_158, %cond3A_159 : i32
      scf.if %cond3A_160 {
        %dma_wait3A_181 = arith.constant 0 : i32
        %dma_wait3A_182 = tpu.memref_slice %arg4[%dma_wait3A_181] : memref<16000000xf32, #tpu.memory_space<hbm>> -> memref<8192xf32, #tpu.memory_space<hbm>>
        %dma_wait3A_183 = arith.constant 0 : i32
        %dma_wait3A_184 = tpu.memref_slice %arg4[%dma_wait3A_183] : memref<16000000xf32, #tpu.memory_space<hbm>> -> memref<8192xf32, #tpu.memory_space<hbm>>
        tpu.wait_dma2 semaphore(%arg16 : memref<!tpu.dma_semaphore, #tpu.memory_space<semaphore_mem>>) src(%arg10 : memref<8192xf32, #tpu.memory_space<vmem>>) dst(%dma_wait3A_184 : memref<8192xf32, #tpu.memory_space<hbm>>)
      } else {
      }
      %mul3A_161 = arith.constant 32 : i32
      %mul3A_162 = arith.muli %mul3A_161, %add3A_149 : i32
      %add3A_163 = arith.addi %add3A, %mul3A_162 : i32
      %mul3A_164 = arith.constant 512 : i32
      %mul3A_165 = arith.muli %add3A_163, %mul3A_164 : i32
      %scan3A_166 = arith.constant 0 : i32
      %scan3A_167 = arith.constant 0 : i32
      %scan3A_168 = arith.constant 32 : i32
      %scan3A_169 = arith.addi %scan3A_167, %scan3A_168 : i32
      %scan3A_170 = arith.constant 1 : i32
      scf.for %scan3A_181 = %scan3A_167 to %scan3A_169 step %scan3A_170  : i32 {
        %mul3A_182 = arith.constant 16 : i32
        %mul3A_183 = arith.muli %scan3A_181, %mul3A_182 : i32
        %get3A = arith.constant 0 : i32
        %get3A_184 = arith.index_cast %get3A : i32 to index
        %get3A_185 = arith.index_cast %mul3A_183 : i32 to index
        %get3A_186 = tpu.vector_load %arg7[%get3A_184, %get3A_185] {strides = array<i32>} : memref<16x512xf32, #tpu.memory_space<vmem>>, vector<16xf32>,
        %mul3A_187 = arith.constant 16 : i32
        %mul3A_188 = vector.broadcast %mul3A_187 : i32 to vector<16xi32>
        %mul3A_189 = arith.muli %iota3A, %mul3A_188 : vector<16xi32>
        %mul3A_190 = arith.constant 256 : i32
        %mul3A_191 = arith.muli %scan3A_181, %mul3A_190 : i32
        %add3A_192 = arith.constant 0 : i32
        %add3A_193 = arith.addi %mul3A_191, %add3A_192 : i32
        %add3A_194 = vector.broadcast %add3A_193 : i32 to vector<16xi32>
        %add3A_195 = arith.addi %mul3A_189, %add3A_194 : vector<16xi32>
        tpu.vector_store_idx %arg10[%add3A_195], %get3A_186 : memref<8192xf32, #tpu.memory_space<vmem>>[vector<16xi32>], vector<16xf32>,
        %mul3A_196 = arith.constant 16 : i32
        %mul3A_197 = arith.muli %scan3A_181, %mul3A_196 : i32
        %get3A_198 = arith.constant 1 : i32
        %get3A_199 = arith.index_cast %get3A_198 : i32 to index
        %get3A_200 = arith.index_cast %mul3A_197 : i32 to index
        %get3A_201 = tpu.vector_load %arg7[%get3A_199, %get3A_200] {strides = array<i32>} : memref<16x512xf32, #tpu.memory_space<vmem>>, vector<16xf32>,
        %mul3A_202 = arith.constant 16 : i32
        %mul3A_203 = vector.broadcast %mul3A_202 : i32 to vector<16xi32>
        %mul3A_204 = arith.muli %iota3A, %mul3A_203 : vector<16xi32>
        %mul3A_205 = arith.constant 256 : i32
        %mul3A_206 = arith.muli %scan3A_181, %mul3A_205 : i32
        %add3A_207 = arith.constant 1 : i32
        %add3A_208 = arith.addi %mul3A_206, %add3A_207 : i32
        %add3A_209 = vector.broadcast %add3A_208 : i32 to vector<16xi32>
        %add3A_210 = arith.addi %mul3A_204, %add3A_209 : vector<16xi32>
        tpu.vector_store_idx %arg10[%add3A_210], %get3A_201 : memref<8192xf32, #tpu.memory_space<vmem>>[vector<16xi32>], vector<16xf32>,
        %mul3A_211 = arith.constant 16 : i32
        %mul3A_212 = arith.muli %scan3A_181, %mul3A_211 : i32
        %get3A_213 = arith.constant 2 : i32
        %get3A_214 = arith.index_cast %get3A_213 : i32 to index
        %get3A_215 = arith.index_cast %mul3A_212 : i32 to index
        %get3A_216 = tpu.vector_load %arg7[%get3A_214, %get3A_215] {strides = array<i32>} : memref<16x512xf32, #tpu.memory_space<vmem>>, vector<16xf32>,
        %mul3A_217 = arith.constant 16 : i32
        %mul3A_218 = vector.broadcast %mul3A_217 : i32 to vector<16xi32>
        %mul3A_219 = arith.muli %iota3A, %mul3A_218 : vector<16xi32>
        %mul3A_220 = arith.constant 256 : i32
        %mul3A_221 = arith.muli %scan3A_181, %mul3A_220 : i32
        %add3A_222 = arith.constant 2 : i32
        %add3A_223 = arith.addi %mul3A_221, %add3A_222 : i32
        %add3A_224 = vector.broadcast %add3A_223 : i32 to vector<16xi32>
        %add3A_225 = arith.addi %mul3A_219, %add3A_224 : vector<16xi32>
        tpu.vector_store_idx %arg10[%add3A_225], %get3A_216 : memref<8192xf32, #tpu.memory_space<vmem>>[vector<16xi32>], vector<16xf32>,
        %mul3A_226 = arith.constant 16 : i32
        %mul3A_227 = arith.muli %scan3A_181, %mul3A_226 : i32
        %get3A_228 = arith.constant 3 : i32
        %get3A_229 = arith.index_cast %get3A_228 : i32 to index
        %get3A_230 = arith.index_cast %mul3A_227 : i32 to index
        %get3A_231 = tpu.vector_load %arg7[%get3A_229, %get3A_230] {strides = array<i32>} : memref<16x512xf32, #tpu.memory_space<vmem>>, vector<16xf32>,
        %mul3A_232 = arith.constant 16 : i32
        %mul3A_233 = vector.broadcast %mul3A_232 : i32 to vector<16xi32>
        %mul3A_234 = arith.muli %iota3A, %mul3A_233 : vector<16xi32>
        %mul3A_235 = arith.constant 256 : i32
        %mul3A_236 = arith.muli %scan3A_181, %mul3A_235 : i32
        %add3A_237 = arith.constant 3 : i32
        %add3A_238 = arith.addi %mul3A_236, %add3A_237 : i32
        %add3A_239 = vector.broadcast %add3A_238 : i32 to vector<16xi32>
        %add3A_240 = arith.addi %mul3A_234, %add3A_239 : vector<16xi32>
        tpu.vector_store_idx %arg10[%add3A_240], %get3A_231 : memref<8192xf32, #tpu.memory_space<vmem>>[vector<16xi32>], vector<16xf32>,
        %mul3A_241 = arith.constant 16 : i32
        %mul3A_242 = arith.muli %scan3A_181, %mul3A_241 : i32
        %get3A_243 = arith.constant 4 : i32
        %get3A_244 = arith.index_cast %get3A_243 : i32 to index
        %get3A_245 = arith.index_cast %mul3A_242 : i32 to index
        %get3A_246 = tpu.vector_load %arg7[%get3A_244, %get3A_245] {strides = array<i32>} : memref<16x512xf32, #tpu.memory_space<vmem>>, vector<16xf32>,
        %mul3A_247 = arith.constant 16 : i32
        %mul3A_248 = vector.broadcast %mul3A_247 : i32 to vector<16xi32>
        %mul3A_249 = arith.muli %iota3A, %mul3A_248 : vector<16xi32>
        %mul3A_250 = arith.constant 256 : i32
        %mul3A_251 = arith.muli %scan3A_181, %mul3A_250 : i32
        %add3A_252 = arith.constant 4 : i32
        %add3A_253 = arith.addi %mul3A_251, %add3A_252 : i32
        %add3A_254 = vector.broadcast %add3A_253 : i32 to vector<16xi32>
        %add3A_255 = arith.addi %mul3A_249, %add3A_254 : vector<16xi32>
        tpu.vector_store_idx %arg10[%add3A_255], %get3A_246 : memref<8192xf32, #tpu.memory_space<vmem>>[vector<16xi32>], vector<16xf32>,
        %mul3A_256 = arith.constant 16 : i32
        %mul3A_257 = arith.muli %scan3A_181, %mul3A_256 : i32
        %get3A_258 = arith.constant 5 : i32
        %get3A_259 = arith.index_cast %get3A_258 : i32 to index
        %get3A_260 = arith.index_cast %mul3A_257 : i32 to index
        %get3A_261 = tpu.vector_load %arg7[%get3A_259, %get3A_260] {strides = array<i32>} : memref<16x512xf32, #tpu.memory_space<vmem>>, vector<16xf32>,
        %mul3A_262 = arith.constant 16 : i32
        %mul3A_263 = vector.broadcast %mul3A_262 : i32 to vector<16xi32>
        %mul3A_264 = arith.muli %iota3A, %mul3A_263 : vector<16xi32>
        %mul3A_265 = arith.constant 256 : i32
        %mul3A_266 = arith.muli %scan3A_181, %mul3A_265 : i32
        %add3A_267 = arith.constant 5 : i32
        %add3A_268 = arith.addi %mul3A_266, %add3A_267 : i32
        %add3A_269 = vector.broadcast %add3A_268 : i32 to vector<16xi32>
        %add3A_270 = arith.addi %mul3A_264, %add3A_269 : vector<16xi32>
        tpu.vector_store_idx %arg10[%add3A_270], %get3A_261 : memref<8192xf32, #tpu.memory_space<vmem>>[vector<16xi32>], vector<16xf32>,
        %mul3A_271 = arith.constant 16 : i32
        %mul3A_272 = arith.muli %scan3A_181, %mul3A_271 : i32
        %get3A_273 = arith.constant 6 : i32
        %get3A_274 = arith.index_cast %get3A_273 : i32 to index
        %get3A_275 = arith.index_cast %mul3A_272 : i32 to index
        %get3A_276 = tpu.vector_load %arg7[%get3A_274, %get3A_275] {strides = array<i32>} : memref<16x512xf32, #tpu.memory_space<vmem>>, vector<16xf32>,
        %mul3A_277 = arith.constant 16 : i32
        %mul3A_278 = vector.broadcast %mul3A_277 : i32 to vector<16xi32>
        %mul3A_279 = arith.muli %iota3A, %mul3A_278 : vector<16xi32>
        %mul3A_280 = arith.constant 256 : i32
        %mul3A_281 = arith.muli %scan3A_181, %mul3A_280 : i32
        %add3A_282 = arith.constant 6 : i32
        %add3A_283 = arith.addi %mul3A_281, %add3A_282 : i32
        %add3A_284 = vector.broadcast %add3A_283 : i32 to vector<16xi32>
        %add3A_285 = arith.addi %mul3A_279, %add3A_284 : vector<16xi32>
        tpu.vector_store_idx %arg10[%add3A_285], %get3A_276 : memref<8192xf32, #tpu.memory_space<vmem>>[vector<16xi32>], vector<16xf32>,
        %mul3A_286 = arith.constant 16 : i32
        %mul3A_287 = arith.muli %scan3A_181, %mul3A_286 : i32
        %get3A_288 = arith.constant 7 : i32
        %get3A_289 = arith.index_cast %get3A_288 : i32 to index
        %get3A_290 = arith.index_cast %mul3A_287 : i32 to index
        %get3A_291 = tpu.vector_load %arg7[%get3A_289, %get3A_290] {strides = array<i32>} : memref<16x512xf32, #tpu.memory_space<vmem>>, vector<16xf32>,
        %mul3A_292 = arith.constant 16 : i32
        %mul3A_293 = vector.broadcast %mul3A_292 : i32 to vector<16xi32>
        %mul3A_294 = arith.muli %iota3A, %mul3A_293 : vector<16xi32>
        %mul3A_295 = arith.constant 256 : i32
        %mul3A_296 = arith.muli %scan3A_181, %mul3A_295 : i32
        %add3A_297 = arith.constant 7 : i32
        %add3A_298 = arith.addi %mul3A_296, %add3A_297 : i32
        %add3A_299 = vector.broadcast %add3A_298 : i32 to vector<16xi32>
        %add3A_300 = arith.addi %mul3A_294, %add3A_299 : vector<16xi32>
        tpu.vector_store_idx %arg10[%add3A_300], %get3A_291 : memref<8192xf32, #tpu.memory_space<vmem>>[vector<16xi32>], vector<16xf32>,
        %mul3A_301 = arith.constant 16 : i32
        %mul3A_302 = arith.muli %scan3A_181, %mul3A_301 : i32
        %get3A_303 = arith.constant 8 : i32
        %get3A_304 = arith.index_cast %get3A_303 : i32 to index
        %get3A_305 = arith.index_cast %mul3A_302 : i32 to index
        %get3A_306 = tpu.vector_load %arg7[%get3A_304, %get3A_305] {strides = array<i32>} : memref<16x512xf32, #tpu.memory_space<vmem>>, vector<16xf32>,
        %mul3A_307 = arith.constant 16 : i32
        %mul3A_308 = vector.broadcast %mul3A_307 : i32 to vector<16xi32>
        %mul3A_309 = arith.muli %iota3A, %mul3A_308 : vector<16xi32>
        %mul3A_310 = arith.constant 256 : i32
        %mul3A_311 = arith.muli %scan3A_181, %mul3A_310 : i32
        %add3A_312 = arith.constant 8 : i32
        %add3A_313 = arith.addi %mul3A_311, %add3A_312 : i32
        %add3A_314 = vector.broadcast %add3A_313 : i32 to vector<16xi32>
        %add3A_315 = arith.addi %mul3A_309, %add3A_314 : vector<16xi32>
        tpu.vector_store_idx %arg10[%add3A_315], %get3A_306 : memref<8192xf32, #tpu.memory_space<vmem>>[vector<16xi32>], vector<16xf32>,
        %mul3A_316 = arith.constant 16 : i32
        %mul3A_317 = arith.muli %scan3A_181, %mul3A_316 : i32
        %get3A_318 = arith.constant 9 : i32
        %get3A_319 = arith.index_cast %get3A_318 : i32 to index
        %get3A_320 = arith.index_cast %mul3A_317 : i32 to index
        %get3A_321 = tpu.vector_load %arg7[%get3A_319, %get3A_320] {strides = array<i32>} : memref<16x512xf32, #tpu.memory_space<vmem>>, vector<16xf32>,
        %mul3A_322 = arith.constant 16 : i32
        %mul3A_323 = vector.broadcast %mul3A_322 : i32 to vector<16xi32>
        %mul3A_324 = arith.muli %iota3A, %mul3A_323 : vector<16xi32>
        %mul3A_325 = arith.constant 256 : i32
        %mul3A_326 = arith.muli %scan3A_181, %mul3A_325 : i32
        %add3A_327 = arith.constant 9 : i32
        %add3A_328 = arith.addi %mul3A_326, %add3A_327 : i32
        %add3A_329 = vector.broadcast %add3A_328 : i32 to vector<16xi32>
        %add3A_330 = arith.addi %mul3A_324, %add3A_329 : vector<16xi32>
        tpu.vector_store_idx %arg10[%add3A_330], %get3A_321 : memref<8192xf32, #tpu.memory_space<vmem>>[vector<16xi32>], vector<16xf32>,
        %mul3A_331 = arith.constant 16 : i32
        %mul3A_332 = arith.muli %scan3A_181, %mul3A_331 : i32
        %get3A_333 = arith.constant 10 : i32
        %get3A_334 = arith.index_cast %get3A_333 : i32 to index
        %get3A_335 = arith.index_cast %mul3A_332 : i32 to index
        %get3A_336 = tpu.vector_load %arg7[%get3A_334, %get3A_335] {strides = array<i32>} : memref<16x512xf32, #tpu.memory_space<vmem>>, vector<16xf32>,
        %mul3A_337 = arith.constant 16 : i32
        %mul3A_338 = vector.broadcast %mul3A_337 : i32 to vector<16xi32>
        %mul3A_339 = arith.muli %iota3A, %mul3A_338 : vector<16xi32>
        %mul3A_340 = arith.constant 256 : i32
        %mul3A_341 = arith.muli %scan3A_181, %mul3A_340 : i32
        %add3A_342 = arith.constant 10 : i32
        %add3A_343 = arith.addi %mul3A_341, %add3A_342 : i32
        %add3A_344 = vector.broadcast %add3A_343 : i32 to vector<16xi32>
        %add3A_345 = arith.addi %mul3A_339, %add3A_344 : vector<16xi32>
        tpu.vector_store_idx %arg10[%add3A_345], %get3A_336 : memref<8192xf32, #tpu.memory_space<vmem>>[vector<16xi32>], vector<16xf32>,
        %mul3A_346 = arith.constant 16 : i32
        %mul3A_347 = arith.muli %scan3A_181, %mul3A_346 : i32
        %get3A_348 = arith.constant 11 : i32
        %get3A_349 = arith.index_cast %get3A_348 : i32 to index
        %get3A_350 = arith.index_cast %mul3A_347 : i32 to index
        %get3A_351 = tpu.vector_load %arg7[%get3A_349, %get3A_350] {strides = array<i32>} : memref<16x512xf32, #tpu.memory_space<vmem>>, vector<16xf32>,
        %mul3A_352 = arith.constant 16 : i32
        %mul3A_353 = vector.broadcast %mul3A_352 : i32 to vector<16xi32>
        %mul3A_354 = arith.muli %iota3A, %mul3A_353 : vector<16xi32>
        %mul3A_355 = arith.constant 256 : i32
        %mul3A_356 = arith.muli %scan3A_181, %mul3A_355 : i32
        %add3A_357 = arith.constant 11 : i32
        %add3A_358 = arith.addi %mul3A_356, %add3A_357 : i32
        %add3A_359 = vector.broadcast %add3A_358 : i32 to vector<16xi32>
        %add3A_360 = arith.addi %mul3A_354, %add3A_359 : vector<16xi32>
        tpu.vector_store_idx %arg10[%add3A_360], %get3A_351 : memref<8192xf32, #tpu.memory_space<vmem>>[vector<16xi32>], vector<16xf32>,
        %mul3A_361 = arith.constant 16 : i32
        %mul3A_362 = arith.muli %scan3A_181, %mul3A_361 : i32
        %get3A_363 = arith.constant 12 : i32
        %get3A_364 = arith.index_cast %get3A_363 : i32 to index
        %get3A_365 = arith.index_cast %mul3A_362 : i32 to index
        %get3A_366 = tpu.vector_load %arg7[%get3A_364, %get3A_365] {strides = array<i32>} : memref<16x512xf32, #tpu.memory_space<vmem>>, vector<16xf32>,
        %mul3A_367 = arith.constant 16 : i32
        %mul3A_368 = vector.broadcast %mul3A_367 : i32 to vector<16xi32>
        %mul3A_369 = arith.muli %iota3A, %mul3A_368 : vector<16xi32>
        %mul3A_370 = arith.constant 256 : i32
        %mul3A_371 = arith.muli %scan3A_181, %mul3A_370 : i32
        %add3A_372 = arith.constant 12 : i32
        %add3A_373 = arith.addi %mul3A_371, %add3A_372 : i32
        %add3A_374 = vector.broadcast %add3A_373 : i32 to vector<16xi32>
        %add3A_375 = arith.addi %mul3A_369, %add3A_374 : vector<16xi32>
        tpu.vector_store_idx %arg10[%add3A_375], %get3A_366 : memref<8192xf32, #tpu.memory_space<vmem>>[vector<16xi32>], vector<16xf32>,
        %mul3A_376 = arith.constant 16 : i32
        %mul3A_377 = arith.muli %scan3A_181, %mul3A_376 : i32
        %get3A_378 = arith.constant 13 : i32
        %get3A_379 = arith.index_cast %get3A_378 : i32 to index
        %get3A_380 = arith.index_cast %mul3A_377 : i32 to index
        %get3A_381 = tpu.vector_load %arg7[%get3A_379, %get3A_380] {strides = array<i32>} : memref<16x512xf32, #tpu.memory_space<vmem>>, vector<16xf32>,
        %mul3A_382 = arith.constant 16 : i32
        %mul3A_383 = vector.broadcast %mul3A_382 : i32 to vector<16xi32>
        %mul3A_384 = arith.muli %iota3A, %mul3A_383 : vector<16xi32>
        %mul3A_385 = arith.constant 256 : i32
        %mul3A_386 = arith.muli %scan3A_181, %mul3A_385 : i32
        %add3A_387 = arith.constant 13 : i32
        %add3A_388 = arith.addi %mul3A_386, %add3A_387 : i32
        %add3A_389 = vector.broadcast %add3A_388 : i32 to vector<16xi32>
        %add3A_390 = arith.addi %mul3A_384, %add3A_389 : vector<16xi32>
        tpu.vector_store_idx %arg10[%add3A_390], %get3A_381 : memref<8192xf32, #tpu.memory_space<vmem>>[vector<16xi32>], vector<16xf32>,
        %mul3A_391 = arith.constant 16 : i32
        %mul3A_392 = arith.muli %scan3A_181, %mul3A_391 : i32
        %get3A_393 = arith.constant 14 : i32
        %get3A_394 = arith.index_cast %get3A_393 : i32 to index
        %get3A_395 = arith.index_cast %mul3A_392 : i32 to index
        %get3A_396 = tpu.vector_load %arg7[%get3A_394, %get3A_395] {strides = array<i32>} : memref<16x512xf32, #tpu.memory_space<vmem>>, vector<16xf32>,
        %mul3A_397 = arith.constant 16 : i32
        %mul3A_398 = vector.broadcast %mul3A_397 : i32 to vector<16xi32>
        %mul3A_399 = arith.muli %iota3A, %mul3A_398 : vector<16xi32>
        %mul3A_400 = arith.constant 256 : i32
        %mul3A_401 = arith.muli %scan3A_181, %mul3A_400 : i32
        %add3A_402 = arith.constant 14 : i32
        %add3A_403 = arith.addi %mul3A_401, %add3A_402 : i32
        %add3A_404 = vector.broadcast %add3A_403 : i32 to vector<16xi32>
        %add3A_405 = arith.addi %mul3A_399, %add3A_404 : vector<16xi32>
        tpu.vector_store_idx %arg10[%add3A_405], %get3A_396 : memref<8192xf32, #tpu.memory_space<vmem>>[vector<16xi32>], vector<16xf32>,
        %mul3A_406 = arith.constant 16 : i32
        %mul3A_407 = arith.muli %scan3A_181, %mul3A_406 : i32
        %get3A_408 = arith.constant 15 : i32
        %get3A_409 = arith.index_cast %get3A_408 : i32 to index
        %get3A_410 = arith.index_cast %mul3A_407 : i32 to index
        %get3A_411 = tpu.vector_load %arg7[%get3A_409, %get3A_410] {strides = array<i32>} : memref<16x512xf32, #tpu.memory_space<vmem>>, vector<16xf32>,
        %mul3A_412 = arith.constant 16 : i32
        %mul3A_413 = vector.broadcast %mul3A_412 : i32 to vector<16xi32>
        %mul3A_414 = arith.muli %iota3A, %mul3A_413 : vector<16xi32>
        %mul3A_415 = arith.constant 256 : i32
        %mul3A_416 = arith.muli %scan3A_181, %mul3A_415 : i32
        %add3A_417 = arith.constant 15 : i32
        %add3A_418 = arith.addi %mul3A_416, %add3A_417 : i32
        %add3A_419 = vector.broadcast %add3A_418 : i32 to vector<16xi32>
        %add3A_420 = arith.addi %mul3A_414, %add3A_419 : vector<16xi32>
        tpu.vector_store_idx %arg10[%add3A_420], %get3A_411 : memref<8192xf32, #tpu.memory_space<vmem>>[vector<16xi32>], vector<16xf32>,
      }
      %scan3A_171 = arith.constant 32 : i32
      %mul3A_172 = arith.constant 16 : i32
      %mul3A_173 = arith.muli %mul3A_165, %mul3A_172 : i32
      %dma_start3A_174 = tpu.memref_slice %arg4[%mul3A_173] : memref<16000000xf32, #tpu.memory_space<hbm>> -> memref<8192xf32, #tpu.memory_space<hbm>>
      %dma_start3A_175 = tpu.memref_slice %arg4[%mul3A_173] : memref<16000000xf32, #tpu.memory_space<hbm>> -> memref<8192xf32, #tpu.memory_space<hbm>>
      tpu.enqueue_dma source(%arg10 : memref<8192xf32, #tpu.memory_space<vmem>>) target(%dma_start3A_175 : memref<8192xf32, #tpu.memory_space<hbm>>) target_semaphore(%arg16 : memref<!tpu.dma_semaphore, #tpu.memory_space<semaphore_mem>>)
      %lt3A_176 = arith.constant 19 : i32
      %lt3A_177 = arith.cmpi slt, %scan3A_71, %lt3A_176 : i32
      %convert_element_type3A_178 = arith.extui %lt3A_177 : i1 to i32
      %cond3A_179 = arith.constant 0 : i32
      %cond3A_180 = arith.cmpi ne, %convert_element_type3A_178, %cond3A_179 : i32
      scf.if %cond3A_180 {
        %add3A_181 = arith.constant 3 : i32
        %add3A_182 = arith.addi %add3A_149, %add3A_181 : i32
        %mul3A_183 = arith.constant 32 : i32
        %mul3A_184 = arith.muli %mul3A_183, %add3A_182 : i32
        %add3A_185 = arith.addi %add3A, %mul3A_184 : i32
        %mul3A_186 = arith.constant 512 : i32
        %mul3A_187 = arith.muli %add3A_185, %mul3A_186 : i32
        %dma_start3A_188 = arith.constant 0 : i32
        %dma_start3A_189 = tpu.memref_slice %arg2[%dma_start3A_188, %mul3A_187] : memref<16x1000000xf32, #tpu.memory_space<hbm>> -> memref<16x512xf32, #tpu.memory_space<hbm>>
        %dma_start3A_190 = arith.constant 0 : i32
        %dma_start3A_191 = tpu.memref_slice %arg2[%dma_start3A_190, %mul3A_187] : memref<16x1000000xf32, #tpu.memory_space<hbm>> -> memref<16x512xf32, #tpu.memory_space<hbm>>
        tpu.enqueue_dma source(%dma_start3A_191 : memref<16x512xf32, #tpu.memory_space<hbm>>) target(%arg7 : memref<16x512xf32, #tpu.memory_space<vmem>>) target_semaphore(%arg13 : memref<!tpu.dma_semaphore, #tpu.memory_space<semaphore_mem>>)
      } else {
      }
    }
    %scan3A_28 = arith.constant 20 : i32
    %dma_wait3A = arith.constant 0 : i32
    %dma_wait3A_29 = arith.constant 0 : i32
    %dma_wait3A_30 = tpu.memref_slice %arg2[%dma_wait3A, %dma_wait3A_29] : memref<16x1000000xf32, #tpu.memory_space<hbm>> -> memref<16x512xf32, #tpu.memory_space<hbm>>
    %dma_wait3A_31 = arith.constant 0 : i32
    %dma_wait3A_32 = arith.constant 0 : i32
    %dma_wait3A_33 = tpu.memref_slice %arg2[%dma_wait3A_31, %dma_wait3A_32] : memref<16x1000000xf32, #tpu.memory_space<hbm>> -> memref<16x512xf32, #tpu.memory_space<hbm>>
    tpu.wait_dma2 semaphore(%arg11 : memref<!tpu.dma_semaphore, #tpu.memory_space<semaphore_mem>>) src(%dma_wait3A_33 : memref<16x512xf32, #tpu.memory_space<hbm>>) dst(%arg5 : memref<16x512xf32, #tpu.memory_space<vmem>>)
    %dma_wait3A_34 = arith.constant 0 : i32
    %dma_wait3A_35 = tpu.memref_slice %arg4[%dma_wait3A_34] : memref<16000000xf32, #tpu.memory_space<hbm>> -> memref<8192xf32, #tpu.memory_space<hbm>>
    %dma_wait3A_36 = arith.constant 0 : i32
    %dma_wait3A_37 = tpu.memref_slice %arg4[%dma_wait3A_36] : memref<16000000xf32, #tpu.memory_space<hbm>> -> memref<8192xf32, #tpu.memory_space<hbm>>
    tpu.wait_dma2 semaphore(%arg14 : memref<!tpu.dma_semaphore, #tpu.memory_space<semaphore_mem>>) src(%arg8 : memref<8192xf32, #tpu.memory_space<vmem>>) dst(%dma_wait3A_37 : memref<8192xf32, #tpu.memory_space<hbm>>)
    %add3A_38 = arith.constant 1920 : i32
    %add3A_39 = arith.addi %add3A, %add3A_38 : i32
    %mul3A_40 = arith.constant 512 : i32
    %mul3A_41 = arith.muli %add3A_39, %mul3A_40 : i32
    %scan3A_42 = arith.constant 0 : i32
    %scan3A_43 = arith.constant 0 : i32
    %scan3A_44 = arith.constant 32 : i32
    %scan3A_45 = arith.addi %scan3A_43, %scan3A_44 : i32
    %scan3A_46 = arith.constant 1 : i32
    scf.for %scan3A_71 = %scan3A_43 to %scan3A_45 step %scan3A_46  : i32 {
      %mul3A_72 = arith.constant 16 : i32
      %mul3A_73 = arith.muli %scan3A_71, %mul3A_72 : i32
      %get3A = arith.constant 0 : i32
      %get3A_74 = arith.index_cast %get3A : i32 to index
      %get3A_75 = arith.index_cast %mul3A_73 : i32 to index
      %get3A_76 = tpu.vector_load %arg5[%get3A_74, %get3A_75] {strides = array<i32>} : memref<16x512xf32, #tpu.memory_space<vmem>>, vector<16xf32>,
      %mul3A_77 = arith.constant 16 : i32
      %mul3A_78 = vector.broadcast %mul3A_77 : i32 to vector<16xi32>
      %mul3A_79 = arith.muli %iota3A, %mul3A_78 : vector<16xi32>
      %mul3A_80 = arith.constant 256 : i32
      %mul3A_81 = arith.muli %scan3A_71, %mul3A_80 : i32
      %add3A_82 = arith.constant 0 : i32
      %add3A_83 = arith.addi %mul3A_81, %add3A_82 : i32
      %add3A_84 = vector.broadcast %add3A_83 : i32 to vector<16xi32>
      %add3A_85 = arith.addi %mul3A_79, %add3A_84 : vector<16xi32>
      tpu.vector_store_idx %arg8[%add3A_85], %get3A_76 : memref<8192xf32, #tpu.memory_space<vmem>>[vector<16xi32>], vector<16xf32>,
      %mul3A_86 = arith.constant 16 : i32
      %mul3A_87 = arith.muli %scan3A_71, %mul3A_86 : i32
      %get3A_88 = arith.constant 1 : i32
      %get3A_89 = arith.index_cast %get3A_88 : i32 to index
      %get3A_90 = arith.index_cast %mul3A_87 : i32 to index
      %get3A_91 = tpu.vector_load %arg5[%get3A_89, %get3A_90] {strides = array<i32>} : memref<16x512xf32, #tpu.memory_space<vmem>>, vector<16xf32>,
      %mul3A_92 = arith.constant 16 : i32
      %mul3A_93 = vector.broadcast %mul3A_92 : i32 to vector<16xi32>
      %mul3A_94 = arith.muli %iota3A, %mul3A_93 : vector<16xi32>
      %mul3A_95 = arith.constant 256 : i32
      %mul3A_96 = arith.muli %scan3A_71, %mul3A_95 : i32
      %add3A_97 = arith.constant 1 : i32
      %add3A_98 = arith.addi %mul3A_96, %add3A_97 : i32
      %add3A_99 = vector.broadcast %add3A_98 : i32 to vector<16xi32>
      %add3A_100 = arith.addi %mul3A_94, %add3A_99 : vector<16xi32>
      tpu.vector_store_idx %arg8[%add3A_100], %get3A_91 : memref<8192xf32, #tpu.memory_space<vmem>>[vector<16xi32>], vector<16xf32>,
      %mul3A_101 = arith.constant 16 : i32
      %mul3A_102 = arith.muli %scan3A_71, %mul3A_101 : i32
      %get3A_103 = arith.constant 2 : i32
      %get3A_104 = arith.index_cast %get3A_103 : i32 to index
      %get3A_105 = arith.index_cast %mul3A_102 : i32 to index
      %get3A_106 = tpu.vector_load %arg5[%get3A_104, %get3A_105] {strides = array<i32>} : memref<16x512xf32, #tpu.memory_space<vmem>>, vector<16xf32>,
      %mul3A_107 = arith.constant 16 : i32
      %mul3A_108 = vector.broadcast %mul3A_107 : i32 to vector<16xi32>
      %mul3A_109 = arith.muli %iota3A, %mul3A_108 : vector<16xi32>
      %mul3A_110 = arith.constant 256 : i32
      %mul3A_111 = arith.muli %scan3A_71, %mul3A_110 : i32
      %add3A_112 = arith.constant 2 : i32
      %add3A_113 = arith.addi %mul3A_111, %add3A_112 : i32
      %add3A_114 = vector.broadcast %add3A_113 : i32 to vector<16xi32>
      %add3A_115 = arith.addi %mul3A_109, %add3A_114 : vector<16xi32>
      tpu.vector_store_idx %arg8[%add3A_115], %get3A_106 : memref<8192xf32, #tpu.memory_space<vmem>>[vector<16xi32>], vector<16xf32>,
      %mul3A_116 = arith.constant 16 : i32
      %mul3A_117 = arith.muli %scan3A_71, %mul3A_116 : i32
      %get3A_118 = arith.constant 3 : i32
      %get3A_119 = arith.index_cast %get3A_118 : i32 to index
      %get3A_120 = arith.index_cast %mul3A_117 : i32 to index
      %get3A_121 = tpu.vector_load %arg5[%get3A_119, %get3A_120] {strides = array<i32>} : memref<16x512xf32, #tpu.memory_space<vmem>>, vector<16xf32>,
      %mul3A_122 = arith.constant 16 : i32
      %mul3A_123 = vector.broadcast %mul3A_122 : i32 to vector<16xi32>
      %mul3A_124 = arith.muli %iota3A, %mul3A_123 : vector<16xi32>
      %mul3A_125 = arith.constant 256 : i32
      %mul3A_126 = arith.muli %scan3A_71, %mul3A_125 : i32
      %add3A_127 = arith.constant 3 : i32
      %add3A_128 = arith.addi %mul3A_126, %add3A_127 : i32
      %add3A_129 = vector.broadcast %add3A_128 : i32 to vector<16xi32>
      %add3A_130 = arith.addi %mul3A_124, %add3A_129 : vector<16xi32>
      tpu.vector_store_idx %arg8[%add3A_130], %get3A_121 : memref<8192xf32, #tpu.memory_space<vmem>>[vector<16xi32>], vector<16xf32>,
      %mul3A_131 = arith.constant 16 : i32
      %mul3A_132 = arith.muli %scan3A_71, %mul3A_131 : i32
      %get3A_133 = arith.constant 4 : i32
      %get3A_134 = arith.index_cast %get3A_133 : i32 to index
      %get3A_135 = arith.index_cast %mul3A_132 : i32 to index
      %get3A_136 = tpu.vector_load %arg5[%get3A_134, %get3A_135] {strides = array<i32>} : memref<16x512xf32, #tpu.memory_space<vmem>>, vector<16xf32>,
      %mul3A_137 = arith.constant 16 : i32
      %mul3A_138 = vector.broadcast %mul3A_137 : i32 to vector<16xi32>
      %mul3A_139 = arith.muli %iota3A, %mul3A_138 : vector<16xi32>
      %mul3A_140 = arith.constant 256 : i32
      %mul3A_141 = arith.muli %scan3A_71, %mul3A_140 : i32
      %add3A_142 = arith.constant 4 : i32
      %add3A_143 = arith.addi %mul3A_141, %add3A_142 : i32
      %add3A_144 = vector.broadcast %add3A_143 : i32 to vector<16xi32>
      %add3A_145 = arith.addi %mul3A_139, %add3A_144 : vector<16xi32>
      tpu.vector_store_idx %arg8[%add3A_145], %get3A_136 : memref<8192xf32, #tpu.memory_space<vmem>>[vector<16xi32>], vector<16xf32>,
      %mul3A_146 = arith.constant 16 : i32
      %mul3A_147 = arith.muli %scan3A_71, %mul3A_146 : i32
      %get3A_148 = arith.constant 5 : i32
      %get3A_149 = arith.index_cast %get3A_148 : i32 to index
      %get3A_150 = arith.index_cast %mul3A_147 : i32 to index
      %get3A_151 = tpu.vector_load %arg5[%get3A_149, %get3A_150] {strides = array<i32>} : memref<16x512xf32, #tpu.memory_space<vmem>>, vector<16xf32>,
      %mul3A_152 = arith.constant 16 : i32
      %mul3A_153 = vector.broadcast %mul3A_152 : i32 to vector<16xi32>
      %mul3A_154 = arith.muli %iota3A, %mul3A_153 : vector<16xi32>
      %mul3A_155 = arith.constant 256 : i32
      %mul3A_156 = arith.muli %scan3A_71, %mul3A_155 : i32
      %add3A_157 = arith.constant 5 : i32
      %add3A_158 = arith.addi %mul3A_156, %add3A_157 : i32
      %add3A_159 = vector.broadcast %add3A_158 : i32 to vector<16xi32>
      %add3A_160 = arith.addi %mul3A_154, %add3A_159 : vector<16xi32>
      tpu.vector_store_idx %arg8[%add3A_160], %get3A_151 : memref<8192xf32, #tpu.memory_space<vmem>>[vector<16xi32>], vector<16xf32>,
      %mul3A_161 = arith.constant 16 : i32
      %mul3A_162 = arith.muli %scan3A_71, %mul3A_161 : i32
      %get3A_163 = arith.constant 6 : i32
      %get3A_164 = arith.index_cast %get3A_163 : i32 to index
      %get3A_165 = arith.index_cast %mul3A_162 : i32 to index
      %get3A_166 = tpu.vector_load %arg5[%get3A_164, %get3A_165] {strides = array<i32>} : memref<16x512xf32, #tpu.memory_space<vmem>>, vector<16xf32>,
      %mul3A_167 = arith.constant 16 : i32
      %mul3A_168 = vector.broadcast %mul3A_167 : i32 to vector<16xi32>
      %mul3A_169 = arith.muli %iota3A, %mul3A_168 : vector<16xi32>
      %mul3A_170 = arith.constant 256 : i32
      %mul3A_171 = arith.muli %scan3A_71, %mul3A_170 : i32
      %add3A_172 = arith.constant 6 : i32
      %add3A_173 = arith.addi %mul3A_171, %add3A_172 : i32
      %add3A_174 = vector.broadcast %add3A_173 : i32 to vector<16xi32>
      %add3A_175 = arith.addi %mul3A_169, %add3A_174 : vector<16xi32>
      tpu.vector_store_idx %arg8[%add3A_175], %get3A_166 : memref<8192xf32, #tpu.memory_space<vmem>>[vector<16xi32>], vector<16xf32>,
      %mul3A_176 = arith.constant 16 : i32
      %mul3A_177 = arith.muli %scan3A_71, %mul3A_176 : i32
      %get3A_178 = arith.constant 7 : i32
      %get3A_179 = arith.index_cast %get3A_178 : i32 to index
      %get3A_180 = arith.index_cast %mul3A_177 : i32 to index
      %get3A_181 = tpu.vector_load %arg5[%get3A_179, %get3A_180] {strides = array<i32>} : memref<16x512xf32, #tpu.memory_space<vmem>>, vector<16xf32>,
      %mul3A_182 = arith.constant 16 : i32
      %mul3A_183 = vector.broadcast %mul3A_182 : i32 to vector<16xi32>
      %mul3A_184 = arith.muli %iota3A, %mul3A_183 : vector<16xi32>
      %mul3A_185 = arith.constant 256 : i32
      %mul3A_186 = arith.muli %scan3A_71, %mul3A_185 : i32
      %add3A_187 = arith.constant 7 : i32
      %add3A_188 = arith.addi %mul3A_186, %add3A_187 : i32
      %add3A_189 = vector.broadcast %add3A_188 : i32 to vector<16xi32>
      %add3A_190 = arith.addi %mul3A_184, %add3A_189 : vector<16xi32>
      tpu.vector_store_idx %arg8[%add3A_190], %get3A_181 : memref<8192xf32, #tpu.memory_space<vmem>>[vector<16xi32>], vector<16xf32>,
      %mul3A_191 = arith.constant 16 : i32
      %mul3A_192 = arith.muli %scan3A_71, %mul3A_191 : i32
      %get3A_193 = arith.constant 8 : i32
      %get3A_194 = arith.index_cast %get3A_193 : i32 to index
      %get3A_195 = arith.index_cast %mul3A_192 : i32 to index
      %get3A_196 = tpu.vector_load %arg5[%get3A_194, %get3A_195] {strides = array<i32>} : memref<16x512xf32, #tpu.memory_space<vmem>>, vector<16xf32>,
      %mul3A_197 = arith.constant 16 : i32
      %mul3A_198 = vector.broadcast %mul3A_197 : i32 to vector<16xi32>
      %mul3A_199 = arith.muli %iota3A, %mul3A_198 : vector<16xi32>
      %mul3A_200 = arith.constant 256 : i32
      %mul3A_201 = arith.muli %scan3A_71, %mul3A_200 : i32
      %add3A_202 = arith.constant 8 : i32
      %add3A_203 = arith.addi %mul3A_201, %add3A_202 : i32
      %add3A_204 = vector.broadcast %add3A_203 : i32 to vector<16xi32>
      %add3A_205 = arith.addi %mul3A_199, %add3A_204 : vector<16xi32>
      tpu.vector_store_idx %arg8[%add3A_205], %get3A_196 : memref<8192xf32, #tpu.memory_space<vmem>>[vector<16xi32>], vector<16xf32>,
      %mul3A_206 = arith.constant 16 : i32
      %mul3A_207 = arith.muli %scan3A_71, %mul3A_206 : i32
      %get3A_208 = arith.constant 9 : i32
      %get3A_209 = arith.index_cast %get3A_208 : i32 to index
      %get3A_210 = arith.index_cast %mul3A_207 : i32 to index
      %get3A_211 = tpu.vector_load %arg5[%get3A_209, %get3A_210] {strides = array<i32>} : memref<16x512xf32, #tpu.memory_space<vmem>>, vector<16xf32>,
      %mul3A_212 = arith.constant 16 : i32
      %mul3A_213 = vector.broadcast %mul3A_212 : i32 to vector<16xi32>
      %mul3A_214 = arith.muli %iota3A, %mul3A_213 : vector<16xi32>
      %mul3A_215 = arith.constant 256 : i32
      %mul3A_216 = arith.muli %scan3A_71, %mul3A_215 : i32
      %add3A_217 = arith.constant 9 : i32
      %add3A_218 = arith.addi %mul3A_216, %add3A_217 : i32
      %add3A_219 = vector.broadcast %add3A_218 : i32 to vector<16xi32>
      %add3A_220 = arith.addi %mul3A_214, %add3A_219 : vector<16xi32>
      tpu.vector_store_idx %arg8[%add3A_220], %get3A_211 : memref<8192xf32, #tpu.memory_space<vmem>>[vector<16xi32>], vector<16xf32>,
      %mul3A_221 = arith.constant 16 : i32
      %mul3A_222 = arith.muli %scan3A_71, %mul3A_221 : i32
      %get3A_223 = arith.constant 10 : i32
      %get3A_224 = arith.index_cast %get3A_223 : i32 to index
      %get3A_225 = arith.index_cast %mul3A_222 : i32 to index
      %get3A_226 = tpu.vector_load %arg5[%get3A_224, %get3A_225] {strides = array<i32>} : memref<16x512xf32, #tpu.memory_space<vmem>>, vector<16xf32>,
      %mul3A_227 = arith.constant 16 : i32
      %mul3A_228 = vector.broadcast %mul3A_227 : i32 to vector<16xi32>
      %mul3A_229 = arith.muli %iota3A, %mul3A_228 : vector<16xi32>
      %mul3A_230 = arith.constant 256 : i32
      %mul3A_231 = arith.muli %scan3A_71, %mul3A_230 : i32
      %add3A_232 = arith.constant 10 : i32
      %add3A_233 = arith.addi %mul3A_231, %add3A_232 : i32
      %add3A_234 = vector.broadcast %add3A_233 : i32 to vector<16xi32>
      %add3A_235 = arith.addi %mul3A_229, %add3A_234 : vector<16xi32>
      tpu.vector_store_idx %arg8[%add3A_235], %get3A_226 : memref<8192xf32, #tpu.memory_space<vmem>>[vector<16xi32>], vector<16xf32>,
      %mul3A_236 = arith.constant 16 : i32
      %mul3A_237 = arith.muli %scan3A_71, %mul3A_236 : i32
      %get3A_238 = arith.constant 11 : i32
      %get3A_239 = arith.index_cast %get3A_238 : i32 to index
      %get3A_240 = arith.index_cast %mul3A_237 : i32 to index
      %get3A_241 = tpu.vector_load %arg5[%get3A_239, %get3A_240] {strides = array<i32>} : memref<16x512xf32, #tpu.memory_space<vmem>>, vector<16xf32>,
      %mul3A_242 = arith.constant 16 : i32
      %mul3A_243 = vector.broadcast %mul3A_242 : i32 to vector<16xi32>
      %mul3A_244 = arith.muli %iota3A, %mul3A_243 : vector<16xi32>
      %mul3A_245 = arith.constant 256 : i32
      %mul3A_246 = arith.muli %scan3A_71, %mul3A_245 : i32
      %add3A_247 = arith.constant 11 : i32
      %add3A_248 = arith.addi %mul3A_246, %add3A_247 : i32
      %add3A_249 = vector.broadcast %add3A_248 : i32 to vector<16xi32>
      %add3A_250 = arith.addi %mul3A_244, %add3A_249 : vector<16xi32>
      tpu.vector_store_idx %arg8[%add3A_250], %get3A_241 : memref<8192xf32, #tpu.memory_space<vmem>>[vector<16xi32>], vector<16xf32>,
      %mul3A_251 = arith.constant 16 : i32
      %mul3A_252 = arith.muli %scan3A_71, %mul3A_251 : i32
      %get3A_253 = arith.constant 12 : i32
      %get3A_254 = arith.index_cast %get3A_253 : i32 to index
      %get3A_255 = arith.index_cast %mul3A_252 : i32 to index
      %get3A_256 = tpu.vector_load %arg5[%get3A_254, %get3A_255] {strides = array<i32>} : memref<16x512xf32, #tpu.memory_space<vmem>>, vector<16xf32>,
      %mul3A_257 = arith.constant 16 : i32
      %mul3A_258 = vector.broadcast %mul3A_257 : i32 to vector<16xi32>
      %mul3A_259 = arith.muli %iota3A, %mul3A_258 : vector<16xi32>
      %mul3A_260 = arith.constant 256 : i32
      %mul3A_261 = arith.muli %scan3A_71, %mul3A_260 : i32
      %add3A_262 = arith.constant 12 : i32
      %add3A_263 = arith.addi %mul3A_261, %add3A_262 : i32
      %add3A_264 = vector.broadcast %add3A_263 : i32 to vector<16xi32>
      %add3A_265 = arith.addi %mul3A_259, %add3A_264 : vector<16xi32>
      tpu.vector_store_idx %arg8[%add3A_265], %get3A_256 : memref<8192xf32, #tpu.memory_space<vmem>>[vector<16xi32>], vector<16xf32>,
      %mul3A_266 = arith.constant 16 : i32
      %mul3A_267 = arith.muli %scan3A_71, %mul3A_266 : i32
      %get3A_268 = arith.constant 13 : i32
      %get3A_269 = arith.index_cast %get3A_268 : i32 to index
      %get3A_270 = arith.index_cast %mul3A_267 : i32 to index
      %get3A_271 = tpu.vector_load %arg5[%get3A_269, %get3A_270] {strides = array<i32>} : memref<16x512xf32, #tpu.memory_space<vmem>>, vector<16xf32>,
      %mul3A_272 = arith.constant 16 : i32
      %mul3A_273 = vector.broadcast %mul3A_272 : i32 to vector<16xi32>
      %mul3A_274 = arith.muli %iota3A, %mul3A_273 : vector<16xi32>
      %mul3A_275 = arith.constant 256 : i32
      %mul3A_276 = arith.muli %scan3A_71, %mul3A_275 : i32
      %add3A_277 = arith.constant 13 : i32
      %add3A_278 = arith.addi %mul3A_276, %add3A_277 : i32
      %add3A_279 = vector.broadcast %add3A_278 : i32 to vector<16xi32>
      %add3A_280 = arith.addi %mul3A_274, %add3A_279 : vector<16xi32>
      tpu.vector_store_idx %arg8[%add3A_280], %get3A_271 : memref<8192xf32, #tpu.memory_space<vmem>>[vector<16xi32>], vector<16xf32>,
      %mul3A_281 = arith.constant 16 : i32
      %mul3A_282 = arith.muli %scan3A_71, %mul3A_281 : i32
      %get3A_283 = arith.constant 14 : i32
      %get3A_284 = arith.index_cast %get3A_283 : i32 to index
      %get3A_285 = arith.index_cast %mul3A_282 : i32 to index
      %get3A_286 = tpu.vector_load %arg5[%get3A_284, %get3A_285] {strides = array<i32>} : memref<16x512xf32, #tpu.memory_space<vmem>>, vector<16xf32>,
      %mul3A_287 = arith.constant 16 : i32
      %mul3A_288 = vector.broadcast %mul3A_287 : i32 to vector<16xi32>
      %mul3A_289 = arith.muli %iota3A, %mul3A_288 : vector<16xi32>
      %mul3A_290 = arith.constant 256 : i32
      %mul3A_291 = arith.muli %scan3A_71, %mul3A_290 : i32
      %add3A_292 = arith.constant 14 : i32
      %add3A_293 = arith.addi %mul3A_291, %add3A_292 : i32
      %add3A_294 = vector.broadcast %add3A_293 : i32 to vector<16xi32>
      %add3A_295 = arith.addi %mul3A_289, %add3A_294 : vector<16xi32>
      tpu.vector_store_idx %arg8[%add3A_295], %get3A_286 : memref<8192xf32, #tpu.memory_space<vmem>>[vector<16xi32>], vector<16xf32>,
      %mul3A_296 = arith.constant 16 : i32
      %mul3A_297 = arith.muli %scan3A_71, %mul3A_296 : i32
      %get3A_298 = arith.constant 15 : i32
      %get3A_299 = arith.index_cast %get3A_298 : i32 to index
      %get3A_300 = arith.index_cast %mul3A_297 : i32 to index
      %get3A_301 = tpu.vector_load %arg5[%get3A_299, %get3A_300] {strides = array<i32>} : memref<16x512xf32, #tpu.memory_space<vmem>>, vector<16xf32>,
      %mul3A_302 = arith.constant 16 : i32
      %mul3A_303 = vector.broadcast %mul3A_302 : i32 to vector<16xi32>
      %mul3A_304 = arith.muli %iota3A, %mul3A_303 : vector<16xi32>
      %mul3A_305 = arith.constant 256 : i32
      %mul3A_306 = arith.muli %scan3A_71, %mul3A_305 : i32
      %add3A_307 = arith.constant 15 : i32
      %add3A_308 = arith.addi %mul3A_306, %add3A_307 : i32
      %add3A_309 = vector.broadcast %add3A_308 : i32 to vector<16xi32>
      %add3A_310 = arith.addi %mul3A_304, %add3A_309 : vector<16xi32>
      tpu.vector_store_idx %arg8[%add3A_310], %get3A_301 : memref<8192xf32, #tpu.memory_space<vmem>>[vector<16xi32>], vector<16xf32>,
    }
    %scan3A_47 = arith.constant 32 : i32
    %mul3A_48 = arith.constant 16 : i32
    %mul3A_49 = arith.muli %mul3A_41, %mul3A_48 : i32
    %dma_start3A_50 = tpu.memref_slice %arg4[%mul3A_49] : memref<16000000xf32, #tpu.memory_space<hbm>> -> memref<8192xf32, #tpu.memory_space<hbm>>
    %dma_start3A_51 = tpu.memref_slice %arg4[%mul3A_49] : memref<16000000xf32, #tpu.memory_space<hbm>> -> memref<8192xf32, #tpu.memory_space<hbm>>
    tpu.enqueue_dma source(%arg8 : memref<8192xf32, #tpu.memory_space<vmem>>) target(%dma_start3A_51 : memref<8192xf32, #tpu.memory_space<hbm>>) target_semaphore(%arg14 : memref<!tpu.dma_semaphore, #tpu.memory_space<semaphore_mem>>)
    %dma_wait3A_52 = arith.constant 0 : i32
    %dma_wait3A_53 = tpu.memref_slice %arg4[%dma_wait3A_52] : memref<16000000xf32, #tpu.memory_space<hbm>> -> memref<8192xf32, #tpu.memory_space<hbm>>
    %dma_wait3A_54 = arith.constant 0 : i32
    %dma_wait3A_55 = tpu.memref_slice %arg4[%dma_wait3A_54] : memref<16000000xf32, #tpu.memory_space<hbm>> -> memref<8192xf32, #tpu.memory_space<hbm>>
    tpu.wait_dma2 semaphore(%arg14 : memref<!tpu.dma_semaphore, #tpu.memory_space<semaphore_mem>>) src(%arg8 : memref<8192xf32, #tpu.memory_space<vmem>>) dst(%dma_wait3A_55 : memref<8192xf32, #tpu.memory_space<hbm>>)
    %dma_wait3A_56 = arith.constant 0 : i32
    %dma_wait3A_57 = tpu.memref_slice %arg4[%dma_wait3A_56] : memref<16000000xf32, #tpu.memory_space<hbm>> -> memref<8192xf32, #tpu.memory_space<hbm>>
    %dma_wait3A_58 = arith.constant 0 : i32
    %dma_wait3A_59 = tpu.memref_slice %arg4[%dma_wait3A_58] : memref<16000000xf32, #tpu.memory_space<hbm>> -> memref<8192xf32, #tpu.memory_space<hbm>>
    tpu.wait_dma2 semaphore(%arg15 : memref<!tpu.dma_semaphore, #tpu.memory_space<semaphore_mem>>) src(%arg9 : memref<8192xf32, #tpu.memory_space<vmem>>) dst(%dma_wait3A_59 : memref<8192xf32, #tpu.memory_space<hbm>>)
    %dma_wait3A_60 = arith.constant 0 : i32
    %dma_wait3A_61 = tpu.memref_slice %arg4[%dma_wait3A_60] : memref<16000000xf32, #tpu.memory_space<hbm>> -> memref<8192xf32, #tpu.memory_space<hbm>>
    %dma_wait3A_62 = arith.constant 0 : i32
    %dma_wait3A_63 = tpu.memref_slice %arg4[%dma_wait3A_62] : memref<16000000xf32, #tpu.memory_space<hbm>> -> memref<8192xf32, #tpu.memory_space<hbm>>
    tpu.wait_dma2 semaphore(%arg16 : memref<!tpu.dma_semaphore, #tpu.memory_space<semaphore_mem>>) src(%arg10 : memref<8192xf32, #tpu.memory_space<vmem>>) dst(%dma_wait3A_63 : memref<8192xf32, #tpu.memory_space<hbm>>)
    %eq3A = arith.constant 28 : i32
    %eq3A_64 = arith.cmpi eq, %add3A, %eq3A : i32
    %convert_element_type3A = arith.extui %eq3A_64 : i1 to i32
    %cond3A = arith.constant 0 : i32
    %cond3A_65 = arith.cmpi ne, %convert_element_type3A, %cond3A : i32
    scf.if %cond3A_65 {
      "tpu.region"() ({
        %run_scoped3A = tpu.sem_alloc : memref<!tpu.dma_semaphore, #tpu.memory_space<semaphore_mem>>
        %dma_start3A_77 = arith.constant 0 : i32
        %dma_start3A_78 = arith.constant 0 : i32
        %dma_start3A_79 = tpu.memref_slice %arg5[%dma_start3A_77, %dma_start3A_78] : memref<16x512xf32, #tpu.memory_space<vmem>> -> memref<16x512xf32, #tpu.memory_space<vmem>>
        %dma_start3A_80 = arith.constant 0 : i32
        %dma_start3A_81 = arith.constant 999424 : i32
        %dma_start3A_82 = tpu.memref_slice %arg2[%dma_start3A_80, %dma_start3A_81] : memref<16x1000000xf32, #tpu.memory_space<hbm>> -> memref<16x512xf32, #tpu.memory_space<hbm>>
        %dma_start3A_83 = arith.constant 0 : i32
        %dma_start3A_84 = arith.constant 0 : i32
        %dma_start3A_85 = tpu.memref_slice %arg5[%dma_start3A_83, %dma_start3A_84] : memref<16x512xf32, #tpu.memory_space<vmem>> -> memref<16x512xf32, #tpu.memory_space<vmem>>
        %dma_start3A_86 = arith.constant 0 : i32
        %dma_start3A_87 = arith.constant 999424 : i32
        %dma_start3A_88 = tpu.memref_slice %arg2[%dma_start3A_86, %dma_start3A_87] : memref<16x1000000xf32, #tpu.memory_space<hbm>> -> memref<16x512xf32, #tpu.memory_space<hbm>>
        tpu.enqueue_dma source(%dma_start3A_88 : memref<16x512xf32, #tpu.memory_space<hbm>>) target(%dma_start3A_85 : memref<16x512xf32, #tpu.memory_space<vmem>>) target_semaphore(%run_scoped3A : memref<!tpu.dma_semaphore, #tpu.memory_space<semaphore_mem>>)
        %dma_wait3A_89 = arith.constant 0 : i32
        %dma_wait3A_90 = arith.constant 0 : i32
        %dma_wait3A_91 = tpu.memref_slice %arg5[%dma_wait3A_89, %dma_wait3A_90] : memref<16x512xf32, #tpu.memory_space<vmem>> -> memref<16x512xf32, #tpu.memory_space<vmem>>
        %dma_wait3A_92 = arith.constant 0 : i32
        %dma_wait3A_93 = arith.constant 999424 : i32
        %dma_wait3A_94 = tpu.memref_slice %arg2[%dma_wait3A_92, %dma_wait3A_93] : memref<16x1000000xf32, #tpu.memory_space<hbm>> -> memref<16x512xf32, #tpu.memory_space<hbm>>
        %dma_wait3A_95 = arith.constant 0 : i32
        %dma_wait3A_96 = arith.constant 0 : i32
        %dma_wait3A_97 = tpu.memref_slice %arg5[%dma_wait3A_95, %dma_wait3A_96] : memref<16x512xf32, #tpu.memory_space<vmem>> -> memref<16x512xf32, #tpu.memory_space<vmem>>
        %dma_wait3A_98 = arith.constant 0 : i32
        %dma_wait3A_99 = arith.constant 999424 : i32
        %dma_wait3A_100 = tpu.memref_slice %arg2[%dma_wait3A_98, %dma_wait3A_99] : memref<16x1000000xf32, #tpu.memory_space<hbm>> -> memref<16x512xf32, #tpu.memory_space<hbm>>
        tpu.wait_dma2 semaphore(%run_scoped3A : memref<!tpu.dma_semaphore, #tpu.memory_space<semaphore_mem>>) src(%dma_wait3A_100 : memref<16x512xf32, #tpu.memory_space<hbm>>) dst(%dma_wait3A_97 : memref<16x512xf32, #tpu.memory_space<vmem>>)
        tpu.yield
      }) : () -> ()
      %scan3A_71 = arith.constant 0 : i32
      %scan3A_72 = arith.constant 0 : i32
      %scan3A_73 = arith.constant 32 : i32
      %scan3A_74 = arith.addi %scan3A_72, %scan3A_73 : i32
      %scan3A_75 = arith.constant 1 : i32
      scf.for %scan3A_77 = %scan3A_72 to %scan3A_74 step %scan3A_75  : i32 {
        %mul3A_78 = arith.constant 16 : i32
        %mul3A_79 = arith.muli %scan3A_77, %mul3A_78 : i32
        %get3A = arith.constant 0 : i32
        %get3A_80 = arith.index_cast %get3A : i32 to index
        %get3A_81 = arith.index_cast %mul3A_79 : i32 to index
        %get3A_82 = tpu.vector_load %arg5[%get3A_80, %get3A_81] {strides = array<i32>} : memref<16x512xf32, #tpu.memory_space<vmem>>, vector<16xf32>,
        %mul3A_83 = arith.constant 16 : i32
        %mul3A_84 = vector.broadcast %mul3A_83 : i32 to vector<16xi32>
        %mul3A_85 = arith.muli %iota3A, %mul3A_84 : vector<16xi32>
        %mul3A_86 = arith.constant 256 : i32
        %mul3A_87 = arith.muli %scan3A_77, %mul3A_86 : i32
        %add3A_88 = arith.constant 0 : i32
        %add3A_89 = arith.addi %mul3A_87, %add3A_88 : i32
        %add3A_90 = vector.broadcast %add3A_89 : i32 to vector<16xi32>
        %add3A_91 = arith.addi %mul3A_85, %add3A_90 : vector<16xi32>
        tpu.vector_store_idx %arg8[%add3A_91], %get3A_82 : memref<8192xf32, #tpu.memory_space<vmem>>[vector<16xi32>], vector<16xf32>,
        %mul3A_92 = arith.constant 16 : i32
        %mul3A_93 = arith.muli %scan3A_77, %mul3A_92 : i32
        %get3A_94 = arith.constant 1 : i32
        %get3A_95 = arith.index_cast %get3A_94 : i32 to index
        %get3A_96 = arith.index_cast %mul3A_93 : i32 to index
        %get3A_97 = tpu.vector_load %arg5[%get3A_95, %get3A_96] {strides = array<i32>} : memref<16x512xf32, #tpu.memory_space<vmem>>, vector<16xf32>,
        %mul3A_98 = arith.constant 16 : i32
        %mul3A_99 = vector.broadcast %mul3A_98 : i32 to vector<16xi32>
        %mul3A_100 = arith.muli %iota3A, %mul3A_99 : vector<16xi32>
        %mul3A_101 = arith.constant 256 : i32
        %mul3A_102 = arith.muli %scan3A_77, %mul3A_101 : i32
        %add3A_103 = arith.constant 1 : i32
        %add3A_104 = arith.addi %mul3A_102, %add3A_103 : i32
        %add3A_105 = vector.broadcast %add3A_104 : i32 to vector<16xi32>
        %add3A_106 = arith.addi %mul3A_100, %add3A_105 : vector<16xi32>
        tpu.vector_store_idx %arg8[%add3A_106], %get3A_97 : memref<8192xf32, #tpu.memory_space<vmem>>[vector<16xi32>], vector<16xf32>,
        %mul3A_107 = arith.constant 16 : i32
        %mul3A_108 = arith.muli %scan3A_77, %mul3A_107 : i32
        %get3A_109 = arith.constant 2 : i32
        %get3A_110 = arith.index_cast %get3A_109 : i32 to index
        %get3A_111 = arith.index_cast %mul3A_108 : i32 to index
        %get3A_112 = tpu.vector_load %arg5[%get3A_110, %get3A_111] {strides = array<i32>} : memref<16x512xf32, #tpu.memory_space<vmem>>, vector<16xf32>,
        %mul3A_113 = arith.constant 16 : i32
        %mul3A_114 = vector.broadcast %mul3A_113 : i32 to vector<16xi32>
        %mul3A_115 = arith.muli %iota3A, %mul3A_114 : vector<16xi32>
        %mul3A_116 = arith.constant 256 : i32
        %mul3A_117 = arith.muli %scan3A_77, %mul3A_116 : i32
        %add3A_118 = arith.constant 2 : i32
        %add3A_119 = arith.addi %mul3A_117, %add3A_118 : i32
        %add3A_120 = vector.broadcast %add3A_119 : i32 to vector<16xi32>
        %add3A_121 = arith.addi %mul3A_115, %add3A_120 : vector<16xi32>
        tpu.vector_store_idx %arg8[%add3A_121], %get3A_112 : memref<8192xf32, #tpu.memory_space<vmem>>[vector<16xi32>], vector<16xf32>,
        %mul3A_122 = arith.constant 16 : i32
        %mul3A_123 = arith.muli %scan3A_77, %mul3A_122 : i32
        %get3A_124 = arith.constant 3 : i32
        %get3A_125 = arith.index_cast %get3A_124 : i32 to index
        %get3A_126 = arith.index_cast %mul3A_123 : i32 to index
        %get3A_127 = tpu.vector_load %arg5[%get3A_125, %get3A_126] {strides = array<i32>} : memref<16x512xf32, #tpu.memory_space<vmem>>, vector<16xf32>,
        %mul3A_128 = arith.constant 16 : i32
        %mul3A_129 = vector.broadcast %mul3A_128 : i32 to vector<16xi32>
        %mul3A_130 = arith.muli %iota3A, %mul3A_129 : vector<16xi32>
        %mul3A_131 = arith.constant 256 : i32
        %mul3A_132 = arith.muli %scan3A_77, %mul3A_131 : i32
        %add3A_133 = arith.constant 3 : i32
        %add3A_134 = arith.addi %mul3A_132, %add3A_133 : i32
        %add3A_135 = vector.broadcast %add3A_134 : i32 to vector<16xi32>
        %add3A_136 = arith.addi %mul3A_130, %add3A_135 : vector<16xi32>
        tpu.vector_store_idx %arg8[%add3A_136], %get3A_127 : memref<8192xf32, #tpu.memory_space<vmem>>[vector<16xi32>], vector<16xf32>,
        %mul3A_137 = arith.constant 16 : i32
        %mul3A_138 = arith.muli %scan3A_77, %mul3A_137 : i32
        %get3A_139 = arith.constant 4 : i32
        %get3A_140 = arith.index_cast %get3A_139 : i32 to index
        %get3A_141 = arith.index_cast %mul3A_138 : i32 to index
        %get3A_142 = tpu.vector_load %arg5[%get3A_140, %get3A_141] {strides = array<i32>} : memref<16x512xf32, #tpu.memory_space<vmem>>, vector<16xf32>,
        %mul3A_143 = arith.constant 16 : i32
        %mul3A_144 = vector.broadcast %mul3A_143 : i32 to vector<16xi32>
        %mul3A_145 = arith.muli %iota3A, %mul3A_144 : vector<16xi32>
        %mul3A_146 = arith.constant 256 : i32
        %mul3A_147 = arith.muli %scan3A_77, %mul3A_146 : i32
        %add3A_148 = arith.constant 4 : i32
        %add3A_149 = arith.addi %mul3A_147, %add3A_148 : i32
        %add3A_150 = vector.broadcast %add3A_149 : i32 to vector<16xi32>
        %add3A_151 = arith.addi %mul3A_145, %add3A_150 : vector<16xi32>
        tpu.vector_store_idx %arg8[%add3A_151], %get3A_142 : memref<8192xf32, #tpu.memory_space<vmem>>[vector<16xi32>], vector<16xf32>,
        %mul3A_152 = arith.constant 16 : i32
        %mul3A_153 = arith.muli %scan3A_77, %mul3A_152 : i32
        %get3A_154 = arith.constant 5 : i32
        %get3A_155 = arith.index_cast %get3A_154 : i32 to index
        %get3A_156 = arith.index_cast %mul3A_153 : i32 to index
        %get3A_157 = tpu.vector_load %arg5[%get3A_155, %get3A_156] {strides = array<i32>} : memref<16x512xf32, #tpu.memory_space<vmem>>, vector<16xf32>,
        %mul3A_158 = arith.constant 16 : i32
        %mul3A_159 = vector.broadcast %mul3A_158 : i32 to vector<16xi32>
        %mul3A_160 = arith.muli %iota3A, %mul3A_159 : vector<16xi32>
        %mul3A_161 = arith.constant 256 : i32
        %mul3A_162 = arith.muli %scan3A_77, %mul3A_161 : i32
        %add3A_163 = arith.constant 5 : i32
        %add3A_164 = arith.addi %mul3A_162, %add3A_163 : i32
        %add3A_165 = vector.broadcast %add3A_164 : i32 to vector<16xi32>
        %add3A_166 = arith.addi %mul3A_160, %add3A_165 : vector<16xi32>
        tpu.vector_store_idx %arg8[%add3A_166], %get3A_157 : memref<8192xf32, #tpu.memory_space<vmem>>[vector<16xi32>], vector<16xf32>,
        %mul3A_167 = arith.constant 16 : i32
        %mul3A_168 = arith.muli %scan3A_77, %mul3A_167 : i32
        %get3A_169 = arith.constant 6 : i32
        %get3A_170 = arith.index_cast %get3A_169 : i32 to index
        %get3A_171 = arith.index_cast %mul3A_168 : i32 to index
        %get3A_172 = tpu.vector_load %arg5[%get3A_170, %get3A_171] {strides = array<i32>} : memref<16x512xf32, #tpu.memory_space<vmem>>, vector<16xf32>,
        %mul3A_173 = arith.constant 16 : i32
        %mul3A_174 = vector.broadcast %mul3A_173 : i32 to vector<16xi32>
        %mul3A_175 = arith.muli %iota3A, %mul3A_174 : vector<16xi32>
        %mul3A_176 = arith.constant 256 : i32
        %mul3A_177 = arith.muli %scan3A_77, %mul3A_176 : i32
        %add3A_178 = arith.constant 6 : i32
        %add3A_179 = arith.addi %mul3A_177, %add3A_178 : i32
        %add3A_180 = vector.broadcast %add3A_179 : i32 to vector<16xi32>
        %add3A_181 = arith.addi %mul3A_175, %add3A_180 : vector<16xi32>
        tpu.vector_store_idx %arg8[%add3A_181], %get3A_172 : memref<8192xf32, #tpu.memory_space<vmem>>[vector<16xi32>], vector<16xf32>,
        %mul3A_182 = arith.constant 16 : i32
        %mul3A_183 = arith.muli %scan3A_77, %mul3A_182 : i32
        %get3A_184 = arith.constant 7 : i32
        %get3A_185 = arith.index_cast %get3A_184 : i32 to index
        %get3A_186 = arith.index_cast %mul3A_183 : i32 to index
        %get3A_187 = tpu.vector_load %arg5[%get3A_185, %get3A_186] {strides = array<i32>} : memref<16x512xf32, #tpu.memory_space<vmem>>, vector<16xf32>,
        %mul3A_188 = arith.constant 16 : i32
        %mul3A_189 = vector.broadcast %mul3A_188 : i32 to vector<16xi32>
        %mul3A_190 = arith.muli %iota3A, %mul3A_189 : vector<16xi32>
        %mul3A_191 = arith.constant 256 : i32
        %mul3A_192 = arith.muli %scan3A_77, %mul3A_191 : i32
        %add3A_193 = arith.constant 7 : i32
        %add3A_194 = arith.addi %mul3A_192, %add3A_193 : i32
        %add3A_195 = vector.broadcast %add3A_194 : i32 to vector<16xi32>
        %add3A_196 = arith.addi %mul3A_190, %add3A_195 : vector<16xi32>
        tpu.vector_store_idx %arg8[%add3A_196], %get3A_187 : memref<8192xf32, #tpu.memory_space<vmem>>[vector<16xi32>], vector<16xf32>,
        %mul3A_197 = arith.constant 16 : i32
        %mul3A_198 = arith.muli %scan3A_77, %mul3A_197 : i32
        %get3A_199 = arith.constant 8 : i32
        %get3A_200 = arith.index_cast %get3A_199 : i32 to index
        %get3A_201 = arith.index_cast %mul3A_198 : i32 to index
        %get3A_202 = tpu.vector_load %arg5[%get3A_200, %get3A_201] {strides = array<i32>} : memref<16x512xf32, #tpu.memory_space<vmem>>, vector<16xf32>,
        %mul3A_203 = arith.constant 16 : i32
        %mul3A_204 = vector.broadcast %mul3A_203 : i32 to vector<16xi32>
        %mul3A_205 = arith.muli %iota3A, %mul3A_204 : vector<16xi32>
        %mul3A_206 = arith.constant 256 : i32
        %mul3A_207 = arith.muli %scan3A_77, %mul3A_206 : i32
        %add3A_208 = arith.constant 8 : i32
        %add3A_209 = arith.addi %mul3A_207, %add3A_208 : i32
        %add3A_210 = vector.broadcast %add3A_209 : i32 to vector<16xi32>
        %add3A_211 = arith.addi %mul3A_205, %add3A_210 : vector<16xi32>
        tpu.vector_store_idx %arg8[%add3A_211], %get3A_202 : memref<8192xf32, #tpu.memory_space<vmem>>[vector<16xi32>], vector<16xf32>,
        %mul3A_212 = arith.constant 16 : i32
        %mul3A_213 = arith.muli %scan3A_77, %mul3A_212 : i32
        %get3A_214 = arith.constant 9 : i32
        %get3A_215 = arith.index_cast %get3A_214 : i32 to index
        %get3A_216 = arith.index_cast %mul3A_213 : i32 to index
        %get3A_217 = tpu.vector_load %arg5[%get3A_215, %get3A_216] {strides = array<i32>} : memref<16x512xf32, #tpu.memory_space<vmem>>, vector<16xf32>,
        %mul3A_218 = arith.constant 16 : i32
        %mul3A_219 = vector.broadcast %mul3A_218 : i32 to vector<16xi32>
        %mul3A_220 = arith.muli %iota3A, %mul3A_219 : vector<16xi32>
        %mul3A_221 = arith.constant 256 : i32
        %mul3A_222 = arith.muli %scan3A_77, %mul3A_221 : i32
        %add3A_223 = arith.constant 9 : i32
        %add3A_224 = arith.addi %mul3A_222, %add3A_223 : i32
        %add3A_225 = vector.broadcast %add3A_224 : i32 to vector<16xi32>
        %add3A_226 = arith.addi %mul3A_220, %add3A_225 : vector<16xi32>
        tpu.vector_store_idx %arg8[%add3A_226], %get3A_217 : memref<8192xf32, #tpu.memory_space<vmem>>[vector<16xi32>], vector<16xf32>,
        %mul3A_227 = arith.constant 16 : i32
        %mul3A_228 = arith.muli %scan3A_77, %mul3A_227 : i32
        %get3A_229 = arith.constant 10 : i32
        %get3A_230 = arith.index_cast %get3A_229 : i32 to index
        %get3A_231 = arith.index_cast %mul3A_228 : i32 to index
        %get3A_232 = tpu.vector_load %arg5[%get3A_230, %get3A_231] {strides = array<i32>} : memref<16x512xf32, #tpu.memory_space<vmem>>, vector<16xf32>,
        %mul3A_233 = arith.constant 16 : i32
        %mul3A_234 = vector.broadcast %mul3A_233 : i32 to vector<16xi32>
        %mul3A_235 = arith.muli %iota3A, %mul3A_234 : vector<16xi32>
        %mul3A_236 = arith.constant 256 : i32
        %mul3A_237 = arith.muli %scan3A_77, %mul3A_236 : i32
        %add3A_238 = arith.constant 10 : i32
        %add3A_239 = arith.addi %mul3A_237, %add3A_238 : i32
        %add3A_240 = vector.broadcast %add3A_239 : i32 to vector<16xi32>
        %add3A_241 = arith.addi %mul3A_235, %add3A_240 : vector<16xi32>
        tpu.vector_store_idx %arg8[%add3A_241], %get3A_232 : memref<8192xf32, #tpu.memory_space<vmem>>[vector<16xi32>], vector<16xf32>,
        %mul3A_242 = arith.constant 16 : i32
        %mul3A_243 = arith.muli %scan3A_77, %mul3A_242 : i32
        %get3A_244 = arith.constant 11 : i32
        %get3A_245 = arith.index_cast %get3A_244 : i32 to index
        %get3A_246 = arith.index_cast %mul3A_243 : i32 to index
        %get3A_247 = tpu.vector_load %arg5[%get3A_245, %get3A_246] {strides = array<i32>} : memref<16x512xf32, #tpu.memory_space<vmem>>, vector<16xf32>,
        %mul3A_248 = arith.constant 16 : i32
        %mul3A_249 = vector.broadcast %mul3A_248 : i32 to vector<16xi32>
        %mul3A_250 = arith.muli %iota3A, %mul3A_249 : vector<16xi32>
        %mul3A_251 = arith.constant 256 : i32
        %mul3A_252 = arith.muli %scan3A_77, %mul3A_251 : i32
        %add3A_253 = arith.constant 11 : i32
        %add3A_254 = arith.addi %mul3A_252, %add3A_253 : i32
        %add3A_255 = vector.broadcast %add3A_254 : i32 to vector<16xi32>
        %add3A_256 = arith.addi %mul3A_250, %add3A_255 : vector<16xi32>
        tpu.vector_store_idx %arg8[%add3A_256], %get3A_247 : memref<8192xf32, #tpu.memory_space<vmem>>[vector<16xi32>], vector<16xf32>,
        %mul3A_257 = arith.constant 16 : i32
        %mul3A_258 = arith.muli %scan3A_77, %mul3A_257 : i32
        %get3A_259 = arith.constant 12 : i32
        %get3A_260 = arith.index_cast %get3A_259 : i32 to index
        %get3A_261 = arith.index_cast %mul3A_258 : i32 to index
        %get3A_262 = tpu.vector_load %arg5[%get3A_260, %get3A_261] {strides = array<i32>} : memref<16x512xf32, #tpu.memory_space<vmem>>, vector<16xf32>,
        %mul3A_263 = arith.constant 16 : i32
        %mul3A_264 = vector.broadcast %mul3A_263 : i32 to vector<16xi32>
        %mul3A_265 = arith.muli %iota3A, %mul3A_264 : vector<16xi32>
        %mul3A_266 = arith.constant 256 : i32
        %mul3A_267 = arith.muli %scan3A_77, %mul3A_266 : i32
        %add3A_268 = arith.constant 12 : i32
        %add3A_269 = arith.addi %mul3A_267, %add3A_268 : i32
        %add3A_270 = vector.broadcast %add3A_269 : i32 to vector<16xi32>
        %add3A_271 = arith.addi %mul3A_265, %add3A_270 : vector<16xi32>
        tpu.vector_store_idx %arg8[%add3A_271], %get3A_262 : memref<8192xf32, #tpu.memory_space<vmem>>[vector<16xi32>], vector<16xf32>,
        %mul3A_272 = arith.constant 16 : i32
        %mul3A_273 = arith.muli %scan3A_77, %mul3A_272 : i32
        %get3A_274 = arith.constant 13 : i32
        %get3A_275 = arith.index_cast %get3A_274 : i32 to index
        %get3A_276 = arith.index_cast %mul3A_273 : i32 to index
        %get3A_277 = tpu.vector_load %arg5[%get3A_275, %get3A_276] {strides = array<i32>} : memref<16x512xf32, #tpu.memory_space<vmem>>, vector<16xf32>,
        %mul3A_278 = arith.constant 16 : i32
        %mul3A_279 = vector.broadcast %mul3A_278 : i32 to vector<16xi32>
        %mul3A_280 = arith.muli %iota3A, %mul3A_279 : vector<16xi32>
        %mul3A_281 = arith.constant 256 : i32
        %mul3A_282 = arith.muli %scan3A_77, %mul3A_281 : i32
        %add3A_283 = arith.constant 13 : i32
        %add3A_284 = arith.addi %mul3A_282, %add3A_283 : i32
        %add3A_285 = vector.broadcast %add3A_284 : i32 to vector<16xi32>
        %add3A_286 = arith.addi %mul3A_280, %add3A_285 : vector<16xi32>
        tpu.vector_store_idx %arg8[%add3A_286], %get3A_277 : memref<8192xf32, #tpu.memory_space<vmem>>[vector<16xi32>], vector<16xf32>,
        %mul3A_287 = arith.constant 16 : i32
        %mul3A_288 = arith.muli %scan3A_77, %mul3A_287 : i32
        %get3A_289 = arith.constant 14 : i32
        %get3A_290 = arith.index_cast %get3A_289 : i32 to index
        %get3A_291 = arith.index_cast %mul3A_288 : i32 to index
        %get3A_292 = tpu.vector_load %arg5[%get3A_290, %get3A_291] {strides = array<i32>} : memref<16x512xf32, #tpu.memory_space<vmem>>, vector<16xf32>,
        %mul3A_293 = arith.constant 16 : i32
        %mul3A_294 = vector.broadcast %mul3A_293 : i32 to vector<16xi32>
        %mul3A_295 = arith.muli %iota3A, %mul3A_294 : vector<16xi32>
        %mul3A_296 = arith.constant 256 : i32
        %mul3A_297 = arith.muli %scan3A_77, %mul3A_296 : i32
        %add3A_298 = arith.constant 14 : i32
        %add3A_299 = arith.addi %mul3A_297, %add3A_298 : i32
        %add3A_300 = vector.broadcast %add3A_299 : i32 to vector<16xi32>
        %add3A_301 = arith.addi %mul3A_295, %add3A_300 : vector<16xi32>
        tpu.vector_store_idx %arg8[%add3A_301], %get3A_292 : memref<8192xf32, #tpu.memory_space<vmem>>[vector<16xi32>], vector<16xf32>,
        %mul3A_302 = arith.constant 16 : i32
        %mul3A_303 = arith.muli %scan3A_77, %mul3A_302 : i32
        %get3A_304 = arith.constant 15 : i32
        %get3A_305 = arith.index_cast %get3A_304 : i32 to index
        %get3A_306 = arith.index_cast %mul3A_303 : i32 to index
        %get3A_307 = tpu.vector_load %arg5[%get3A_305, %get3A_306] {strides = array<i32>} : memref<16x512xf32, #tpu.memory_space<vmem>>, vector<16xf32>,
        %mul3A_308 = arith.constant 16 : i32
        %mul3A_309 = vector.broadcast %mul3A_308 : i32 to vector<16xi32>
        %mul3A_310 = arith.muli %iota3A, %mul3A_309 : vector<16xi32>
        %mul3A_311 = arith.constant 256 : i32
        %mul3A_312 = arith.muli %scan3A_77, %mul3A_311 : i32
        %add3A_313 = arith.constant 15 : i32
        %add3A_314 = arith.addi %mul3A_312, %add3A_313 : i32
        %add3A_315 = vector.broadcast %add3A_314 : i32 to vector<16xi32>
        %add3A_316 = arith.addi %mul3A_310, %add3A_315 : vector<16xi32>
        tpu.vector_store_idx %arg8[%add3A_316], %get3A_307 : memref<8192xf32, #tpu.memory_space<vmem>>[vector<16xi32>], vector<16xf32>,
      }
      %scan3A_76 = arith.constant 32 : i32
      "tpu.region"() ({
        %run_scoped3A = tpu.sem_alloc : memref<!tpu.dma_semaphore, #tpu.memory_space<semaphore_mem>>
        %dma_start3A_77 = arith.constant 0 : i32
        %dma_start3A_78 = tpu.memref_slice %arg8[%dma_start3A_77] : memref<8192xf32, #tpu.memory_space<vmem>> -> memref<8192xf32, #tpu.memory_space<vmem>>
        %dma_start3A_79 = arith.constant 15990784 : i32
        %dma_start3A_80 = tpu.memref_slice %arg4[%dma_start3A_79] : memref<16000000xf32, #tpu.memory_space<hbm>> -> memref<8192xf32, #tpu.memory_space<hbm>>
        %dma_start3A_81 = arith.constant 15990784 : i32
        %dma_start3A_82 = tpu.memref_slice %arg4[%dma_start3A_81] : memref<16000000xf32, #tpu.memory_space<hbm>> -> memref<8192xf32, #tpu.memory_space<hbm>>
        %dma_start3A_83 = arith.constant 0 : i32
        %dma_start3A_84 = tpu.memref_slice %arg8[%dma_start3A_83] : memref<8192xf32, #tpu.memory_space<vmem>> -> memref<8192xf32, #tpu.memory_space<vmem>>
        tpu.enqueue_dma source(%dma_start3A_84 : memref<8192xf32, #tpu.memory_space<vmem>>) target(%dma_start3A_82 : memref<8192xf32, #tpu.memory_space<hbm>>) target_semaphore(%run_scoped3A : memref<!tpu.dma_semaphore, #tpu.memory_space<semaphore_mem>>)
        %dma_wait3A_85 = arith.constant 0 : i32
        %dma_wait3A_86 = tpu.memref_slice %arg8[%dma_wait3A_85] : memref<8192xf32, #tpu.memory_space<vmem>> -> memref<8192xf32, #tpu.memory_space<vmem>>
        %dma_wait3A_87 = arith.constant 15990784 : i32
        %dma_wait3A_88 = tpu.memref_slice %arg4[%dma_wait3A_87] : memref<16000000xf32, #tpu.memory_space<hbm>> -> memref<8192xf32, #tpu.memory_space<hbm>>
        %dma_wait3A_89 = arith.constant 15990784 : i32
        %dma_wait3A_90 = tpu.memref_slice %arg4[%dma_wait3A_89] : memref<16000000xf32, #tpu.memory_space<hbm>> -> memref<8192xf32, #tpu.memory_space<hbm>>
        %dma_wait3A_91 = arith.constant 0 : i32
        %dma_wait3A_92 = tpu.memref_slice %arg8[%dma_wait3A_91] : memref<8192xf32, #tpu.memory_space<vmem>> -> memref<8192xf32, #tpu.memory_space<vmem>>
        tpu.wait_dma2 semaphore(%run_scoped3A : memref<!tpu.dma_semaphore, #tpu.memory_space<semaphore_mem>>) src(%dma_wait3A_92 : memref<8192xf32, #tpu.memory_space<vmem>>) dst(%dma_wait3A_90 : memref<8192xf32, #tpu.memory_space<hbm>>)
        tpu.yield
      }) : () -> ()
    } else {
    }
    %eq3A_66 = arith.constant 29 : i32
    %eq3A_67 = arith.cmpi eq, %add3A, %eq3A_66 : i32
    %convert_element_type3A_68 = arith.extui %eq3A_67 : i1 to i32
    %cond3A_69 = arith.constant 0 : i32
    %cond3A_70 = arith.cmpi ne, %convert_element_type3A_68, %cond3A_69 : i32
    scf.if %cond3A_70 {
      "tpu.region"() ({
        %run_scoped3A = tpu.sem_alloc : memref<!tpu.dma_semaphore, #tpu.memory_space<semaphore_mem>>
        %dma_start3A_71 = arith.constant 0 : i32
        %dma_start3A_72 = tpu.memref_slice %arg9[%dma_start3A_71] : memref<8192xf32, #tpu.memory_space<vmem>> -> memref<1024xf32, #tpu.memory_space<vmem>>
        %dma_start3A_73 = arith.constant 0 : i32
        %dma_start3A_74 = tpu.memref_slice %arg9[%dma_start3A_73] : memref<8192xf32, #tpu.memory_space<vmem>> -> memref<1024xf32, #tpu.memory_space<vmem>>
        tpu.enqueue_dma source(%arg3 : memref<1024xf32, #tpu.memory_space<hbm>>) target(%dma_start3A_74 : memref<1024xf32, #tpu.memory_space<vmem>>) target_semaphore(%run_scoped3A : memref<!tpu.dma_semaphore, #tpu.memory_space<semaphore_mem>>)
        %dma_wait3A_75 = arith.constant 0 : i32
        %dma_wait3A_76 = tpu.memref_slice %arg9[%dma_wait3A_75] : memref<8192xf32, #tpu.memory_space<vmem>> -> memref<1024xf32, #tpu.memory_space<vmem>>
        %dma_wait3A_77 = arith.constant 0 : i32
        %dma_wait3A_78 = tpu.memref_slice %arg9[%dma_wait3A_77] : memref<8192xf32, #tpu.memory_space<vmem>> -> memref<1024xf32, #tpu.memory_space<vmem>>
        tpu.wait_dma2 semaphore(%run_scoped3A : memref<!tpu.dma_semaphore, #tpu.memory_space<semaphore_mem>>) src(%arg3 : memref<1024xf32, #tpu.memory_space<hbm>>) dst(%dma_wait3A_78 : memref<1024xf32, #tpu.memory_space<vmem>>)
        tpu.yield
      }) : () -> ()
      "tpu.region"() ({
        %run_scoped3A = tpu.sem_alloc : memref<!tpu.dma_semaphore, #tpu.memory_space<semaphore_mem>>
        %dma_start3A_71 = arith.constant 0 : i32
        %dma_start3A_72 = tpu.memref_slice %arg9[%dma_start3A_71] : memref<8192xf32, #tpu.memory_space<vmem>> -> memref<1024xf32, #tpu.memory_space<vmem>>
        %dma_start3A_73 = arith.constant 15998976 : i32
        %dma_start3A_74 = tpu.memref_slice %arg4[%dma_start3A_73] : memref<16000000xf32, #tpu.memory_space<hbm>> -> memref<1024xf32, #tpu.memory_space<hbm>>
        %dma_start3A_75 = arith.constant 15998976 : i32
        %dma_start3A_76 = tpu.memref_slice %arg4[%dma_start3A_75] : memref<16000000xf32, #tpu.memory_space<hbm>> -> memref<1024xf32, #tpu.memory_space<hbm>>
        %dma_start3A_77 = arith.constant 0 : i32
        %dma_start3A_78 = tpu.memref_slice %arg9[%dma_start3A_77] : memref<8192xf32, #tpu.memory_space<vmem>> -> memref<1024xf32, #tpu.memory_space<vmem>>
        tpu.enqueue_dma source(%dma_start3A_78 : memref<1024xf32, #tpu.memory_space<vmem>>) target(%dma_start3A_76 : memref<1024xf32, #tpu.memory_space<hbm>>) target_semaphore(%run_scoped3A : memref<!tpu.dma_semaphore, #tpu.memory_space<semaphore_mem>>)
        %dma_wait3A_79 = arith.constant 0 : i32
        %dma_wait3A_80 = tpu.memref_slice %arg9[%dma_wait3A_79] : memref<8192xf32, #tpu.memory_space<vmem>> -> memref<1024xf32, #tpu.memory_space<vmem>>
        %dma_wait3A_81 = arith.constant 15998976 : i32
        %dma_wait3A_82 = tpu.memref_slice %arg4[%dma_wait3A_81] : memref<16000000xf32, #tpu.memory_space<hbm>> -> memref<1024xf32, #tpu.memory_space<hbm>>
        %dma_wait3A_83 = arith.constant 15998976 : i32
        %dma_wait3A_84 = tpu.memref_slice %arg4[%dma_wait3A_83] : memref<16000000xf32, #tpu.memory_space<hbm>> -> memref<1024xf32, #tpu.memory_space<hbm>>
        %dma_wait3A_85 = arith.constant 0 : i32
        %dma_wait3A_86 = tpu.memref_slice %arg9[%dma_wait3A_85] : memref<8192xf32, #tpu.memory_space<vmem>> -> memref<1024xf32, #tpu.memory_space<vmem>>
        tpu.wait_dma2 semaphore(%run_scoped3A : memref<!tpu.dma_semaphore, #tpu.memory_space<semaphore_mem>>) src(%dma_wait3A_86 : memref<1024xf32, #tpu.memory_space<vmem>>) dst(%dma_wait3A_84 : memref<1024xf32, #tpu.memory_space<hbm>>)
        tpu.yield
      }) : () -> ()
    } else {
    }
    return
  }
}

module attributes {stable_mosaic.version = 14 : i64} {
  func.func @_colsum_body(%arg0: i32, %arg1: memref<16x32768xf32, #tpu.memory_space<vmem>>, %arg2: memref<256x128xf32, #tpu.memory_space<vmem>>) attributes {dimension_semantics = [#tpu.dimension_semantics<arbitrary>], iteration_bounds = array<i64: 31>, scalar_prefetch = 0 : i64, scratch_operands = 0 : i64, tpu.core_type = #tpu.core_type<tc>, window_params = [{transform_indices = @transform_0, window_bounds = array<i64: 16, 32768>}, {transform_indices = @transform_1, window_bounds = array<i64: 256, 128>}]} {
    %get3A = arith.constant 0 : index
    %get3A_0 = arith.constant 0 : index
    %get3A_1 = vector.load %arg1[%get3A, %get3A_0] : memref<16x32768xf32, #tpu.memory_space<vmem>>, vector<16x32768xf32>
    %reduce_sum3A = arith.constant dense<0.000000e+00> : vector<32768xf32>
    %reduce_sum3A_2 = vector.multi_reduction <add>, %get3A_1, %reduce_sum3A [0] : vector<16x32768xf32> to vector<32768xf32>
    %reshape3A = vector.shape_cast %reduce_sum3A_2 : vector<32768xf32> to vector<256x128xf32>
    %swap3A = arith.constant 0 : index
    %swap3A_3 = arith.constant 0 : index
    %swap3A_4 = vector.load %arg2[%swap3A, %swap3A_3] : memref<256x128xf32, #tpu.memory_space<vmem>>, vector<256x128xf32>
    tpu.vector_store %arg2[%swap3A, %swap3A_3], %reshape3A {strides = array<i32>} : memref<256x128xf32, #tpu.memory_space<vmem>>, vector<256x128xf32>,
    return
  }
  func.func @transform_0(%arg0: i32) -> (i32, i32) {
    %c0_i32 = arith.constant 0 : i32
    %c0_i32_0 = arith.constant 0 : i32
    return %c0_i32, %arg0 : i32, i32
  }
  func.func @transform_1(%arg0: i32) -> (i32, i32) {
    %c0_i32 = arith.constant 0 : i32
    %c0_i32_0 = arith.constant 0 : i32
    return %arg0, %c0_i32 : i32, i32
  }
}

module attributes {stable_mosaic.version = 14 : i64} {
  func.func @_stats_body(%arg0: i32, %arg1: memref<2048x416xf32, #tpu.memory_space<vmem>>, %arg2: memref<1x416xf32, #tpu.memory_space<vmem>>, %arg3: memref<1x416xf32, #tpu.memory_space<vmem>>) attributes {dimension_semantics = [#tpu.dimension_semantics<arbitrary>], iteration_bounds = array<i64: 8>, scalar_prefetch = 0 : i64, scratch_operands = 0 : i64, tpu.core_type = #tpu.core_type<tc>, window_params = [{transform_indices = @transform_0, window_bounds = array<i64: 2048, 416>}, {pipeline_mode = #tpu.pipeline_mode<synchronous>, transform_indices = @transform_1, window_bounds = array<i64: 1, 416>}, {pipeline_mode = #tpu.pipeline_mode<synchronous>, transform_indices = @transform_2, window_bounds = array<i64: 1, 416>}]} {
    %eq3A = arith.constant 0 : i32
    %eq3A_0 = arith.cmpi eq, %arg0, %eq3A : i32
    %convert_element_type3A = arith.extui %eq3A_0 : i1 to i32
    %cond3A = arith.constant 0 : i32
    %cond3A_1 = arith.cmpi ne, %convert_element_type3A, %cond3A : i32
    scf.if %cond3A_1 {
      %broadcast_in_dim3A_20 = arith.constant 0.000000e+00 : f32
      %broadcast_in_dim3A_21 = vector.broadcast %broadcast_in_dim3A_20 : f32 to vector<1x416xf32>
      %swap3A_22 = arith.constant 0 : index
      %swap3A_23 = arith.constant 0 : index
      %swap3A_24 = vector.load %arg2[%swap3A_22, %swap3A_23] : memref<1x416xf32, #tpu.memory_space<vmem>>, vector<1x416xf32>
      tpu.vector_store %arg2[%swap3A_22, %swap3A_23], %broadcast_in_dim3A_21 {strides = array<i32>} : memref<1x416xf32, #tpu.memory_space<vmem>>, vector<1x416xf32>,
      %broadcast_in_dim3A_25 = arith.constant 0.000000e+00 : f32
      %broadcast_in_dim3A_26 = vector.broadcast %broadcast_in_dim3A_25 : f32 to vector<1x416xf32>
      %swap3A_27 = arith.constant 0 : index
      %swap3A_28 = arith.constant 0 : index
      %swap3A_29 = vector.load %arg3[%swap3A_27, %swap3A_28] : memref<1x416xf32, #tpu.memory_space<vmem>>, vector<1x416xf32>
      tpu.vector_store %arg3[%swap3A_27, %swap3A_28], %broadcast_in_dim3A_26 {strides = array<i32>} : memref<1x416xf32, #tpu.memory_space<vmem>>, vector<1x416xf32>,
    } else {
    }
    %get3A = arith.constant 0 : index
    %get3A_2 = arith.constant 0 : index
    %get3A_3 = vector.load %arg1[%get3A, %get3A_2] : memref<2048x416xf32, #tpu.memory_space<vmem>>, vector<2048x416xf32>
    %get3A_4 = arith.constant 0 : index
    %get3A_5 = arith.constant 0 : index
    %get3A_6 = vector.load %arg2[%get3A_4, %get3A_5] : memref<1x416xf32, #tpu.memory_space<vmem>>, vector<1x416xf32>
    %reduce_sum3A = arith.constant dense<0.000000e+00> : vector<416xf32>
    %reduce_sum3A_7 = vector.multi_reduction <add>, %get3A_3, %reduce_sum3A [0] : vector<2048x416xf32> to vector<416xf32>
    %broadcast_in_dim3A = vector.shape_cast %reduce_sum3A_7 : vector<416xf32> to vector<1x416xf32>
    %add3A = arith.addf %get3A_6, %broadcast_in_dim3A : vector<1x416xf32>
    %swap3A = arith.constant 0 : index
    %swap3A_8 = arith.constant 0 : index
    %swap3A_9 = vector.load %arg2[%swap3A, %swap3A_8] : memref<1x416xf32, #tpu.memory_space<vmem>>, vector<1x416xf32>
    tpu.vector_store %arg2[%swap3A, %swap3A_8], %add3A {strides = array<i32>} : memref<1x416xf32, #tpu.memory_space<vmem>>, vector<1x416xf32>,
    %get3A_10 = arith.constant 0 : index
    %get3A_11 = arith.constant 0 : index
    %get3A_12 = vector.load %arg3[%get3A_10, %get3A_11] : memref<1x416xf32, #tpu.memory_space<vmem>>, vector<1x416xf32>
    %mul3A = arith.mulf %get3A_3, %get3A_3 : vector<2048x416xf32>
    %reduce_sum3A_13 = arith.constant dense<0.000000e+00> : vector<416xf32>
    %reduce_sum3A_14 = vector.multi_reduction <add>, %mul3A, %reduce_sum3A_13 [0] : vector<2048x416xf32> to vector<416xf32>
    %broadcast_in_dim3A_15 = vector.shape_cast %reduce_sum3A_14 : vector<416xf32> to vector<1x416xf32>
    %add3A_16 = arith.addf %get3A_12, %broadcast_in_dim3A_15 : vector<1x416xf32>
    %swap3A_17 = arith.constant 0 : index
    %swap3A_18 = arith.constant 0 : index
    %swap3A_19 = vector.load %arg3[%swap3A_17, %swap3A_18] : memref<1x416xf32, #tpu.memory_space<vmem>>, vector<1x416xf32>
    tpu.vector_store %arg3[%swap3A_17, %swap3A_18], %add3A_16 {strides = array<i32>} : memref<1x416xf32, #tpu.memory_space<vmem>>, vector<1x416xf32>,
    return
  }
  func.func @transform_0(%arg0: i32) -> (i32, i32) {
    %c0_i32 = arith.constant 0 : i32
    %c0_i32_0 = arith.constant 0 : i32
    return %arg0, %c0_i32 : i32, i32
  }
  func.func @transform_1(%arg0: i32) -> (i32, i32) {
    %c0_i32 = arith.constant 0 : i32
    %c0_i32_0 = arith.constant 0 : i32
    %c0_i32_1 = arith.constant 0 : i32
    return %c0_i32, %c0_i32_0 : i32, i32
  }
  func.func @transform_2(%arg0: i32) -> (i32, i32) {
    %c0_i32 = arith.constant 0 : i32
    %c0_i32_0 = arith.constant 0 : i32
    %c0_i32_1 = arith.constant 0 : i32
    return %c0_i32, %c0_i32_0 : i32, i32
  }
}

module attributes {stable_mosaic.version = 14 : i64} {
  func.func @_mlp_body(%arg0: i32, %arg1: memref<1x416xf32, #tpu.memory_space<vmem>>, %arg2: memref<1x416xf32, #tpu.memory_space<vmem>>, %arg3: memref<1x416xf32, #tpu.memory_space<vmem>>, %arg4: memref<1x416xf32, #tpu.memory_space<vmem>>, %arg5: memref<416x1024xbf16, #tpu.memory_space<vmem>>, %arg6: memref<1x1024xf32, #tpu.memory_space<vmem>>, %arg7: memref<1024x512xbf16, #tpu.memory_space<vmem>>, %arg8: memref<1x512xf32, #tpu.memory_space<vmem>>, %arg9: memref<512x1xbf16, #tpu.memory_space<vmem>>, %arg10: memref<1x1xf32, #tpu.memory_space<vmem>>, %arg11: memref<2048x416xf32, #tpu.memory_space<vmem>>, %arg12: memref<2048x26xf32, #tpu.memory_space<vmem>>, %arg13: memref<2048x1xf32, #tpu.memory_space<vmem>>) attributes {dimension_semantics = [#tpu.dimension_semantics<arbitrary>], iteration_bounds = array<i64: 8>, scalar_prefetch = 0 : i64, scratch_operands = 0 : i64, tpu.core_type = #tpu.core_type<tc>, window_params = [{pipeline_mode = #tpu.pipeline_mode<synchronous>, transform_indices = @transform_0, window_bounds = array<i64: 1, 416>}, {pipeline_mode = #tpu.pipeline_mode<synchronous>, transform_indices = @transform_1, window_bounds = array<i64: 1, 416>}, {pipeline_mode = #tpu.pipeline_mode<synchronous>, transform_indices = @transform_2, window_bounds = array<i64: 1, 416>}, {pipeline_mode = #tpu.pipeline_mode<synchronous>, transform_indices = @transform_3, window_bounds = array<i64: 1, 416>}, {pipeline_mode = #tpu.pipeline_mode<synchronous>, transform_indices = @transform_4, window_bounds = array<i64: 416, 1024>}, {pipeline_mode = #tpu.pipeline_mode<synchronous>, transform_indices = @transform_5, window_bounds = array<i64: 1, 1024>}, {pipeline_mode = #tpu.pipeline_mode<synchronous>, transform_indices = @transform_6, window_bounds = array<i64: 1024, 512>}, {pipeline_mode = #tpu.pipeline_mode<synchronous>, transform_indices = @transform_7, window_bounds = array<i64: 1, 512>}, {pipeline_mode = #tpu.pipeline_mode<synchronous>, transform_indices = @transform_8, window_bounds = array<i64: 512, 1>}, {pipeline_mode = #tpu.pipeline_mode<synchronous>, transform_indices = @transform_9, window_bounds = array<i64: 1, 1>}, {transform_indices = @transform_10, window_bounds = array<i64: 2048, 416>}, {transform_indices = @transform_11, window_bounds = array<i64: 2048, 26>}, {transform_indices = @transform_12, window_bounds = array<i64: 2048, 1>}]} {
    %get3A = arith.constant 0 : index
    %get3A_0 = arith.constant 0 : index
    %get3A_1 = vector.load %arg1[%get3A, %get3A_0] : memref<1x416xf32, #tpu.memory_space<vmem>>, vector<1x416xf32>
    %mul3A = arith.constant 6.10351563E-5 : f32
    %mul3A_2 = vector.broadcast %mul3A : f32 to vector<1x416xf32>
    %mul3A_3 = arith.mulf %get3A_1, %mul3A_2 : vector<1x416xf32>
    %get3A_4 = arith.constant 0 : index
    %get3A_5 = arith.constant 0 : index
    %get3A_6 = vector.load %arg2[%get3A_4, %get3A_5] : memref<1x416xf32, #tpu.memory_space<vmem>>, vector<1x416xf32>
    %mul3A_7 = arith.constant 6.10351563E-5 : f32
    %mul3A_8 = vector.broadcast %mul3A_7 : f32 to vector<1x416xf32>
    %mul3A_9 = arith.mulf %get3A_6, %mul3A_8 : vector<1x416xf32>
    %mul3A_10 = arith.mulf %mul3A_3, %mul3A_3 : vector<1x416xf32>
    %sub3A = arith.subf %mul3A_9, %mul3A_10 : vector<1x416xf32>
    %get3A_11 = arith.constant 0 : index
    %get3A_12 = arith.constant 0 : index
    %get3A_13 = vector.load %arg3[%get3A_11, %get3A_12] : memref<1x416xf32, #tpu.memory_space<vmem>>, vector<1x416xf32>
    %add3A = arith.constant 9.99999974E-6 : f32
    %add3A_14 = vector.broadcast %add3A : f32 to vector<1x416xf32>
    %add3A_15 = arith.addf %sub3A, %add3A_14 : vector<1x416xf32>
    %rsqrt3A = math.rsqrt %add3A_15 : vector<1x416xf32>
    %mul3A_16 = arith.mulf %get3A_13, %rsqrt3A : vector<1x416xf32>
    %get3A_17 = arith.constant 0 : index
    %get3A_18 = arith.constant 0 : index
    %get3A_19 = vector.load %arg4[%get3A_17, %get3A_18] : memref<1x416xf32, #tpu.memory_space<vmem>>, vector<1x416xf32>
    %mul3A_20 = arith.mulf %mul3A_3, %mul3A_16 : vector<1x416xf32>
    %sub3A_21 = arith.subf %get3A_19, %mul3A_20 : vector<1x416xf32>
    %get3A_22 = arith.constant 0 : index
    %get3A_23 = arith.constant 0 : index
    %get3A_24 = vector.load %arg11[%get3A_22, %get3A_23] : memref<2048x416xf32, #tpu.memory_space<vmem>>, vector<2048x416xf32>
    %mul3A_25 = vector.broadcast %mul3A_16 : vector<1x416xf32> to vector<2048x416xf32>
    %mul3A_26 = arith.mulf %get3A_24, %mul3A_25 : vector<2048x416xf32>
    %add3A_27 = vector.broadcast %sub3A_21 : vector<1x416xf32> to vector<2048x416xf32>
    %add3A_28 = arith.addf %mul3A_26, %add3A_27 : vector<2048x416xf32>
    %convert_element_type3A = arith.truncf %add3A_28 : vector<2048x416xf32> to vector<2048x416xbf16>
    %get3A_29 = arith.constant 0 : index
    %get3A_30 = arith.constant 0 : index
    %get3A_31 = vector.load %arg5[%get3A_29, %get3A_30] : memref<416x1024xbf16, #tpu.memory_space<vmem>>, vector<416x1024xbf16>
    %dot_general3A = arith.constant dense<0.000000e+00> : vector<2048x1024xf32>
    %dot_general3A_32 = tpu.matmul %convert_element_type3A, %get3A_31, %dot_general3A {dimension_numbers = #tpu.dot_dimension_numbers<[1], [0], [0], [1], [0, 0, 1, 1], [], []>, transpose_lhs_hint = false} : vector<2048x416xbf16>, vector<416x1024xbf16>, vector<2048x1024xf32> -> vector<2048x1024xf32>
    %get3A_33 = arith.constant 0 : index
    %get3A_34 = arith.constant 0 : index
    %get3A_35 = vector.load %arg6[%get3A_33, %get3A_34] : memref<1x1024xf32, #tpu.memory_space<vmem>>, vector<1x1024xf32>
    %add3A_36 = vector.broadcast %get3A_35 : vector<1x1024xf32> to vector<2048x1024xf32>
    %add3A_37 = arith.addf %dot_general3A_32, %add3A_36 : vector<2048x1024xf32>
    %max3A = arith.constant 0.000000e+00 : f32
    %max3A_38 = vector.broadcast %max3A : f32 to vector<2048x1024xf32>
    %max3A_39 = arith.maximumf %add3A_37, %max3A_38 : vector<2048x1024xf32>
    %convert_element_type3A_40 = arith.truncf %max3A_39 : vector<2048x1024xf32> to vector<2048x1024xbf16>
    %get3A_41 = arith.constant 0 : index
    %get3A_42 = arith.constant 0 : index
    %get3A_43 = vector.load %arg7[%get3A_41, %get3A_42] : memref<1024x512xbf16, #tpu.memory_space<vmem>>, vector<1024x512xbf16>
    %dot_general3A_44 = arith.constant dense<0.000000e+00> : vector<2048x512xf32>
    %dot_general3A_45 = tpu.matmul %convert_element_type3A_40, %get3A_43, %dot_general3A_44 {dimension_numbers = #tpu.dot_dimension_numbers<[1], [0], [0], [1], [0, 0, 1, 1], [], []>, transpose_lhs_hint = false} : vector<2048x1024xbf16>, vector<1024x512xbf16>, vector<2048x512xf32> -> vector<2048x512xf32>
    %get3A_46 = arith.constant 0 : index
    %get3A_47 = arith.constant 0 : index
    %get3A_48 = vector.load %arg8[%get3A_46, %get3A_47] : memref<1x512xf32, #tpu.memory_space<vmem>>, vector<1x512xf32>
    %add3A_49 = vector.broadcast %get3A_48 : vector<1x512xf32> to vector<2048x512xf32>
    %add3A_50 = arith.addf %dot_general3A_45, %add3A_49 : vector<2048x512xf32>
    %max3A_51 = arith.constant 0.000000e+00 : f32
    %max3A_52 = vector.broadcast %max3A_51 : f32 to vector<2048x512xf32>
    %max3A_53 = arith.maximumf %add3A_50, %max3A_52 : vector<2048x512xf32>
    %convert_element_type3A_54 = arith.truncf %max3A_53 : vector<2048x512xf32> to vector<2048x512xbf16>
    %get3A_55 = arith.constant 0 : index
    %get3A_56 = arith.constant 0 : index
    %get3A_57 = vector.load %arg9[%get3A_55, %get3A_56] : memref<512x1xbf16, #tpu.memory_space<vmem>>, vector<512x1xbf16>
    %dot_general3A_58 = arith.constant dense<0.000000e+00> : vector<2048x1xf32>
    %dot_general3A_59 = tpu.matmul %convert_element_type3A_54, %get3A_57, %dot_general3A_58 {dimension_numbers = #tpu.dot_dimension_numbers<[1], [0], [0], [1], [0, 0, 1, 1], [], []>, transpose_lhs_hint = false} : vector<2048x512xbf16>, vector<512x1xbf16>, vector<2048x1xf32> -> vector<2048x1xf32>
    %get3A_60 = arith.constant 0 : index
    %get3A_61 = arith.constant 0 : index
    %get3A_62 = vector.load %arg10[%get3A_60, %get3A_61] : memref<1x1xf32, #tpu.memory_space<vmem>>, vector<1x1xf32>
    %add3A_63 = vector.broadcast %get3A_62 : vector<1x1xf32> to vector<2048x1xf32>
    %add3A_64 = arith.addf %dot_general3A_59, %add3A_63 : vector<2048x1xf32>
    %get3A_65 = arith.constant 0 : index
    %get3A_66 = arith.constant 0 : index
    %get3A_67 = vector.load %arg12[%get3A_65, %get3A_66] : memref<2048x26xf32, #tpu.memory_space<vmem>>, vector<2048x26xf32>
    %reduce_sum3A = arith.constant dense<0.000000e+00> : vector<2048xf32>
    %reduce_sum3A_68 = vector.multi_reduction <add>, %get3A_67, %reduce_sum3A [1] : vector<2048x26xf32> to vector<2048xf32>
    %broadcast_in_dim3A = vector.shape_cast %reduce_sum3A_68 : vector<2048xf32> to vector<2048x1xf32>
    %add3A_69 = arith.addf %add3A_64, %broadcast_in_dim3A : vector<2048x1xf32>
    %logistic3A = arith.negf %add3A_69 : vector<2048x1xf32>
    %logistic3A_70 = math.exp %logistic3A : vector<2048x1xf32>
    %logistic3A_71 = arith.constant 1.000000e+00 : f32
    %logistic3A_72 = vector.broadcast %logistic3A_71 : f32 to vector<2048x1xf32>
    %logistic3A_73 = arith.addf %logistic3A_72, %logistic3A_70 : vector<2048x1xf32>
    %logistic3A_74 = arith.divf %logistic3A_72, %logistic3A_73 : vector<2048x1xf32>
    %swap3A = arith.constant 0 : index
    %swap3A_75 = arith.constant 0 : index
    %swap3A_76 = vector.load %arg13[%swap3A, %swap3A_75] : memref<2048x1xf32, #tpu.memory_space<vmem>>, vector<2048x1xf32>
    tpu.vector_store %arg13[%swap3A, %swap3A_75], %logistic3A_74 {strides = array<i32>} : memref<2048x1xf32, #tpu.memory_space<vmem>>, vector<2048x1xf32>,
    return
  }
  func.func @transform_0(%arg0: i32) -> (i32, i32) {
    %c0_i32 = arith.constant 0 : i32
    %c0_i32_0 = arith.constant 0 : i32
    %c0_i32_1 = arith.constant 0 : i32
    return %c0_i32, %c0_i32_0 : i32, i32
  }
  func.func @transform_1(%arg0: i32) -> (i32, i32) {
    %c0_i32 = arith.constant 0 : i32
    %c0_i32_0 = arith.constant 0 : i32
    %c0_i32_1 = arith.constant 0 : i32
    return %c0_i32, %c0_i32_0 : i32, i32
  }
  func.func @transform_2(%arg0: i32) -> (i32, i32) {
    %c0_i32 = arith.constant 0 : i32
    %c0_i32_0 = arith.constant 0 : i32
    %c0_i32_1 = arith.constant 0 : i32
    return %c0_i32, %c0_i32_0 : i32, i32
  }
  func.func @transform_3(%arg0: i32) -> (i32, i32) {
    %c0_i32 = arith.constant 0 : i32
    %c0_i32_0 = arith.constant 0 : i32
    %c0_i32_1 = arith.constant 0 : i32
    return %c0_i32, %c0_i32_0 : i32, i32
  }
  func.func @transform_4(%arg0: i32) -> (i32, i32) {
    %c0_i32 = arith.constant 0 : i32
    %c0_i32_0 = arith.constant 0 : i32
    %c0_i32_1 = arith.constant 0 : i32
    return %c0_i32, %c0_i32_0 : i32, i32
  }
  func.func @transform_5(%arg0: i32) -> (i32, i32) {
    %c0_i32 = arith.constant 0 : i32
    %c0_i32_0 = arith.constant 0 : i32
    %c0_i32_1 = arith.constant 0 : i32
    return %c0_i32, %c0_i32_0 : i32, i32
  }
  func.func @transform_6(%arg0: i32) -> (i32, i32) {
    %c0_i32 = arith.constant 0 : i32
    %c0_i32_0 = arith.constant 0 : i32
    %c0_i32_1 = arith.constant 0 : i32
    return %c0_i32, %c0_i32_0 : i32, i32
  }
  func.func @transform_7(%arg0: i32) -> (i32, i32) {
    %c0_i32 = arith.constant 0 : i32
    %c0_i32_0 = arith.constant 0 : i32
    %c0_i32_1 = arith.constant 0 : i32
    return %c0_i32, %c0_i32_0 : i32, i32
  }
  func.func @transform_8(%arg0: i32) -> (i32, i32) {
    %c0_i32 = arith.constant 0 : i32
    %c0_i32_0 = arith.constant 0 : i32
    %c0_i32_1 = arith.constant 0 : i32
    return %c0_i32, %c0_i32_0 : i32, i32
  }
  func.func @transform_9(%arg0: i32) -> (i32, i32) {
    %c0_i32 = arith.constant 0 : i32
    %c0_i32_0 = arith.constant 0 : i32
    %c0_i32_1 = arith.constant 0 : i32
    return %c0_i32, %c0_i32_0 : i32, i32
  }
  func.func @transform_10(%arg0: i32) -> (i32, i32) {
    %c0_i32 = arith.constant 0 : i32
    %c0_i32_0 = arith.constant 0 : i32
    return %arg0, %c0_i32 : i32, i32
  }
  func.func @transform_11(%arg0: i32) -> (i32, i32) {
    %c0_i32 = arith.constant 0 : i32
    %c0_i32_0 = arith.constant 0 : i32
    return %arg0, %c0_i32 : i32, i32
  }
  func.func @transform_12(%arg0: i32) -> (i32, i32) {
    %c0_i32 = arith.constant 0 : i32
    %c0_i32_0 = arith.constant 0 : i32
    return %arg0, %c0_i32 : i32, i32
  }
}

</mosaic_0001>

<sc_bundles>
// kernel: kernel.11.cloned.1.call-start
scs
__scs_entry_jumppad:
0x0: {  	(pc) =	sbr.rel $0x88, $3  }
0x1: {  	(tag) =	ssettag $0x0;
	lr =	simm.s32 $0x1  }
0x2: {  	[smem:$0x3F96] =	sst lr;
	_ =	strace $0xD0000000  }
0x3: {  	_ = 	snop  }
0x4: {  	_ = 	snop  }
0x5: {  	_ = 	snop  }
0x6: {  	_ = 	snop  }
0x7: {  	_ = 	snop  }
__scs_overlays_trampoline_lowered:
0x8: {  	[smem:$0x3FA5] =	sst s0  }
0x9: {  	[smem:$0x3FA6] =	sst s1  }
0xa: {  	[smem:$0x3FA7] =	sst s2  }
0xb: {  	[smem:$0x3FA8] =	sst s3  }
0xc: {  	[smem:$0x3FA9] =	sst s4  }
0xd: {  	[smem:$0x3FAA] =	sst s5  }
0xe: {  	[smem:$0x3FAB] =	sst s6  }
0xf: {  	[smem:$0x3FAC] =	sst s7  }
0x10: {  	[smem:$0x3FAD] =	sst s8  }
0x11: {  	[smem:$0x3FAE] =	sst s9;
	s0 =	simm.s32 @!p0 $0x0  }
0x12: {  	s1 =	sld [smem:$0x3F94];
	s0 =	simm.s32 @p0 $0x1  }
0x13: {  	[smem:$0x3FAF] =	sst s0;
	s0 =	simm.s32 @!p1 $0x0  }
0x14: {  	s2 =	sld [smem:$0x3F93];
	s0 =	simm.s32 @p1 $0x1  }
0x15: {  	[smem:$0x3FB0] =	sst s0;
	s0 =	simm.s32 @!p2 $0x0  }
0x16: {  	s3 =	sld [smem:$0x3FDB];
	s0 =	simm.s32 @p2 $0x1  }
0x17: {  	s4 =	simm.s32 $0x1BF5;
	[smem:$0x3FB2] =	sst s0  }
0x18: {  	s0 =	sld [smem:$0x3F95];
	_ =	swait.ge [sflag:s4], $0x0  }
0x19: {  	s7 =	sld [smem:$0x3F96]  }
0x1a: {  	s8 =	sadd.s32 $0xFFFFE003, lr  }
0x1b: {  	s9 =	sadd.s32 $0xFFFFFEF7, lr;
	s5 =	simm.s32 $0xFFFFFFFF;
	p2 =	slt.u32 s8, $0xFFFFF086  }
0x1c: {  	p1 =	slt.u32 s9, $0xF7A;
	s5 =	simm.s32 @!p2 $0x0  }
0x1d: {  	s5 =	simm.s32 @p1 $0x1;
	p0 =	seq.s32 s7, s2  }
0x1e: {  	s7 =	smul.u32 @!p0 $0xF7A, s2;
	p2 =	seq.s32 @!p0 s5, $0x0  }
0x1f: {  	s9 =	smul.u32 $0xF7A, s1;
	s8 =	simm.s32 @!p0 $0x1BF5;
	p2 =	por !p2, p0  }
0x20: {  	[sflag:s8] =	ssyncset.s32 @!p0 $0xFFFFF086;
	s6 =	sadd.s32 @!p0 s3, s7;
	s7 =	simm.s32 @!p0 $0x108  }
0x21: {  	s3 =	sadd.s32 s3, s9;
	s6 =	sadd.s32 @!p0 $0x88, s6;
	s7 =	simm.s32 @p2 $0x1082  }
0x22: {  	[simem:s7], [sflag:s8] =	dma.local @!p0 [hbm:s6], $0xF7A  }
0x23: {  	s9 =	sor.u32 $0xD0000000, s2;
	s6 =	simm.s32 $0x108;
	_ =	swait.ge @!p0 [sflag:s8], $0x0  }
0x24: {  	s3 =	sadd.s32 $0x88, s3;
	s6 =	simm.s32 @!p1 $0x1082;
	[sflag:s4] =	ssyncset.s32 $0xFFFFF086  }
0x25: {  	[simem:s6], [sflag:s4] =	dma.local [hbm:s3], $0xF7A  }
0x26: {  	[smem:$0x3F96] =	sst s1;
	(tag) =	ssettag s2;
	_ =	strace s9  }
0x27: {  	s1 =	sld [smem:$0x3FA6]  }
0x28: {  	s2 =	sld [smem:$0x3FA7]  }
0x29: {  	s4 =	sld [smem:$0x3FA9]  }
0x2a: {  	p0 =	seq.s32 s5, $0x0;
	s5 =	sld [smem:$0x3FAA]  }
0x2b: {  	s6 =	sld [smem:$0x3FAB]  }
0x2c: {  	s7 =	sld [smem:$0x3FAC]  }
0x2d: {  	s3 =	simm.s32 $0x108;
	s8 =	sld [smem:$0x3FAD]  }
0x2e: {  	s3 =	simm.s32 @!p0 $0x1082;
	s9 =	sld [smem:$0x3FAE]  }
0x2f: {  	lr =	sadd.s32 s0, s3;
	s0 =	sld [smem:$0x3FA5]  }
0x30: {  	s3 =	sld [smem:$0x3FA8]  }
0x31: {  	[smem:$0x3FB1] =	sst s10  }
0x32: {  	s10 =	sld [smem:$0x3FAF];
	_ =	sdelay $0x3  }
0x33: {  	p0 =	seq.s32 s10, $0x1;
	s10 =	sld [smem:$0x3FB1];
	_ =	sdelay $0x3  }
0x34: {  	[smem:$0x3FB1] =	sst s10  }
0x35: {  	s10 =	sld [smem:$0x3FB0];
	_ =	sdelay $0x3  }
0x36: {  	p1 =	seq.s32 s10, $0x1;
	s10 =	sld [smem:$0x3FB1];
	_ =	sdelay $0x3  }
0x37: {  	[smem:$0x3FB1] =	sst s10  }
0x38: {  	s10 =	sld [smem:$0x3FB2]  }
0x39: {  	_ = 	snop;
	(pc) =	sbr.ind lr, $3  }
0x3a: {  	_ = 	snop  }
0x3b: {  	_ = 	snop  }
0x3c: {  	p2 =	seq.s32 s10, $0x1;
	s10 =	sld [smem:$0x3FB1]  }
0x3d: {  	_ =	shalt  }
0x3e: {  	_ =	shalt  }
0x3f: {  	_ =	shalt  }
0x40: {  	_ =	shalt  }
0x41: {  	_ =	shalt  }
0x42: {  	_ =	shalt  }
0x43: {  	_ =	shalt  }
0x44: {  	_ =	shalt  }
0x45: {  	_ =	shalt  }
0x46: {  	_ =	shalt  }
0x47: {  	_ =	shalt  }
0x48: {  	_ =	shalt  }
0x49: {  	_ =	shalt  }
0x4a: {  	_ =	shalt  }
0x4b: {  	_ =	shalt  }
0x4c: {  	_ =	shalt  }
0x4d: {  	_ =	shalt  }
0x4e: {  	_ =	shalt  }
0x4f: {  	_ =	shalt  }
0x50: {  	_ =	shalt  }
0x51: {  	_ =	shalt  }
0x52: {  	_ =	shalt  }
0x53: {  	_ =	shalt  }
0x54: {  	_ =	shalt  }
0x55: {  	_ =	shalt  }
0x56: {  	_ =	shalt  }
0x57: {  	_ =	shalt  }
0x58: {  	_ =	shalt  }
0x59: {  	_ =	shalt  }
0x5a: {  	_ =	shalt  }
0x5b: {  	_ =	shalt  }
0x5c: {  	_ =	shalt  }
0x5d: {  	_ =	shalt  }
0x5e: {  	_ =	shalt  }
0x5f: {  	_ =	shalt  }
0x60: {  	_ =	shalt  }
0x61: {  	_ =	shalt  }
0x62: {  	_ =	shalt  }
0x63: {  	_ =	shalt  }
0x64: {  	_ =	shalt  }
0x65: {  	_ =	shalt  }
0x66: {  	_ =	shalt  }
0x67: {  	_ =	shalt  }
0x68: {  	_ =	shalt  }
0x69: {  	_ =	shalt  }
0x6a: {  	_ =	shalt  }
0x6b: {  	_ =	shalt  }
0x6c: {  	_ =	shalt  }
0x6d: {  	_ =	shalt  }
0x6e: {  	_ =	shalt  }
0x6f: {  	_ =	shalt  }
0x70: {  	_ =	shalt  }
0x71: {  	_ =	shalt  }
0x72: {  	_ =	shalt  }
0x73: {  	_ =	shalt  }
0x74: {  	_ =	shalt  }
0x75: {  	_ =	shalt  }
0x76: {  	_ =	shalt  }
0x77: {  	_ =	shalt  }
0x78: {  	_ =	shalt  }
0x79: {  	_ =	shalt  }
0x7a: {  	_ =	shalt  }
0x7b: {  	_ =	shalt  }
0x7c: {  	_ =	shalt  }
0x7d: {  	_ =	shalt  }
0x7e: {  	_ =	shalt  }
0x7f: {  	_ =	shalt  }
0x80: {  	_ =	shalt  }
0x81: {  	_ =	shalt  }
0x82: {  	_ =	shalt  }
0x83: {  	_ =	shalt  }
0x84: {  	_ =	shalt  }
0x85: {  	_ =	shalt  }
0x86: {  	_ =	shalt  }
0x87: {  	_ =	shalt  }
.Lfunc_end0:
.L_simem_size_0:
called_computation.1_lowered:
.L_overlay_start_0:
0x88: {  	s2 =	sld [smem:$0x3FD9]  }
0x89: {  	s3 =	sld [smem:$0x3FFE];
	_ =	sdelay $0x1  }
0x8a: {  	s1 =	srdreg.scid  }
0x8b: {  	s0 =	sand.u32 $0x1, s1  }
0x8c: {  	s17 =	sshll.u32 s0, $0xA;
	s2 =	sadd.s32 s3, s2  }
0x8d: {  	s2 =	sadd.s32 s2, s17  }
0x8e: {  	[smem:$0x3FBD] =	sst s2  }
0x8f: {  	_ = 	snop  }
0x90: {  	(tm) =	ssettm $0x1  }
0x91: {  	s18 =	sld [smem:$0x3FFB];
	_ =	sdelay $0x3  }
0x92: {  	_ =	strace s18  }
0x93: {  	s2 =	sld [smem:$0x3FFC];
	_ =	sdelay $0x3  }
0x94: {  	_ =	strace s2  }
0x95: {  	s2 =	sld [smem:$0x3FFD];
	_ =	sdelay $0x3  }
0x96: {  	_ =	strace s2  }
0x97: {  	_ =	strace $0x8FFFFFFF  }
0x98: {  	s19 =	sld [smem:$0x3FDB];
	_ =	sdelay $0x1  }
0x99: {  	s20 =	simm.s32 $_scs_section_size  }
0x9a: {  	s4 =	simm.s32 $_size__tile_overlayer_lowered;
	s5 =	simm.s32 $_tile_overlayer_lowered  }
0x9b: {  	s6 =	simm.s32 $0x1BFF;
	s21 =	sshll.u32 s5, $0x1;
	s3 =	sadd.s32 s20, s19  }
0x9c: {  	s22 =	simm.s32 $0x0;
	s4 =	sshll.u32 s4, $0x1;
	s5 =	sadd.s32 s21, s3  }
0x9d: {  	[timem:s22], [sflag:s6] =	dma.local [hbm:s5], s4  }
0x9e: {  	_ =	swait.ge [sflag:s6], s4  }
0x9f: {  	s4 =	ssub.s32 $0x0, s4;
	[sflag:s6] =	ssyncset.done $0x0  }
0xa0: {  	[sflag:s6] =	ssyncadd.s32 s4;
	_ =	sdelay $0x1  }
0xa1: {  	s23 =	simm.s32 $0x1B8B  }
0xa2: {  	_ =	swait.ge [sflag:s23], $0x1  }
0xa3: {  	[sflag:s23] =	ssyncset.done $0x0  }
0xa4: {  	[sflag:s23] =	ssyncadd.s32 $0xFFFFFFFF  }
0xa5: {  	s4 =	sld [smem:$0x0]  }
0xa6: {  	s5 =	sand.u32 $0xFFFFFFFE, s1  }
0xa7: {  	p0 =	sne.s32 s1, s5  }
0xa8: {  	s5 =	sshll.u32 @p0 s5, $0xE  }
0xa9: {  	s5 =	sadd.s32 @p0 $0x11B8D, s5;
	s6 =	sshll.u32 @p0 s4, $0x11  }
0xaa: {  	s5 =	sor.u32 @p0 s6, s5  }
0xab: {  	[sflag:s5] =	ssyncadd.remote.s32 @p0 $0x1;
	_ =	sdelay $0x1  }
0xac: {  	s5 =	simm.s32 @p0 $0x1B8D  }
0xad: {  	_ =	swait.eq @p0 [sflag:s5], $0x1  }
0xae: {  	[sflag:s5] =	ssyncadd.s32 @p0 $0xFFFFFFFF  }
0xaf: {  	s6 =	sshll.u32 @!p0 s1, $0xE  }
0xb0: {  	s6 =	sor.u32 @!p0 $0x4000, s6;
	s5 =	simm.s32 @!p0 $0x1B8D  }
0xb1: {  	s4 =	sshll.u32 @!p0 s4, $0x11;
	s6 =	sadd.s32 @!p0 $0x11B8D, s6;
	_ =	swait.eq @!p0 [sflag:s5], $0x1  }
0xb2: {  	s4 =	sor.u32 @!p0 s4, s6;
	[sflag:s5] =	ssyncadd.s32 @!p0 $0xFFFFFFFF  }
0xb3: {  	s25 =	simm.s32 $0x1B8E;
	s24 =	sld [smem:$0x3FFE];
	[sflag:s4] =	ssyncadd.remote.s32 @!p0 $0x1  }
0xb4: {  	s26 =	simm.s32 $execute0_lowered;
	[smem:$0x3FD2] =	sst s25  }
0xb5: {  	s5 =	sshll.u32 s26, $0x1;
	_ =	strace $0x8000004C;
	[dreg:$0x1] =	wrdreg $0xFFFFFFFF  }
0xb6: {  	s28 =	simm.s32 $_size_execute0_lowered;
	s3 =	sadd.s32 s3, s5;
	[dreg:$0x0] =	wrdreg $0x0  }
0xb7: {  	s5 =	sshll.u32 s28, $0x1;
	[dreg:$0x2] =	wrdreg s3  }
0xb8: {  	[dreg:$0x3] =	wrdreg s5  }
0xb9: {  	[dreg:$0x4] =	wrdreg $0xC0  }
0xba: {  	_ =	task [dreg:s22], $0x5FFFF  }
0xbb: {  	[dreg:$0x1] =	wrdreg $0xFFFFFFFF  }
0xbc: {  	[dreg:$0x0] =	wrdreg $0x60  }
0xbd: {  	[dreg:$0x2] =	wrdreg s24  }
0xbe: {  	[dreg:$0x3] =	wrdreg $0xA  }
0xbf: {  	_ =	task.clear_ibuf [dreg:s22], $0x4FFFF;
	_ =	strace $0x9000004C  }
0xc0: {  	s29 =	simm.s32 $0xA;
	_ =	strace $0x8000004E  }
0xc1: {  	_ =	swait.ge [sflag:s29], $0x1  }
0xc2: {  	[sflag:s29] =	ssyncadd.s32 $0xFFFFFFFF  }
0xc3: {  	_ =	strace $0x9000004E  }
0xc4: {  	_ =	sfence  }
0xc5: {  	s30 =	sld [smem:$0x0];
	_ =	sdelay $0x2  }
0xc6: {  	s31 =	sshll.u32 s1, $0xD;
	s1 =	sshrl.u32 s1, $0x2  }
0xc7: {  	s4 =	sand.u32 $0x4000, s31;
	s1 =	sadd.s32 s1, s30  }
0xc8: {  	s0 =	sor.u32 s4, s0;
	s1 =	sshll.u32 s1, $0x11  }
0xc9: {  	s0 =	sor.u32 s1, s0  }
0xca: {  	s0 =	sadd.s32 $0x8F2B, s0  }
0xcb: {  	[sflag:s0] =	ssyncadd.remote.s32 $0x1  }
0xcc: {  	_ =	sfence.sel $0xFFFF  }
0xcd: {  	[dreg:$0x0] =	wrdreg $0xFFFFFFFF;
	(pc) =	sbr.abs _section_cstart, $3  }
0xce: {  	[dreg:$0x1] =	wrdreg $0xFFFFFFFF  }
0xcf: {  	_ =	task.clear_ibuf [dreg:s22], $0x2FFFF;
	_ =	strace $0x9FFFFFFF  }
0xd0: {  	(tm) =	ssettm $0x7FFFFFFF  }
0xd1: {  	_ =	shalt  }
tec
execute0_lowered:
.L_overlay_start_1:
0x0: {  	(tag) =	ssettag $0x1  }
0x1: {  	s1 =	srdreg.scid;
	s0 =	stileid.u32  }
0x2: {  	s11 =	sand.u32 $0x1, s1;
	s28 =	sshll.u32 s0, $0x1  }
0x3: {  	s8 =	sor.u32 s11, s28  }
0x4: {  	s9 =	rddreg [dreg:$0x0];
	s10 =	smul.u32 $0x3400, s8  }
0x5: {  	s2 =	simm.s32 $0x0;
	s1 =	rddreg [dreg:$0x1]  }
0x6: {  	[smem:$0x7FF] =	sst s2;
	s12 =	sadd.s32 $0x1EA600, s9;
	s3 =	sshrl.u32 s10, $0x3  }
0x7: {  	_ =	strace $0x8000004D;
	s4 =	sadd.s32 s12, s3;
	s3 =	simm.s32 $0x3  }
0x8: {  	[tilespmem:s2], [sflag:$0x3] =	stream.linear.gather [hbm4b:s4+s2], $0x1A00, $0x38;
	[tilespmem:$0x1BA00] =	vst v63  }
0x9: {  	_ =	swait.ge [sflag:s3], $0x1A00  }
0xa: {  	s6 =	simm.s32 $0x1A00;
	[sflag:s3] =	ssyncset.done $0x0  }
0xb: {  	s7 =	simm.s32 $0x1;
	s5 =	sadd.s32 $0x2000, s9;
	[sflag:s3] =	ssyncadd.s32 $0xFFFFE600  }
0xc: {  	[tilespmem:s6], [sflag:$0x1] =	stream.indirect.gather [hbm4b:s5+s6], $0x10, s2, s6, $0xb8;
	[tilespmem:$0x1BA00] =	vst v63  }
0xd: {  	s8 =	smul.u32 $0x6800, s8;
	_ =	swait.ge [sflag:s7], $0x1A000  }
0xe: {  	s13 =	sadd.s32 $0x224600, s9;
	s14 =	sadd.s32 $0x1A00, s10;
	[sflag:s7] =	ssyncset.done $0x0  }
0xf: {  	s8 =	sadd.s32 s13, s8;
	s29 =	sshrl.u32 s14, $0x3;
	[sflag:s7] =	ssyncadd.s32 $0xFFFE6000  }
0x10: {  	[hbm4b:s8+s2] =	stream.linear.scatter [tilespmem:s6], [sflag:$0x2], $0x1A000, $0x38;
	[tilespmem:$0x1BA00] =	vst v63  }
0x11: {  	s9 =	sadd.s32 s12, s29  }
0x12: {  	[tilespmem:s2], [sflag:$0x3] =	stream.linear.gather [hbm4b:s9+s2], $0x1A00, $0x38;
	[tilespmem:$0x1BA00] =	vst v63  }
0x13: {  	_ =	swait.ge [sflag:s3], $0x1A00  }
0x14: {  	[sflag:s3] =	ssyncset.done $0x0  }
0x15: {  	s11 =	ssub.s32 $0x2, s11;
	s10 =	simm.s32 $0x2;
	[sflag:s3] =	ssyncadd.s32 $0xFFFFE600  }
0x16: {  	s30 =	sshrl.u32 s11, $0x1;
	_ =	swait.ge [sflag:s10], $0x1A000  }
0x17: {  	s12 =	ssub.s32 s11, s30;
	[sflag:s10] =	ssyncset.done $0x0  }
0x18: {  	s12 =	smax.u32 s12, $0x1;
	[sflag:s10] =	ssyncadd.s32 $0xFFFE6000  }
0x19: {  	[tilespmem:s6], [sflag:$0x1] =	stream.indirect.gather [hbm4b:s5+s6], $0x10, s2, s6, $0xb8;
	[tilespmem:$0x1BA00] =	vst v63  }
0x1a: {  	p0 =	sne.s32 s12, $0x1;
	_ =	swait.ge [sflag:s7], $0x1A000  }
.Ltmp0:
0x1b: {  	s31 =	sshll.u32 s14, $0x1;
	[sflag:s7] =	ssyncset.done $0x0;
	(pc) =	sbr.rel @!p0 .LBB2_2-.Ltmp0, $4  }
0x1c: {  	s11 =	sadd.s32 s13, s31;
	[sflag:s7] =	ssyncadd.s32 $0xFFFE6000  }
0x1d: {  	[hbm4b:s11+s2] =	stream.linear.scatter [tilespmem:s6], [sflag:$0x3], $0x1A000, $0x38;
	[tilespmem:$0x1BA00] =	vst v63  }
0x1e: {  	_ =	swait.ge [sflag:s3], $0x1A000  }
0x1f: {  	s12 =	sadd.s32 $0xFFFFFFFF, s12;
	[sflag:s3] =	ssyncset.done $0x0  }
.LBB2_1:
0x20: {  	p0 =	sne.s32 s12, $0x1;
	s12 =	sadd.s32 $0xFFFFFFFF, s12;
	[sflag:s3] =	ssyncadd.s32 $0xFFFE6000  }
0x21: {  	[tilespmem:s2], [sflag:$0x3] =	stream.linear.gather [hbm4b:s4+s2], $0x1A00, $0x38;
	[tilespmem:$0x1BA00] =	vst v63  }
0x22: {  	_ =	swait.ge [sflag:s3], $0x1A00  }
0x23: {  	[sflag:s3] =	ssyncset.done $0x0  }
0x24: {  	[sflag:s3] =	ssyncadd.s32 $0xFFFFE600  }
0x25: {  	[tilespmem:s6], [sflag:$0x1] =	stream.indirect.gather [hbm4b:s5+s6], $0x10, s2, s6, $0xb8;
	[tilespmem:$0x1BA00] =	vst v63  }
0x26: {  	_ =	swait.ge [sflag:s7], $0x1A000  }
0x27: {  	[sflag:s7] =	ssyncset.done $0x0  }
0x28: {  	[sflag:s7] =	ssyncadd.s32 $0xFFFE6000  }
0x29: {  	[hbm4b:s8+s2] =	stream.linear.scatter [tilespmem:s6], [sflag:$0x2], $0x1A000, $0x38;
	[tilespmem:$0x1BA00] =	vst v63  }
0x2a: {  	_ = 	snop  }
0x2b: {  	[tilespmem:s2], [sflag:$0x3] =	stream.linear.gather [hbm4b:s9+s2], $0x1A00, $0x38;
	[tilespmem:$0x1BA00] =	vst v63  }
0x2c: {  	_ =	swait.ge [sflag:s3], $0x1A00  }
0x2d: {  	[sflag:s3] =	ssyncset.done $0x0  }
0x2e: {  	[sflag:s3] =	ssyncadd.s32 $0xFFFFE600  }
0x2f: {  	_ =	swait.ge [sflag:s10], $0x1A000  }
0x30: {  	[sflag:s10] =	ssyncset.done $0x0  }
0x31: {  	[sflag:s10] =	ssyncadd.s32 $0xFFFE6000  }
0x32: {  	[tilespmem:s6], [sflag:$0x1] =	stream.indirect.gather [hbm4b:s5+s6], $0x10, s2, s6, $0xb8;
	[tilespmem:$0x1BA00] =	vst v63  }
0x33: {  	_ =	swait.ge [sflag:s7], $0x1A000  }
.Ltmp1:
0x34: {  	[sflag:s7] =	ssyncset.done $0x0;
	(pc) =	sbr.rel @p0 .LBB2_1-.Ltmp1, $4  }
0x35: {  	[sflag:s7] =	ssyncadd.s32 $0xFFFE6000  }
0x36: {  	[hbm4b:s11+s2] =	stream.linear.scatter [tilespmem:s6], [sflag:$0x3], $0x1A000, $0x38;
	[tilespmem:$0x1BA00] =	vst v63  }
0x37: {  	_ =	swait.ge [sflag:s3], $0x1A000  }
0x38: {  	[sflag:s3] =	ssyncset.done $0x0  }
.LBB2_2:
0x39: {  	[sflag:s3] =	ssyncadd.s32 $0xFFFE6000  }
0x3a: {  	_ =	sfence.sel $0x180000  }
0x3b: {  	[bflag:$0x0] =	sbarrier.arrive $0xFFFF  }
0x3c: {  	p0 =	sne.s32 s0, $0x0;
	_ =	strace $0x9000004D  }
0x3d: {  	s0 =	sadd.s32 @!p0 $0x100000, s1;
	[bflag:$0x2] =	sbarrier.arrive $0xFFFF  }
0x3e: {  	[sflag:s0] =	ssyncadd.tile.s32 @!p0 $0x1;
	_ =	shalt  }
.Lfunc_end2:
_tile_overlayer_lowered:
.L_overlay_start_2:
0x3f: {  	(tag) =	ssettag $0x2  }
0x40: {  	s0 =	rddreg [dreg:$0x0];
	s2 =	stileid.u32  }
0x41: {  	s1 =	rddreg [dreg:$0x1];
	p0 =	sne.s32 s2, $0x0  }
0x42: {  	s3 =	rddreg [dreg:$0x2];
	[bflag:$0x3] =	sbarrier.arrive $0xFFFF;
	s2 =	simm.s32 @!p0 $0x1C03  }
0x43: {  	[timem:s3], [sflag:s2] =	dma.local @!p0 [hbm:s0], s1  }
0x44: {  	s0 =	simm.s32 @!p0 $0x3  }
0x45: {  	_ =	swait.ge @!p0 [sflag:s0], s1  }
0x46: {  	s1 =	ssub.s32 @!p0 $0x0, s1;
	[sflag:s0] =	ssyncset.done @!p0 $0x0  }
0x47: {  	[sflag:s0] =	ssyncadd.s32 @!p0 s1  }
0x48: {  	[bflag:$0x3] =	sbarrier.arrive $0xFFFF  }
0x49: {  	_ =	shalt  }

// kernel: kernel.14.cloned.1.call-start
scs
__scs_entry_jumppad:
0x0: {  	(pc) =	sbr.rel $0x88, $3  }
0x1: {  	(tag) =	ssettag $0x0;
	lr =	simm.s32 $0x1  }
0x2: {  	[smem:$0x3F96] =	sst lr;
	_ =	strace $0xD0000000  }
0x3: {  	_ = 	snop  }
0x4: {  	_ = 	snop  }
0x5: {  	_ = 	snop  }
0x6: {  	_ = 	snop  }
0x7: {  	_ = 	snop  }
__scs_overlays_trampoline_lowered:
0x8: {  	[smem:$0x3FA5] =	sst s0  }
0x9: {  	[smem:$0x3FA6] =	sst s1  }
0xa: {  	[smem:$0x3FA7] =	sst s2  }
0xb: {  	[smem:$0x3FA8] =	sst s3  }
0xc: {  	[smem:$0x3FA9] =	sst s4  }
0xd: {  	[smem:$0x3FAA] =	sst s5  }
0xe: {  	[smem:$0x3FAB] =	sst s6  }
0xf: {  	[smem:$0x3FAC] =	sst s7  }
0x10: {  	[smem:$0x3FAD] =	sst s8  }
0x11: {  	[smem:$0x3FAE] =	sst s9;
	s0 =	simm.s32 @!p0 $0x0  }
0x12: {  	s1 =	sld [smem:$0x3F94];
	s0 =	simm.s32 @p0 $0x1  }
0x13: {  	[smem:$0x3FAF] =	sst s0;
	s0 =	simm.s32 @!p1 $0x0  }
0x14: {  	s2 =	sld [smem:$0x3F93];
	s0 =	simm.s32 @p1 $0x1  }
0x15: {  	[smem:$0x3FB0] =	sst s0;
	s0 =	simm.s32 @!p2 $0x0  }
0x16: {  	s3 =	sld [smem:$0x3FDB];
	s0 =	simm.s32 @p2 $0x1  }
0x17: {  	s4 =	simm.s32 $0x1BF5;
	[smem:$0x3FB2] =	sst s0  }
0x18: {  	s0 =	sld [smem:$0x3F95];
	_ =	swait.ge [sflag:s4], $0x0  }
0x19: {  	s7 =	sld [smem:$0x3F96]  }
0x1a: {  	s8 =	sadd.s32 $0xFFFFE003, lr  }
0x1b: {  	s9 =	sadd.s32 $0xFFFFFEF7, lr;
	s5 =	simm.s32 $0xFFFFFFFF;
	p2 =	slt.u32 s8, $0xFFFFF086  }
0x1c: {  	p1 =	slt.u32 s9, $0xF7A;
	s5 =	simm.s32 @!p2 $0x0  }
0x1d: {  	s5 =	simm.s32 @p1 $0x1;
	p0 =	seq.s32 s7, s2  }
0x1e: {  	s7 =	smul.u32 @!p0 $0xF7A, s2;
	p2 =	seq.s32 @!p0 s5, $0x0  }
0x1f: {  	s9 =	smul.u32 $0xF7A, s1;
	s8 =	simm.s32 @!p0 $0x1BF5;
	p2 =	por !p2, p0  }
0x20: {  	[sflag:s8] =	ssyncset.s32 @!p0 $0xFFFFF086;
	s6 =	sadd.s32 @!p0 s3, s7;
	s7 =	simm.s32 @!p0 $0x108  }
0x21: {  	s3 =	sadd.s32 s3, s9;
	s6 =	sadd.s32 @!p0 $0x88, s6;
	s7 =	simm.s32 @p2 $0x1082  }
0x22: {  	[simem:s7], [sflag:s8] =	dma.local @!p0 [hbm:s6], $0xF7A  }
0x23: {  	s9 =	sor.u32 $0xD0000000, s2;
	s6 =	simm.s32 $0x108;
	_ =	swait.ge @!p0 [sflag:s8], $0x0  }
0x24: {  	s3 =	sadd.s32 $0x88, s3;
	s6 =	simm.s32 @!p1 $0x1082;
	[sflag:s4] =	ssyncset.s32 $0xFFFFF086  }
0x25: {  	[simem:s6], [sflag:s4] =	dma.local [hbm:s3], $0xF7A  }
0x26: {  	[smem:$0x3F96] =	sst s1;
	(tag) =	ssettag s2;
	_ =	strace s9  }
0x27: {  	s1 =	sld [smem:$0x3FA6]  }
0x28: {  	s2 =	sld [smem:$0x3FA7]  }
0x29: {  	s4 =	sld [smem:$0x3FA9]  }
0x2a: {  	p0 =	seq.s32 s5, $0x0;
	s5 =	sld [smem:$0x3FAA]  }
0x2b: {  	s6 =	sld [smem:$0x3FAB]  }
0x2c: {  	s7 =	sld [smem:$0x3FAC]  }
0x2d: {  	s3 =	simm.s32 $0x108;
	s8 =	sld [smem:$0x3FAD]  }
0x2e: {  	s3 =	simm.s32 @!p0 $0x1082;
	s9 =	sld [smem:$0x3FAE]  }
0x2f: {  	lr =	sadd.s32 s0, s3;
	s0 =	sld [smem:$0x3FA5]  }
0x30: {  	s3 =	sld [smem:$0x3FA8]  }
0x31: {  	[smem:$0x3FB1] =	sst s10  }
0x32: {  	s10 =	sld [smem:$0x3FAF];
	_ =	sdelay $0x3  }
0x33: {  	p0 =	seq.s32 s10, $0x1;
	s10 =	sld [smem:$0x3FB1];
	_ =	sdelay $0x3  }
0x34: {  	[smem:$0x3FB1] =	sst s10  }
0x35: {  	s10 =	sld [smem:$0x3FB0];
	_ =	sdelay $0x3  }
0x36: {  	p1 =	seq.s32 s10, $0x1;
	s10 =	sld [smem:$0x3FB1];
	_ =	sdelay $0x3  }
0x37: {  	[smem:$0x3FB1] =	sst s10  }
0x38: {  	s10 =	sld [smem:$0x3FB2]  }
0x39: {  	_ = 	snop;
	(pc) =	sbr.ind lr, $3  }
0x3a: {  	_ = 	snop  }
0x3b: {  	_ = 	snop  }
0x3c: {  	p2 =	seq.s32 s10, $0x1;
	s10 =	sld [smem:$0x3FB1]  }
0x3d: {  	_ =	shalt  }
0x3e: {  	_ =	shalt  }
0x3f: {  	_ =	shalt  }
0x40: {  	_ =	shalt  }
0x41: {  	_ =	shalt  }
0x42: {  	_ =	shalt  }
0x43: {  	_ =	shalt  }
0x44: {  	_ =	shalt  }
0x45: {  	_ =	shalt  }
0x46: {  	_ =	shalt  }
0x47: {  	_ =	shalt  }
0x48: {  	_ =	shalt  }
0x49: {  	_ =	shalt  }
0x4a: {  	_ =	shalt  }
0x4b: {  	_ =	shalt  }
0x4c: {  	_ =	shalt  }
0x4d: {  	_ =	shalt  }
0x4e: {  	_ =	shalt  }
0x4f: {  	_ =	shalt  }
0x50: {  	_ =	shalt  }
0x51: {  	_ =	shalt  }
0x52: {  	_ =	shalt  }
0x53: {  	_ =	shalt  }
0x54: {  	_ =	shalt  }
0x55: {  	_ =	shalt  }
0x56: {  	_ =	shalt  }
0x57: {  	_ =	shalt  }
0x58: {  	_ =	shalt  }
0x59: {  	_ =	shalt  }
0x5a: {  	_ =	shalt  }
0x5b: {  	_ =	shalt  }
0x5c: {  	_ =	shalt  }
0x5d: {  	_ =	shalt  }
0x5e: {  	_ =	shalt  }
0x5f: {  	_ =	shalt  }
0x60: {  	_ =	shalt  }
0x61: {  	_ =	shalt  }
0x62: {  	_ =	shalt  }
0x63: {  	_ =	shalt  }
0x64: {  	_ =	shalt  }
0x65: {  	_ =	shalt  }
0x66: {  	_ =	shalt  }
0x67: {  	_ =	shalt  }
0x68: {  	_ =	shalt  }
0x69: {  	_ =	shalt  }
0x6a: {  	_ =	shalt  }
0x6b: {  	_ =	shalt  }
0x6c: {  	_ =	shalt  }
0x6d: {  	_ =	shalt  }
0x6e: {  	_ =	shalt  }
0x6f: {  	_ =	shalt  }
0x70: {  	_ =	shalt  }
0x71: {  	_ =	shalt  }
0x72: {  	_ =	shalt  }
0x73: {  	_ =	shalt  }
0x74: {  	_ =	shalt  }
0x75: {  	_ =	shalt  }
0x76: {  	_ =	shalt  }
0x77: {  	_ =	shalt  }
0x78: {  	_ =	shalt  }
0x79: {  	_ =	shalt  }
0x7a: {  	_ =	shalt  }
0x7b: {  	_ =	shalt  }
0x7c: {  	_ =	shalt  }
0x7d: {  	_ =	shalt  }
0x7e: {  	_ =	shalt  }
0x7f: {  	_ =	shalt  }
0x80: {  	_ =	shalt  }
0x81: {  	_ =	shalt  }
0x82: {  	_ =	shalt  }
0x83: {  	_ =	shalt  }
0x84: {  	_ =	shalt  }
0x85: {  	_ =	shalt  }
0x86: {  	_ =	shalt  }
0x87: {  	_ =	shalt  }
.Lfunc_end0:
.L_simem_size_0:
called_computation.2_lowered:
.L_overlay_start_0:
0x88: {  	s2 =	sld [smem:$0x3FD9]  }
0x89: {  	s3 =	sld [smem:$0x3FFE];
	_ =	sdelay $0x1  }
0x8a: {  	s1 =	srdreg.scid  }
0x8b: {  	s0 =	sand.u32 $0x1, s1  }
0x8c: {  	s17 =	sshll.u32 s0, $0xA;
	s2 =	sadd.s32 s3, s2  }
0x8d: {  	s2 =	sadd.s32 s2, s17  }
0x8e: {  	[smem:$0x3FBD] =	sst s2  }
0x8f: {  	_ = 	snop  }
0x90: {  	(tm) =	ssettm $0x1  }
0x91: {  	s18 =	sld [smem:$0x3FFB];
	_ =	sdelay $0x3  }
0x92: {  	_ =	strace s18  }
0x93: {  	s2 =	sld [smem:$0x3FFC];
	_ =	sdelay $0x3  }
0x94: {  	_ =	strace s2  }
0x95: {  	s2 =	sld [smem:$0x3FFD];
	_ =	sdelay $0x3  }
0x96: {  	_ =	strace s2  }
0x97: {  	_ =	strace $0x8FFFFFFF  }
0x98: {  	s19 =	sld [smem:$0x3FDB];
	_ =	sdelay $0x1  }
0x99: {  	s20 =	simm.s32 $_scs_section_size  }
0x9a: {  	s4 =	simm.s32 $_size__tile_overlayer_lowered;
	s5 =	simm.s32 $_tile_overlayer_lowered  }
0x9b: {  	s6 =	simm.s32 $0x1BFF;
	s21 =	sshll.u32 s5, $0x1;
	s3 =	sadd.s32 s20, s19  }
0x9c: {  	s22 =	simm.s32 $0x0;
	s4 =	sshll.u32 s4, $0x1;
	s5 =	sadd.s32 s21, s3  }
0x9d: {  	[timem:s22], [sflag:s6] =	dma.local [hbm:s5], s4  }
0x9e: {  	_ =	swait.ge [sflag:s6], s4  }
0x9f: {  	s4 =	ssub.s32 $0x0, s4;
	[sflag:s6] =	ssyncset.done $0x0  }
0xa0: {  	[sflag:s6] =	ssyncadd.s32 s4;
	_ =	sdelay $0x1  }
0xa1: {  	s23 =	simm.s32 $0x1B8B  }
0xa2: {  	_ =	swait.ge [sflag:s23], $0x1  }
0xa3: {  	[sflag:s23] =	ssyncset.done $0x0  }
0xa4: {  	[sflag:s23] =	ssyncadd.s32 $0xFFFFFFFF  }
0xa5: {  	s4 =	sld [smem:$0x0]  }
0xa6: {  	s5 =	sand.u32 $0xFFFFFFFE, s1  }
0xa7: {  	p0 =	sne.s32 s1, s5  }
0xa8: {  	s5 =	sshll.u32 @p0 s5, $0xE  }
0xa9: {  	s5 =	sadd.s32 @p0 $0x11B8D, s5;
	s6 =	sshll.u32 @p0 s4, $0x11  }
0xaa: {  	s5 =	sor.u32 @p0 s6, s5  }
0xab: {  	[sflag:s5] =	ssyncadd.remote.s32 @p0 $0x1;
	_ =	sdelay $0x1  }
0xac: {  	s5 =	simm.s32 @p0 $0x1B8D  }
0xad: {  	_ =	swait.eq @p0 [sflag:s5], $0x1  }
0xae: {  	[sflag:s5] =	ssyncadd.s32 @p0 $0xFFFFFFFF  }
0xaf: {  	s6 =	sshll.u32 @!p0 s1, $0xE  }
0xb0: {  	s6 =	sor.u32 @!p0 $0x4000, s6;
	s5 =	simm.s32 @!p0 $0x1B8D  }
0xb1: {  	s4 =	sshll.u32 @!p0 s4, $0x11;
	s6 =	sadd.s32 @!p0 $0x11B8D, s6;
	_ =	swait.eq @!p0 [sflag:s5], $0x1  }
0xb2: {  	s4 =	sor.u32 @!p0 s4, s6;
	[sflag:s5] =	ssyncadd.s32 @!p0 $0xFFFFFFFF  }
0xb3: {  	s25 =	simm.s32 $0x1B8E;
	s24 =	sld [smem:$0x3FFE];
	[sflag:s4] =	ssyncadd.remote.s32 @!p0 $0x1  }
0xb4: {  	s26 =	simm.s32 $execute0_lowered;
	[smem:$0x3FD2] =	sst s25  }
0xb5: {  	s5 =	sshll.u32 s26, $0x1;
	_ =	strace $0x80000049;
	[dreg:$0x1] =	wrdreg $0xFFFFFFFF  }
0xb6: {  	s28 =	simm.s32 $_size_execute0_lowered;
	s3 =	sadd.s32 s3, s5;
	[dreg:$0x0] =	wrdreg $0x0  }
0xb7: {  	s5 =	sshll.u32 s28, $0x1;
	[dreg:$0x2] =	wrdreg s3  }
0xb8: {  	[dreg:$0x3] =	wrdreg s5  }
0xb9: {  	[dreg:$0x4] =	wrdreg $0xC0  }
0xba: {  	_ =	task [dreg:s22], $0x5FFFF  }
0xbb: {  	[dreg:$0x1] =	wrdreg $0xFFFFFFFF  }
0xbc: {  	[dreg:$0x0] =	wrdreg $0x60  }
0xbd: {  	[dreg:$0x2] =	wrdreg s24  }
0xbe: {  	[dreg:$0x3] =	wrdreg $0x9  }
0xbf: {  	_ =	task.clear_ibuf [dreg:s22], $0x4FFFF;
	_ =	strace $0x90000049  }
0xc0: {  	s29 =	simm.s32 $0x9;
	_ =	strace $0x8000004B  }
0xc1: {  	_ =	swait.ge [sflag:s29], $0x1  }
0xc2: {  	[sflag:s29] =	ssyncadd.s32 $0xFFFFFFFF  }
0xc3: {  	_ =	strace $0x9000004B  }
0xc4: {  	_ =	sfence  }
0xc5: {  	s30 =	sld [smem:$0x0];
	_ =	sdelay $0x2  }
0xc6: {  	s31 =	sshll.u32 s1, $0xD;
	s1 =	sshrl.u32 s1, $0x2  }
0xc7: {  	s4 =	sand.u32 $0x4000, s31;
	s1 =	sadd.s32 s1, s30  }
0xc8: {  	s0 =	sor.u32 s4, s0;
	s1 =	sshll.u32 s1, $0x11  }
0xc9: {  	s0 =	sor.u32 s1, s0  }
0xca: {  	s0 =	sadd.s32 $0x8F2B, s0  }
0xcb: {  	[sflag:s0] =	ssyncadd.remote.s32 $0x1  }
0xcc: {  	_ =	sfence.sel $0xFFFF  }
0xcd: {  	[dreg:$0x0] =	wrdreg $0xFFFFFFFF;
	(pc) =	sbr.abs _section_cstart, $3  }
0xce: {  	[dreg:$0x1] =	wrdreg $0xFFFFFFFF  }
0xcf: {  	_ =	task.clear_ibuf [dreg:s22], $0x2FFFF;
	_ =	strace $0x9FFFFFFF  }
0xd0: {  	(tm) =	ssettm $0x7FFFFFFF  }
0xd1: {  	_ =	shalt  }
tec
execute0_lowered:
.L_overlay_start_1:
0x0: {  	(tag) =	ssettag $0x1  }
0x1: {  	s1 =	srdreg.scid  }
0x2: {  	s0 =	stileid.u32;
	s4 =	rddreg [dreg:$0x0];
	s2 =	simm.s32 $0x0  }
0x3: {  	s15 =	simm.s32 $0x1A00;
	s16 =	simm.s32 $0x3400;
	s17 =	simm.s32 $0x2700  }
0x4: {  	s18 =	simm.s32 $0x10400;
	s19 =	simm.s32 $0x1;
	s20 =	simm.s32 $0x1D400  }
0x5: {  	s21 =	simm.s32 $0x2;
	s3 =	sand.u32 $0x1, s1;
	s5 =	sshll.u32 s0, $0x1  }
0x6: {  	s22 =	simm.s32 $0x0;
	s1 =	rddreg [dreg:$0x1];
	s5 =	sor.u32 s3, s5  }
0x7: {  	[smem:$0x7FF] =	sst s2;
	s6 =	ssub.s32 $0x2, s3;
	s5 =	smul.u32 $0x3400, s5  }
0x8: {  	s9 =	sadd.s32 $0x1EA600, s4;
	s11 =	sadd.s32 $0x217600, s4;
	s7 =	sshrl.u32 s6, $0x1  }
0x9: {  	_ =	strace $0x8000004A;
	s12 =	ssub.s32 s6, s7;
	s8 =	sshrl.u32 s5, $0x3  }
0xa: {  	s3 =	sadd.s32 $0x1F7600, s4;
	s12 =	smax.u32 s12, $0x1;
	s10 =	sadd.s32 $0x1A0, s8  }
0xb: {  	s4 =	sadd.s32 s9, s8;
	s13 =	sadd.s32 $0x340, s8;
	s6 =	sadd.s32 s11, s8  }
0xc: {  	s14 =	sadd.s32 $0x4E0, s8;
	s5 =	sadd.s32 s9, s10;
	s7 =	sadd.s32 s9, s13  }
0xd: {  	v0 =	vlaneseq.u32;
	s8 =	sadd.s32 s11, s10;
	s9 =	sadd.s32 s9, s14;
	s10 =	sadd.s32 s11, s13  }
0xe: {  	v0 =	vmul.u32 $0x10, v0;
	s11 =	sadd.s32 s11, s14;
	s13 =	simm.s32 $0x3;
	s14 =	simm.s32 $0xD00  }
.LBB2_1:
0xf: {  	[tilespmem:s2], [sflag:$0x3] =	stream.linear.gather [hbm4b:s4+s2], $0xD00, $0x38;
	[tilespmem:$0x1E100] =	vst v63  }
0x10: {  	_ =	swait.ge [sflag:s13], $0xD00  }
0x11: {  	[sflag:s13] =	ssyncset.done $0x0  }
0x12: {  	s23 =	simm.s32 $0x0;
	[sflag:s13] =	ssyncadd.s32 $0xFFFFF300  }
0x13: {  	s24 =	simm.s32 $0x40;
	v1 =	vld [tilespmem:s23+$0x0]  }
.LBB2_2:
0x14: {  	p0 =	sne.s32 s24, $0x33C0  }
.Ltmp0:
0x15: {  	_ = 	snop;
	(pc) =	sbr.rel @p0 .LBB2_2-.Ltmp0, $3  }
0x16: {  	_ =	sdelay $0x1  }
0x17: {  	s25 =	sshra.s32 s24, $0x2;
	s24 =	sadd.s32 $0x40, s24;
	v2 =	vshrl.u32 v1, $0x4  }
0x18: {  	v1 =	vld [tilespmem:s25+$0x0];
	[tilespmem:s23+$0x1A00] =	vst v2;
	s23 =	smov.u32 s25  }
0x19: {  	_ =	sdelay $0x3  }
0x1a: {  	v1 =	vshrl.u32 v1, $0x4  }
0x1b: {  	[tilespmem:s23+$0x1A00] =	vst v1  }
0x1c: {  	[tilespmem:s16], [sflag:$0x1] =	stream.indirect.gather [hbm4b:s3+s14], $0x10, s15, s14, $0xb8;
	[tilespmem:$0x1E100] =	vst v63  }
0x1d: {  	s31 =	simm.s32 $0x0  }
0x1e: {  	[tilespmem:s14], [sflag:$0x3] =	stream.linear.gather [hbm4b:s5+s31], $0xD00, $0x38;
	[tilespmem:$0x1E100] =	vst v63  }
0x1f: {  	_ =	swait.ge [sflag:s13], $0xD00  }
0x20: {  	[sflag:s13] =	ssyncset.done $0x0  }
0x21: {  	s23 =	simm.s32 $0x0;
	[sflag:s13] =	ssyncadd.s32 $0xFFFFF300  }
0x22: {  	s24 =	simm.s32 $0x40;
	v1 =	vld [tilespmem:s23+$0xD00]  }
.LBB2_4:
0x23: {  	p0 =	sne.s32 s24, $0x33C0  }
.Ltmp1:
0x24: {  	_ = 	snop;
	(pc) =	sbr.rel @p0 .LBB2_4-.Ltmp1, $3  }
0x25: {  	_ =	sdelay $0x1  }
0x26: {  	s25 =	sshra.s32 s24, $0x2;
	s24 =	sadd.s32 $0x40, s24;
	v2 =	vshrl.u32 v1, $0x4  }
0x27: {  	v1 =	vld [tilespmem:s25+$0xD00];
	[tilespmem:s23+$0x2700] =	vst v2;
	s23 =	smov.u32 s25  }
0x28: {  	_ =	sdelay $0x3  }
0x29: {  	v1 =	vshrl.u32 v1, $0x4  }
0x2a: {  	[tilespmem:s23+$0x2700] =	vst v1  }
0x2b: {  	[tilespmem:s18], [sflag:$0x2] =	stream.indirect.gather [hbm4b:s3+s14], $0x10, s17, s14, $0xb8;
	[tilespmem:$0x1E100] =	vst v63  }
0x2c: {  	_ =	swait.ge [sflag:s19], $0xD000  }
0x2d: {  	[sflag:s19] =	ssyncset.done $0x0  }
0x2e: {  	s31 =	simm.s32 $0x0;
	[sflag:s19] =	ssyncadd.s32 $0xFFFF3000  }
0x2f: {  	v1 =	vld [tilespmem:s31+$0x0];
	_ =	sdelay $0x2  }
0x30: {  	v2 =	vmov s31  }
0x31: {  	v2 =	vshll.u32 v2, $0x4  }
0x32: {  	v2 =	vor.u32 v0, v2;
	v1 =	vand.u32 $0xF, v1  }
0x33: {  	v1 =	vor.u32 v2, v1;
	_ =	sdelay $0x4  }
0x34: {  	v1 =	vld.idx.msk [tilespmem:v1+s16+$0x0], $0xffff;
	_ =	sdelay $0x3  }
0x35: {  	s23 =	simm.s32 $0x1D400  }
0x36: {  	s24 =	simm.s32 $0x10;
	[tilespmem:s23+$0x0] =	vst v1  }
0x37: {  	s25 =	simm.s32 $0x20;
	s26 =	simm.s32 $0x10;
	v1 =	vld [tilespmem:s24+$0x0]  }
.LBB2_6:
0x38: {  	p0 =	sne.s32 s25, $0xCF0;
	_ =	sdelay $0x1  }
0x39: {  	v2 =	vmov s24;
	s24 =	smov.u32 s25  }
0x3a: {  	v2 =	vshll.u32 v2, $0x4  }
0x3b: {  	v2 =	vor.u32 v0, v2;
	v1 =	vand.u32 $0xF, v1  }
0x3c: {  	v1 =	vor.u32 v2, v1;
	_ =	sdelay $0x4  }
0x3d: {  	v1 =	vld.idx.msk [tilespmem:v1+s16+$0x0], $0xffff;
	_ =	sdelay $0x2  }
.Ltmp2:
0x3e: {  	(pc) =	sbr.rel @p0 .LBB2_6-.Ltmp2, $4  }
0x3f: {  	_ = 	snop  }
0x40: {  	s23 =	sadd.s32 $0x10, s23  }
0x41: {  	s26 =	sadd.s32 $0x10, s26;
	[tilespmem:s23+$0x0] =	vst v1  }
0x42: {  	s25 =	sadd.s32 $0x10, s25;
	v1 =	vld [tilespmem:s26+$0x0]  }
0x43: {  	_ =	sdelay $0x1  }
0x44: {  	v2 =	vmov s24  }
0x45: {  	v2 =	vshll.u32 v2, $0x4  }
0x46: {  	v2 =	vor.u32 v0, v2;
	v1 =	vand.u32 $0xF, v1  }
0x47: {  	v1 =	vor.u32 v2, v1;
	_ =	sdelay $0x4  }
0x48: {  	v1 =	vld.idx.msk [tilespmem:v1+s16+$0x0], $0xffff;
	_ =	sdelay $0x3  }
0x49: {  	s23 =	sadd.s32 $0x10, s23  }
0x4a: {  	s31 =	simm.s32 $0x0;
	[tilespmem:s23+$0x0] =	vst v1  }
0x4b: {  	[hbm4b:s6+s31] =	stream.linear.scatter [tilespmem:s20], [sflag:$0x3], $0xD00, $0x38;
	[tilespmem:$0x1E100] =	vst v63  }
0x4c: {  	_ =	swait.ge [sflag:s13], $0xD00  }
0x4d: {  	[sflag:s13] =	ssyncset.done $0x0  }
0x4e: {  	[sflag:s13] =	ssyncadd.s32 $0xFFFFF300  }
0x4f: {  	[tilespmem:s31], [sflag:$0x3] =	stream.linear.gather [hbm4b:s7+s31], $0xD00, $0x38;
	[tilespmem:$0x1E100] =	vst v63  }
0x50: {  	_ =	swait.ge [sflag:s13], $0xD00  }
0x51: {  	[sflag:s13] =	ssyncset.done $0x0  }
0x52: {  	s23 =	simm.s32 $0x0;
	[sflag:s13] =	ssyncadd.s32 $0xFFFFF300  }
0x53: {  	s24 =	simm.s32 $0x40;
	v1 =	vld [tilespmem:s23+$0x0]  }
.LBB2_8:
0x54: {  	p0 =	sne.s32 s24, $0x33C0  }
.Ltmp3:
0x55: {  	_ = 	snop;
	(pc) =	sbr.rel @p0 .LBB2_8-.Ltmp3, $3  }
0x56: {  	_ =	sdelay $0x1  }
0x57: {  	s25 =	sshra.s32 s24, $0x2;
	s24 =	sadd.s32 $0x40, s24;
	v2 =	vshrl.u32 v1, $0x4  }
0x58: {  	v1 =	vld [tilespmem:s25+$0x0];
	[tilespmem:s23+$0x1A00] =	vst v2;
	s23 =	smov.u32 s25  }
0x59: {  	_ =	sdelay $0x3  }
0x5a: {  	v1 =	vshrl.u32 v1, $0x4  }
0x5b: {  	s30 =	simm.s32 $0xD00;
	[tilespmem:s23+$0x1A00] =	vst v1  }
0x5c: {  	[tilespmem:s16], [sflag:$0x1] =	stream.indirect.gather [hbm4b:s3+s30], $0x10, s15, s30, $0xb8;
	[tilespmem:$0x1E100] =	vst v63  }
0x5d: {  	_ =	swait.ge [sflag:s21], $0xD000  }
0x5e: {  	[sflag:s21] =	ssyncset.done $0x0  }
0x5f: {  	[sflag:s21] =	ssyncadd.s32 $0xFFFF3000  }
0x60: {  	v1 =	vld [tilespmem:s30+$0x0];
	_ =	sdelay $0x1  }
0x61: {  	s31 =	simm.s32 $0x0  }
0x62: {  	v2 =	vmov s31  }
0x63: {  	v2 =	vshll.u32 v2, $0x4  }
0x64: {  	v2 =	vor.u32 v0, v2;
	v1 =	vand.u32 $0xF, v1  }
0x65: {  	v1 =	vor.u32 v2, v1;
	_ =	sdelay $0x4  }
0x66: {  	v1 =	vld.idx.msk [tilespmem:v1+s18+$0x0], $0xffff;
	_ =	sdelay $0x3  }
0x67: {  	s23 =	simm.s32 $0x1D400  }
0x68: {  	s24 =	simm.s32 $0xD10;
	[tilespmem:s23+$0x0] =	vst v1  }
0x69: {  	s25 =	simm.s32 $0x10;
	s26 =	simm.s32 $0x20;
	v1 =	vld [tilespmem:s24+$0x0]  }
.LBB2_10:
0x6a: {  	p0 =	sne.s32 s26, $0xCF0;
	_ =	sdelay $0x1  }
0x6b: {  	v2 =	vmov s25;
	s25 =	smov.u32 s26  }
0x6c: {  	v2 =	vshll.u32 v2, $0x4  }
0x6d: {  	v2 =	vor.u32 v0, v2;
	v1 =	vand.u32 $0xF, v1  }
0x6e: {  	v1 =	vor.u32 v2, v1;
	_ =	sdelay $0x4  }
0x6f: {  	v1 =	vld.idx.msk [tilespmem:v1+s18+$0x0], $0xffff;
	_ =	sdelay $0x2  }
.Ltmp4:
0x70: {  	(pc) =	sbr.rel @p0 .LBB2_10-.Ltmp4, $4  }
0x71: {  	_ = 	snop  }
0x72: {  	s23 =	sadd.s32 $0x10, s23  }
0x73: {  	s24 =	sadd.s32 $0x10, s24;
	[tilespmem:s23+$0x0] =	vst v1  }
0x74: {  	s26 =	sadd.s32 $0x10, s26;
	v1 =	vld [tilespmem:s24+$0x0]  }
0x75: {  	_ =	sdelay $0x1  }
0x76: {  	v2 =	vmov s25  }
0x77: {  	v2 =	vshll.u32 v2, $0x4  }
0x78: {  	v2 =	vor.u32 v0, v2;
	v1 =	vand.u32 $0xF, v1  }
0x79: {  	v1 =	vor.u32 v2, v1;
	_ =	sdelay $0x4  }
0x7a: {  	v1 =	vld.idx.msk [tilespmem:v1+s18+$0x0], $0xffff;
	_ =	sdelay $0x3  }
0x7b: {  	s23 =	sadd.s32 $0x10, s23  }
0x7c: {  	s31 =	simm.s32 $0x0;
	[tilespmem:s23+$0x0] =	vst v1  }
0x7d: {  	[hbm4b:s8+s31] =	stream.linear.scatter [tilespmem:s20], [sflag:$0x3], $0xD00, $0x38;
	[tilespmem:$0x1E100] =	vst v63  }
0x7e: {  	_ =	swait.ge [sflag:s13], $0xD00  }
0x7f: {  	[sflag:s13] =	ssyncset.done $0x0  }
0x80: {  	[sflag:s13] =	ssyncadd.s32 $0xFFFFF300  }
0x81: {  	[tilespmem:s14], [sflag:$0x3] =	stream.linear.gather [hbm4b:s9+s31], $0xD00, $0x38;
	[tilespmem:$0x1E100] =	vst v63  }
0x82: {  	_ =	swait.ge [sflag:s13], $0xD00  }
0x83: {  	[sflag:s13] =	ssyncset.done $0x0  }
0x84: {  	s23 =	simm.s32 $0x0;
	[sflag:s13] =	ssyncadd.s32 $0xFFFFF300  }
0x85: {  	s24 =	simm.s32 $0x40;
	v1 =	vld [tilespmem:s23+$0xD00]  }
.LBB2_12:
0x86: {  	p0 =	sne.s32 s24, $0x33C0  }
.Ltmp5:
0x87: {  	_ = 	snop;
	(pc) =	sbr.rel @p0 .LBB2_12-.Ltmp5, $3  }
0x88: {  	_ =	sdelay $0x1  }
0x89: {  	s25 =	sshra.s32 s24, $0x2;
	s24 =	sadd.s32 $0x40, s24;
	v2 =	vshrl.u32 v1, $0x4  }
0x8a: {  	v1 =	vld [tilespmem:s25+$0xD00];
	[tilespmem:s23+$0x2700] =	vst v2;
	s23 =	smov.u32 s25  }
0x8b: {  	_ =	sdelay $0x3  }
0x8c: {  	v1 =	vshrl.u32 v1, $0x4  }
0x8d: {  	[tilespmem:s23+$0x2700] =	vst v1  }
0x8e: {  	[tilespmem:s18], [sflag:$0x2] =	stream.indirect.gather [hbm4b:s3+s14], $0x10, s17, s14, $0xb8;
	[tilespmem:$0x1E100] =	vst v63  }
0x8f: {  	_ =	swait.ge [sflag:s19], $0xD000  }
0x90: {  	[sflag:s19] =	ssyncset.done $0x0  }
0x91: {  	s31 =	simm.s32 $0x0;
	[sflag:s19] =	ssyncadd.s32 $0xFFFF3000  }
0x92: {  	v1 =	vld [tilespmem:s31+$0x0];
	_ =	sdelay $0x2  }
0x93: {  	v2 =	vmov s31  }
0x94: {  	v2 =	vshll.u32 v2, $0x4  }
0x95: {  	v2 =	vor.u32 v0, v2;
	v1 =	vand.u32 $0xF, v1  }
0x96: {  	v1 =	vor.u32 v2, v1;
	_ =	sdelay $0x4  }
0x97: {  	v1 =	vld.idx.msk [tilespmem:v1+s16+$0x0], $0xffff;
	_ =	sdelay $0x3  }
0x98: {  	s23 =	simm.s32 $0x1D400  }
0x99: {  	s24 =	simm.s32 $0x10;
	[tilespmem:s23+$0x0] =	vst v1  }
0x9a: {  	s25 =	simm.s32 $0x20;
	s26 =	simm.s32 $0x10;
	v1 =	vld [tilespmem:s24+$0x0]  }
.LBB2_14:
0x9b: {  	p0 =	sne.s32 s25, $0xCF0;
	_ =	sdelay $0x1  }
0x9c: {  	v2 =	vmov s24;
	s24 =	smov.u32 s25  }
0x9d: {  	v2 =	vshll.u32 v2, $0x4  }
0x9e: {  	v2 =	vor.u32 v0, v2;
	v1 =	vand.u32 $0xF, v1  }
0x9f: {  	v1 =	vor.u32 v2, v1;
	_ =	sdelay $0x4  }
0xa0: {  	v1 =	vld.idx.msk [tilespmem:v1+s16+$0x0], $0xffff;
	_ =	sdelay $0x2  }
.Ltmp6:
0xa1: {  	(pc) =	sbr.rel @p0 .LBB2_14-.Ltmp6, $4  }
0xa2: {  	_ = 	snop  }
0xa3: {  	s23 =	sadd.s32 $0x10, s23  }
0xa4: {  	s26 =	sadd.s32 $0x10, s26;
	[tilespmem:s23+$0x0] =	vst v1  }
0xa5: {  	s25 =	sadd.s32 $0x10, s25;
	v1 =	vld [tilespmem:s26+$0x0]  }
0xa6: {  	_ =	sdelay $0x1  }
0xa7: {  	v2 =	vmov s24  }
0xa8: {  	v2 =	vshll.u32 v2, $0x4  }
0xa9: {  	v2 =	vor.u32 v0, v2;
	v1 =	vand.u32 $0xF, v1  }
0xaa: {  	v1 =	vor.u32 v2, v1;
	_ =	sdelay $0x4  }
0xab: {  	v1 =	vld.idx.msk [tilespmem:v1+s16+$0x0], $0xffff;
	_ =	sdelay $0x3  }
0xac: {  	s23 =	sadd.s32 $0x10, s23  }
0xad: {  	s31 =	simm.s32 $0x0;
	[tilespmem:s23+$0x0] =	vst v1;
	s23 =	simm.s32 $0x1D400  }
0xae: {  	[hbm4b:s10+s31] =	stream.linear.scatter [tilespmem:s23], [sflag:$0x3], $0xD00, $0x38;
	[tilespmem:$0x1E100] =	vst v63  }
0xaf: {  	_ =	swait.ge [sflag:s13], $0xD00  }
0xb0: {  	[sflag:s13] =	ssyncset.done $0x0  }
0xb1: {  	[sflag:s13] =	ssyncadd.s32 $0xFFFFF300  }
0xb2: {  	_ =	swait.ge [sflag:s21], $0xD000  }
0xb3: {  	[sflag:s21] =	ssyncset.done $0x0  }
0xb4: {  	s25 =	simm.s32 $0xD00;
	[sflag:s21] =	ssyncadd.s32 $0xFFFF3000  }
0xb5: {  	v1 =	vld [tilespmem:s25+$0x0];
	_ =	sdelay $0x2  }
0xb6: {  	v2 =	vmov s31  }
0xb7: {  	v2 =	vshll.u32 v2, $0x4  }
0xb8: {  	v2 =	vor.u32 v0, v2;
	v1 =	vand.u32 $0xF, v1  }
0xb9: {  	v1 =	vor.u32 v2, v1;
	_ =	sdelay $0x4  }
0xba: {  	v1 =	vld.idx.msk [tilespmem:v1+s18+$0x0], $0xffff;
	_ =	sdelay $0x4  }
0xbb: {  	s24 =	simm.s32 $0xD10;
	[tilespmem:s23+$0x0] =	vst v1  }
0xbc: {  	s26 =	simm.s32 $0x20;
	s25 =	simm.s32 $0x10;
	v1 =	vld [tilespmem:s24+$0x0]  }
.LBB2_16:
0xbd: {  	p0 =	sne.s32 s26, $0xCF0;
	_ =	sdelay $0x1  }
0xbe: {  	v2 =	vmov s25;
	s25 =	smov.u32 s26  }
0xbf: {  	v2 =	vshll.u32 v2, $0x4  }
0xc0: {  	v2 =	vor.u32 v0, v2;
	v1 =	vand.u32 $0xF, v1  }
0xc1: {  	v1 =	vor.u32 v2, v1;
	_ =	sdelay $0x4  }
0xc2: {  	v1 =	vld.idx.msk [tilespmem:v1+s18+$0x0], $0xffff;
	_ =	sdelay $0x2  }
.Ltmp7:
0xc3: {  	(pc) =	sbr.rel @p0 .LBB2_16-.Ltmp7, $4  }
0xc4: {  	_ = 	snop  }
0xc5: {  	s23 =	sadd.s32 $0x10, s23  }
0xc6: {  	s24 =	sadd.s32 $0x10, s24;
	[tilespmem:s23+$0x0] =	vst v1  }
0xc7: {  	s26 =	sadd.s32 $0x10, s26;
	v1 =	vld [tilespmem:s24+$0x0]  }
0xc8: {  	_ =	sdelay $0x1  }
0xc9: {  	v2 =	vmov s25  }
0xca: {  	v2 =	vshll.u32 v2, $0x4  }
0xcb: {  	v2 =	vor.u32 v0, v2;
	v1 =	vand.u32 $0xF, v1  }
0xcc: {  	v1 =	vor.u32 v2, v1;
	_ =	sdelay $0x4  }
0xcd: {  	v1 =	vld.idx.msk [tilespmem:v1+s18+$0x0], $0xffff;
	_ =	sdelay $0x2  }
0xce: {  	s22 =	sadd.s32 $0x1, s22  }
0xcf: {  	s23 =	sadd.s32 $0x10, s23;
	p0 =	sne.s32 s22, s12  }
.Ltmp8:
0xd0: {  	[tilespmem:s23+$0x0] =	vst v1;
	(pc) =	sbr.rel @p0 .LBB2_1-.Ltmp8, $4  }
0xd1: {  	[hbm4b:s11+s2] =	stream.linear.scatter [tilespmem:s20], [sflag:$0x3], $0xD00, $0x38;
	[tilespmem:$0x1E100] =	vst v63  }
0xd2: {  	_ =	swait.ge [sflag:s13], $0xD00  }
0xd3: {  	[sflag:s13] =	ssyncset.done $0x0  }
0xd4: {  	[sflag:s13] =	ssyncadd.s32 $0xFFFFF300  }
0xd5: {  	_ =	sfence.sel $0x180000  }
0xd6: {  	[bflag:$0x0] =	sbarrier.arrive $0xFFFF  }
0xd7: {  	p0 =	sne.s32 s0, $0x0;
	_ =	strace $0x9000004A  }
0xd8: {  	s0 =	sadd.s32 @!p0 $0x100000, s1;
	[bflag:$0x2] =	sbarrier.arrive $0xFFFF  }
0xd9: {  	[sflag:s0] =	ssyncadd.tile.s32 @!p0 $0x1;
	_ =	shalt  }
.Lfunc_end2:
_tile_overlayer_lowered:
.L_overlay_start_2:
0xda: {  	(tag) =	ssettag $0x2  }
0xdb: {  	s0 =	rddreg [dreg:$0x0];
	s2 =	stileid.u32  }
0xdc: {  	s1 =	rddreg [dreg:$0x1];
	p0 =	sne.s32 s2, $0x0  }
0xdd: {  	s3 =	rddreg [dreg:$0x2];
	[bflag:$0x3] =	sbarrier.arrive $0xFFFF;
	s2 =	simm.s32 @!p0 $0x1C03  }
0xde: {  	[timem:s3], [sflag:s2] =	dma.local @!p0 [hbm:s0], s1  }
0xdf: {  	s0 =	simm.s32 @!p0 $0x3  }
0xe0: {  	_ =	swait.ge @!p0 [sflag:s0], s1  }
0xe1: {  	s1 =	ssub.s32 @!p0 $0x0, s1;
	[sflag:s0] =	ssyncset.done @!p0 $0x0  }
0xe2: {  	[sflag:s0] =	ssyncadd.s32 @!p0 s1  }
0xe3: {  	[bflag:$0x3] =	sbarrier.arrive $0xFFFF  }
0xe4: {  	_ =	shalt  }

// kernel: kernel.8.cloned.1.call-start
scs
__scs_entry_jumppad:
0x0: {  	(pc) =	sbr.rel $0x88, $3  }
0x1: {  	(tag) =	ssettag $0x0;
	lr =	simm.s32 $0x1  }
0x2: {  	[smem:$0x3F96] =	sst lr;
	_ =	strace $0xD0000000  }
0x3: {  	_ = 	snop  }
0x4: {  	_ = 	snop  }
0x5: {  	_ = 	snop  }
0x6: {  	_ = 	snop  }
0x7: {  	_ = 	snop  }
__scs_overlays_trampoline_lowered:
0x8: {  	[smem:$0x3FA5] =	sst s0  }
0x9: {  	[smem:$0x3FA6] =	sst s1  }
0xa: {  	[smem:$0x3FA7] =	sst s2  }
0xb: {  	[smem:$0x3FA8] =	sst s3  }
0xc: {  	[smem:$0x3FA9] =	sst s4  }
0xd: {  	[smem:$0x3FAA] =	sst s5  }
0xe: {  	[smem:$0x3FAB] =	sst s6  }
0xf: {  	[smem:$0x3FAC] =	sst s7  }
0x10: {  	[smem:$0x3FAD] =	sst s8  }
0x11: {  	[smem:$0x3FAE] =	sst s9;
	s0 =	simm.s32 @!p0 $0x0  }
0x12: {  	s1 =	sld [smem:$0x3F94];
	s0 =	simm.s32 @p0 $0x1  }
0x13: {  	[smem:$0x3FAF] =	sst s0;
	s0 =	simm.s32 @!p1 $0x0  }
0x14: {  	s2 =	sld [smem:$0x3F93];
	s0 =	simm.s32 @p1 $0x1  }
0x15: {  	[smem:$0x3FB0] =	sst s0;
	s0 =	simm.s32 @!p2 $0x0  }
0x16: {  	s3 =	sld [smem:$0x3FDB];
	s0 =	simm.s32 @p2 $0x1  }
0x17: {  	s4 =	simm.s32 $0x1BF5;
	[smem:$0x3FB2] =	sst s0  }
0x18: {  	s0 =	sld [smem:$0x3F95];
	_ =	swait.ge [sflag:s4], $0x0  }
0x19: {  	s7 =	sld [smem:$0x3F96]  }
0x1a: {  	s8 =	sadd.s32 $0xFFFFE003, lr  }
0x1b: {  	s9 =	sadd.s32 $0xFFFFFEF7, lr;
	s5 =	simm.s32 $0xFFFFFFFF;
	p2 =	slt.u32 s8, $0xFFFFF086  }
0x1c: {  	p1 =	slt.u32 s9, $0xF7A;
	s5 =	simm.s32 @!p2 $0x0  }
0x1d: {  	s5 =	simm.s32 @p1 $0x1;
	p0 =	seq.s32 s7, s2  }
0x1e: {  	s7 =	smul.u32 @!p0 $0xF7A, s2;
	p2 =	seq.s32 @!p0 s5, $0x0  }
0x1f: {  	s9 =	smul.u32 $0xF7A, s1;
	s8 =	simm.s32 @!p0 $0x1BF5;
	p2 =	por !p2, p0  }
0x20: {  	[sflag:s8] =	ssyncset.s32 @!p0 $0xFFFFF086;
	s6 =	sadd.s32 @!p0 s3, s7;
	s7 =	simm.s32 @!p0 $0x108  }
0x21: {  	s3 =	sadd.s32 s3, s9;
	s6 =	sadd.s32 @!p0 $0x88, s6;
	s7 =	simm.s32 @p2 $0x1082  }
0x22: {  	[simem:s7], [sflag:s8] =	dma.local @!p0 [hbm:s6], $0xF7A  }
0x23: {  	s9 =	sor.u32 $0xD0000000, s2;
	s6 =	simm.s32 $0x108;
	_ =	swait.ge @!p0 [sflag:s8], $0x0  }
0x24: {  	s3 =	sadd.s32 $0x88, s3;
	s6 =	simm.s32 @!p1 $0x1082;
	[sflag:s4] =	ssyncset.s32 $0xFFFFF086  }
0x25: {  	[simem:s6], [sflag:s4] =	dma.local [hbm:s3], $0xF7A  }
0x26: {  	[smem:$0x3F96] =	sst s1;
	(tag) =	ssettag s2;
	_ =	strace s9  }
0x27: {  	s1 =	sld [smem:$0x3FA6]  }
0x28: {  	s2 =	sld [smem:$0x3FA7]  }
0x29: {  	s4 =	sld [smem:$0x3FA9]  }
0x2a: {  	p0 =	seq.s32 s5, $0x0;
	s5 =	sld [smem:$0x3FAA]  }
0x2b: {  	s6 =	sld [smem:$0x3FAB]  }
0x2c: {  	s7 =	sld [smem:$0x3FAC]  }
0x2d: {  	s3 =	simm.s32 $0x108;
	s8 =	sld [smem:$0x3FAD]  }
0x2e: {  	s3 =	simm.s32 @!p0 $0x1082;
	s9 =	sld [smem:$0x3FAE]  }
0x2f: {  	lr =	sadd.s32 s0, s3;
	s0 =	sld [smem:$0x3FA5]  }
0x30: {  	s3 =	sld [smem:$0x3FA8]  }
0x31: {  	[smem:$0x3FB1] =	sst s10  }
0x32: {  	s10 =	sld [smem:$0x3FAF];
	_ =	sdelay $0x3  }
0x33: {  	p0 =	seq.s32 s10, $0x1;
	s10 =	sld [smem:$0x3FB1];
	_ =	sdelay $0x3  }
0x34: {  	[smem:$0x3FB1] =	sst s10  }
0x35: {  	s10 =	sld [smem:$0x3FB0];
	_ =	sdelay $0x3  }
0x36: {  	p1 =	seq.s32 s10, $0x1;
	s10 =	sld [smem:$0x3FB1];
	_ =	sdelay $0x3  }
0x37: {  	[smem:$0x3FB1] =	sst s10  }
0x38: {  	s10 =	sld [smem:$0x3FB2]  }
0x39: {  	_ = 	snop;
	(pc) =	sbr.ind lr, $3  }
0x3a: {  	_ = 	snop  }
0x3b: {  	_ = 	snop  }
0x3c: {  	p2 =	seq.s32 s10, $0x1;
	s10 =	sld [smem:$0x3FB1]  }
0x3d: {  	_ =	shalt  }
0x3e: {  	_ =	shalt  }
0x3f: {  	_ =	shalt  }
0x40: {  	_ =	shalt  }
0x41: {  	_ =	shalt  }
0x42: {  	_ =	shalt  }
0x43: {  	_ =	shalt  }
0x44: {  	_ =	shalt  }
0x45: {  	_ =	shalt  }
0x46: {  	_ =	shalt  }
0x47: {  	_ =	shalt  }
0x48: {  	_ =	shalt  }
0x49: {  	_ =	shalt  }
0x4a: {  	_ =	shalt  }
0x4b: {  	_ =	shalt  }
0x4c: {  	_ =	shalt  }
0x4d: {  	_ =	shalt  }
0x4e: {  	_ =	shalt  }
0x4f: {  	_ =	shalt  }
0x50: {  	_ =	shalt  }
0x51: {  	_ =	shalt  }
0x52: {  	_ =	shalt  }
0x53: {  	_ =	shalt  }
0x54: {  	_ =	shalt  }
0x55: {  	_ =	shalt  }
0x56: {  	_ =	shalt  }
0x57: {  	_ =	shalt  }
0x58: {  	_ =	shalt  }
0x59: {  	_ =	shalt  }
0x5a: {  	_ =	shalt  }
0x5b: {  	_ =	shalt  }
0x5c: {  	_ =	shalt  }
0x5d: {  	_ =	shalt  }
0x5e: {  	_ =	shalt  }
0x5f: {  	_ =	shalt  }
0x60: {  	_ =	shalt  }
0x61: {  	_ =	shalt  }
0x62: {  	_ =	shalt  }
0x63: {  	_ =	shalt  }
0x64: {  	_ =	shalt  }
0x65: {  	_ =	shalt  }
0x66: {  	_ =	shalt  }
0x67: {  	_ =	shalt  }
0x68: {  	_ =	shalt  }
0x69: {  	_ =	shalt  }
0x6a: {  	_ =	shalt  }
0x6b: {  	_ =	shalt  }
0x6c: {  	_ =	shalt  }
0x6d: {  	_ =	shalt  }
0x6e: {  	_ =	shalt  }
0x6f: {  	_ =	shalt  }
0x70: {  	_ =	shalt  }
0x71: {  	_ =	shalt  }
0x72: {  	_ =	shalt  }
0x73: {  	_ =	shalt  }
0x74: {  	_ =	shalt  }
0x75: {  	_ =	shalt  }
0x76: {  	_ =	shalt  }
0x77: {  	_ =	shalt  }
0x78: {  	_ =	shalt  }
0x79: {  	_ =	shalt  }
0x7a: {  	_ =	shalt  }
0x7b: {  	_ =	shalt  }
0x7c: {  	_ =	shalt  }
0x7d: {  	_ =	shalt  }
0x7e: {  	_ =	shalt  }
0x7f: {  	_ =	shalt  }
0x80: {  	_ =	shalt  }
0x81: {  	_ =	shalt  }
0x82: {  	_ =	shalt  }
0x83: {  	_ =	shalt  }
0x84: {  	_ =	shalt  }
0x85: {  	_ =	shalt  }
0x86: {  	_ =	shalt  }
0x87: {  	_ =	shalt  }
.Lfunc_end0:
.L_simem_size_0:
called_computation_lowered:
.L_overlay_start_0:
0x88: {  	s2 =	sld [smem:$0x3FD9]  }
0x89: {  	s3 =	sld [smem:$0x3FFE];
	_ =	sdelay $0x1  }
0x8a: {  	s1 =	srdreg.scid  }
0x8b: {  	s0 =	sand.u32 $0x1, s1  }
0x8c: {  	s17 =	sshll.u32 s0, $0xA;
	s2 =	sadd.s32 s3, s2  }
0x8d: {  	s2 =	sadd.s32 s2, s17  }
0x8e: {  	[smem:$0x3FBD] =	sst s2  }
0x8f: {  	_ = 	snop  }
0x90: {  	s2 =	sld [smem:$0x3FC7]  }
0x91: {  	s18 =	sld [smem:$0x3FD0];
	(tm) =	ssettm $0x1  }
0x92: {  	s4 =	sld [smem:$0x3FFB];
	_ =	sdelay $0x3  }
0x93: {  	_ =	strace s4  }
0x94: {  	s4 =	sld [smem:$0x3FFC];
	_ =	sdelay $0x3  }
0x95: {  	_ =	strace s4  }
0x96: {  	s4 =	sld [smem:$0x3FFD];
	_ =	sdelay $0x3  }
0x97: {  	_ =	strace s4  }
0x98: {  	_ =	strace $0x8FFFFFFF  }
0x99: {  	s19 =	sld [smem:$0x3FDB];
	_ =	sdelay $0x1  }
0x9a: {  	s5 =	simm.s32 $_scs_section_size  }
0x9b: {  	s6 =	simm.s32 $_size__tile_overlayer_lowered;
	s7 =	simm.s32 $_tile_overlayer_lowered  }
0x9c: {  	s22 =	simm.s32 $0x1BFF;
	s21 =	sshll.u32 s7, $0x1;
	s4 =	sadd.s32 s5, s19  }
0x9d: {  	s8 =	simm.s32 $0x0;
	s20 =	sshll.u32 s6, $0x1;
	s6 =	sadd.s32 s21, s4  }
0x9e: {  	[timem:s8], [sflag:s22] =	dma.local [hbm:s6], s20  }
0x9f: {  	_ =	swait.ge [sflag:s22], s20  }
0xa0: {  	s5 =	ssub.s32 $0x0, s20;
	[sflag:s22] =	ssyncset.done $0x0  }
0xa1: {  	[sflag:s22] =	ssyncadd.s32 s5;
	_ =	sdelay $0x1  }
0xa2: {  	s23 =	simm.s32 $0x1B8B  }
0xa3: {  	_ =	swait.ge [sflag:s23], $0x1  }
0xa4: {  	[sflag:s23] =	ssyncset.done $0x0  }
0xa5: {  	s25 =	simm.s32 $0x1B8E;
	s24 =	sld [smem:$0x3FFE];
	[sflag:s23] =	ssyncadd.s32 $0xFFFFFFFF  }
0xa6: {  	s26 =	simm.s32 $execute0_lowered;
	[smem:$0x3FD2] =	sst s25  }
0xa7: {  	s6 =	sshll.u32 s26, $0x1;
	_ =	strace $0x80000046;
	[dreg:$0x1] =	wrdreg $0xFFFFFFFF  }
0xa8: {  	s28 =	simm.s32 $_size_execute0_lowered;
	s4 =	sadd.s32 s4, s6;
	[dreg:$0x0] =	wrdreg $0x0  }
0xa9: {  	s6 =	sshll.u32 s28, $0x1;
	[dreg:$0x2] =	wrdreg s4  }
0xaa: {  	[dreg:$0x3] =	wrdreg s6  }
0xab: {  	[dreg:$0x4] =	wrdreg $0xC0  }
0xac: {  	_ =	task [dreg:s8], $0x5FFFF  }
0xad: {  	[dreg:$0x1] =	wrdreg $0xFFFFFFFF  }
0xae: {  	[dreg:$0x0] =	wrdreg $0x60  }
0xaf: {  	[dreg:$0x2] =	wrdreg s2  }
0xb0: {  	[dreg:$0x3] =	wrdreg s18  }
0xb1: {  	[dreg:$0x4] =	wrdreg s24  }
0xb2: {  	[dreg:$0x5] =	wrdreg $0xA  }
0xb3: {  	_ =	task.clear_ibuf [dreg:s8], $0x6FFFF;
	_ =	strace $0x90000046  }
0xb4: {  	s29 =	simm.s32 $0xA;
	_ =	strace $0x80000048  }
0xb5: {  	_ =	swait.ge [sflag:s29], $0x1  }
0xb6: {  	[sflag:s29] =	ssyncadd.s32 $0xFFFFFFFF  }
0xb7: {  	_ =	strace $0x90000048  }
0xb8: {  	_ =	sfence  }
0xb9: {  	s30 =	sld [smem:$0x0];
	_ =	sdelay $0x2  }
0xba: {  	s31 =	sshll.u32 s1, $0xD;
	s1 =	sshrl.u32 s1, $0x2  }
0xbb: {  	s3 =	sand.u32 $0x4000, s31;
	s1 =	sadd.s32 s1, s30  }
0xbc: {  	s0 =	sor.u32 s3, s0;
	s1 =	sshll.u32 s1, $0x11  }
0xbd: {  	s0 =	sor.u32 s1, s0  }
0xbe: {  	s0 =	sadd.s32 $0x8F2B, s0  }
0xbf: {  	[sflag:s0] =	ssyncadd.remote.s32 $0x1  }
0xc0: {  	_ =	sfence.sel $0xFFFF  }
0xc1: {  	[dreg:$0x0] =	wrdreg $0xFFFFFFFF;
	(pc) =	sbr.abs _section_cstart, $3  }
0xc2: {  	[dreg:$0x1] =	wrdreg $0xFFFFFFFF  }
0xc3: {  	_ =	task.clear_ibuf [dreg:s8], $0x2FFFF;
	_ =	strace $0x9FFFFFFF  }
0xc4: {  	(tm) =	ssettm $0x7FFFFFFF  }
0xc5: {  	_ =	shalt  }
tec
execute0_lowered:
.L_overlay_start_1:
0x0: {  	(tag) =	ssettag $0x1  }
0x1: {  	s1 =	rddreg [dreg:$0x0]  }
0x2: {  	s0 =	srdreg.scid;
	s3 =	stileid.u32  }
0x3: {  	s2 =	rddreg [dreg:$0x2];
	s4 =	simm.s32 $0x0;
	s20 =	simm.s32 $0x1000  }
0x4: {  	s21 =	simm.s32 $0x7A1400;
	s22 =	simm.s32 $0x2000;
	s28 =	simm.s32 $0x8000  }
0x5: {  	s29 =	simm.s32 $0x3;
	s30 =	simm.s32 $0x6;
	s31 =	simm.s32 $0xA000  }
0x6: {  	s16 =	simm.s32 $0x0;
	s0 =	sand.u32 $0x1, s0;
	s3 =	sshll.u32 s3, $0x1  }
0x7: {  	[smem:$0x7FF] =	sst s4;
	s7 =	sadd.s32 $0x2000, s2;
	s25 =	sadd.s32 $0x1EA400, s2  }
0x8: {  	s26 =	sadd.s32 $0xF4000, s1;
	_ =	strace $0x80000047;
	[dreg:$0x8] =	wrdreg s25  }
0x9: {  	s2 =	sadd.s32 $0x1EA000, s2;
	s5 =	sor.u32 s0, s3;
	[dreg:$0x9] =	wrdreg s26  }
0xa: {  	s0 =	ssub.s32 $0x2, s0;
	[dreg:$0xa] =	wrdreg s2;
	s25 =	simm.s32 $0x6000  }
0xb: {  	s26 =	simm.s32 $0x2;
	s2 =	simm.s32 $0x4;
	s3 =	sshll.u32 s5, $0x9  }
0xc: {  	s6 =	sshrl.u32 s0, $0x1;
	s10 =	sor.u32 $0x60, s5;
	s24 =	sshll.u32 s5, $0xA  }
0xd: {  	s11 =	sor.u32 $0x20, s5;
	s12 =	sor.u32 $0x80, s5;
	s13 =	sor.u32 $0x40, s5  }
0xe: {  	s14 =	sor.u32 $0xA0, s5;
	p0 =	seq.s32 s5, $0x1D;
	s3 =	sadd.s32 s1, s3  }
.Ltmp0:
0xf: {  	s23 =	sadd.s32 $0x4000, s3;
	[dreg:$0x4] =	wrdreg s3;
	(pc) =	sbr.rel .LBB2_1-.Ltmp0, $4  }
0x10: {  	s0 =	ssub.s32 s0, s6;
	s3 =	sadd.s32 $0x8000, s3;
	[dreg:$0x5] =	wrdreg s23  }
0x11: {  	s0 =	smax.u32 s0, $0x1;
	[dreg:$0x6] =	wrdreg s3;
	s3 =	sadd.s32 s24, s7  }
0x12: {  	v0 =	vlaneseq.u32;
	p1 =	sne.s32 s5, $0x1C;
	[dreg:$0xb] =	wrdreg s0;
	s3 =	sadd.s32 $0x1E0000, s3  }
0x13: {  	v0 =	vmul.u32 $0x10, v0;
	s23 =	simm.s32 $0x4000;
	s24 =	simm.s32 $0x1;
	[dreg:$0x7] =	wrdreg s3  }
.LBB2_21:
0x14: {  	s0 =	rddreg [dreg:$0x1];
	s3 =	simm.s32 $0x7  }
0x15: {  	[tilespmem:s28], [sflag:$0x7] =	stream.linear.gather [hbm4b:s0+s4], $0x400, $0x38;
	[tilespmem:$0xC000] =	vst v63  }
0x16: {  	_ =	swait.ge [sflag:s3], $0x400  }
0x17: {  	[sflag:s3] =	ssyncset.done $0x0  }
0x18: {  	s19 =	rddreg [dreg:$0x8];
	[sflag:s3] =	ssyncadd.s32 $0xFFFFFC00  }
0x19: {  	[hbm4b:s19+s4] =	stream.linear.scatter [tilespmem:s28], [sflag:$0x7], $0x400, $0x38;
	[tilespmem:$0xC000] =	vst v63  }
0x1a: {  	_ =	swait.ge [sflag:s3], $0x400  }
0x1b: {  	[sflag:s3] =	ssyncset.done $0x0  }
0x1c: {  	[sflag:s3] =	ssyncadd.s32 $0xFFFFFC00  }
.LBB2_22:
0x1d: {  	s16 =	sadd.s32 $0x1, s16;
	s0 =	rddreg [dreg:$0xb]  }
0x1e: {  	p2 =	sne.s32 s16, s0  }
.Ltmp1:
0x1f: {  	_ = 	snop;
	(pc) =	sbr.rel @!p2 .LBB2_23-.Ltmp1, $1  }
0x20: {  	_ =	sdelay $0x3  }
.LBB2_1:
0x21: {  	s0 =	rddreg [dreg:$0x4]  }
0x22: {  	[tilespmem:s4], [sflag:$0x1] =	stream.strided.gather [hbm4b:s0+s20], $0x2000, s21, s20, $0x38;
	[tilespmem:$0xC000] =	vst v63  }
0x23: {  	s18 =	rddreg [dreg:$0x5]  }
0x24: {  	[tilespmem:s22], [sflag:$0x2] =	stream.strided.gather [hbm4b:s18+s20], $0x2000, s21, s20, $0x38;
	[tilespmem:$0xC000] =	vst v63  }
0x25: {  	s19 =	rddreg [dreg:$0x6];
	s17 =	simm.s32 $0x0  }
0x26: {  	[tilespmem:s23], [sflag:$0x3] =	stream.strided.gather [hbm4b:s19+s20], $0x2000, s21, s20, $0x38;
	[tilespmem:$0xC000] =	vst v63  }
.LBB2_2:
0x27: {  	_ =	swait.ge [sflag:s24], $0x2000  }
0x28: {  	p2 =	seq.s32 s17, $0x0;
	[sflag:s24] =	ssyncset.done $0x0  }
0x29: {  	s0 =	simm.s32 @!p2 $0x4;
	[sflag:s24] =	ssyncadd.s32 $0xFFFFE000  }
0x2a: {  	s8 =	simm.s32 $0x0;
	_ =	swait.ge @!p2 [sflag:s0], $0x2000  }
0x2b: {  	s6 =	sand.u32 $0x70, s8;
	s9 =	sand.u32 $0xC00, s8;
	[sflag:s0] =	ssyncset.done @!p2 $0x0  }
0x2c: {  	s19 =	simm.s32 $0x0;
	s6 =	sor.u32 s6, s9;
	[sflag:s0] =	ssyncadd.s32 @!p2 $0xFFFFE000  }
0x2d: {  	v2 =	vor.u32 s19, v0;
	v1 =	vld [tilespmem:s6+$0x0];
	_ =	sdelay $0x4  }
0x2e: {  	s3 =	simm.s32 $0x1;
	[tilespmem:v2+s25+$0x0] =	vst.idx.msk $0xffff, v1  }
0x2f: {  	v2 =	vor.u32 s3, v0;
	v1 =	vld [tilespmem:s6+$0x80];
	_ =	sdelay $0x4  }
0x30: {  	s9 =	simm.s32 $0x2;
	[tilespmem:v2+s25+$0x0] =	vst.idx.msk $0xffff, v1  }
0x31: {  	v2 =	vor.u32 s9, v0;
	v1 =	vld [tilespmem:s6+$0x100];
	_ =	sdelay $0x4  }
0x32: {  	s15 =	simm.s32 $0x3;
	[tilespmem:v2+s25+$0x0] =	vst.idx.msk $0xffff, v1  }
0x33: {  	v2 =	vor.u32 s15, v0;
	v1 =	vld [tilespmem:s6+$0x180];
	_ =	sdelay $0x4  }
0x34: {  	s18 =	simm.s32 $0x4;
	[tilespmem:v2+s25+$0x0] =	vst.idx.msk $0xffff, v1  }
0x35: {  	v2 =	vor.u32 s18, v0;
	v1 =	vld [tilespmem:s6+$0x200];
	_ =	sdelay $0x4  }
0x36: {  	s19 =	simm.s32 $0x5;
	[tilespmem:v2+s25+$0x0] =	vst.idx.msk $0xffff, v1  }
0x37: {  	v2 =	vor.u32 s19, v0;
	v1 =	vld [tilespmem:s6+$0x280];
	_ =	sdelay $0x4  }
0x38: {  	s3 =	simm.s32 $0x6;
	[tilespmem:v2+s25+$0x0] =	vst.idx.msk $0xffff, v1  }
0x39: {  	v2 =	vor.u32 s3, v0;
	v1 =	vld [tilespmem:s6+$0x300];
	_ =	sdelay $0x3  }
0x3a: {  	s9 =	sor.u32 s8, s8  }
0x3b: {  	s0 =	sor.u32 $0x380, s9;
	s15 =	simm.s32 $0x7;
	[tilespmem:v2+s25+$0x0] =	vst.idx.msk $0xffff, v1  }
0x3c: {  	v2 =	vor.u32 s15, v0;
	v1 =	vld [tilespmem:s0+$0x0];
	_ =	sdelay $0x4  }
0x3d: {  	s18 =	simm.s32 $0x8;
	[tilespmem:v2+s25+$0x0] =	vst.idx.msk $0xffff, v1  }
0x3e: {  	v2 =	vor.u32 s18, v0;
	v1 =	vld [tilespmem:s6+$0x1000];
	_ =	sdelay $0x4  }
0x3f: {  	s19 =	simm.s32 $0x9;
	[tilespmem:v2+s25+$0x0] =	vst.idx.msk $0xffff, v1  }
0x40: {  	v2 =	vor.u32 s19, v0;
	v1 =	vld [tilespmem:s6+$0x1080];
	_ =	sdelay $0x4  }
0x41: {  	s3 =	simm.s32 $0xA;
	[tilespmem:v2+s25+$0x0] =	vst.idx.msk $0xffff, v1  }
0x42: {  	v2 =	vor.u32 s3, v0;
	v1 =	vld [tilespmem:s6+$0x1100];
	_ =	sdelay $0x4  }
0x43: {  	s8 =	simm.s32 $0xB;
	[tilespmem:v2+s25+$0x0] =	vst.idx.msk $0xffff, v1  }
0x44: {  	v2 =	vor.u32 s8, v0;
	v1 =	vld [tilespmem:s6+$0x1180];
	_ =	sdelay $0x4  }
0x45: {  	s9 =	simm.s32 $0xC;
	[tilespmem:v2+s25+$0x0] =	vst.idx.msk $0xffff, v1  }
0x46: {  	v2 =	vor.u32 s9, v0;
	v1 =	vld [tilespmem:s6+$0x1200];
	_ =	sdelay $0x4  }
0x47: {  	s15 =	simm.s32 $0xD;
	[tilespmem:v2+s25+$0x0] =	vst.idx.msk $0xffff, v1  }
0x48: {  	v2 =	vor.u32 s15, v0;
	v1 =	vld [tilespmem:s6+$0x1280];
	_ =	sdelay $0x4  }
0x49: {  	s18 =	simm.s32 $0xE;
	[tilespmem:v2+s25+$0x0] =	vst.idx.msk $0xffff, v1  }
0x4a: {  	v2 =	vor.u32 s18, v0;
	v1 =	vld [tilespmem:s6+$0x1300];
	_ =	sdelay $0x4  }
0x4b: {  	s19 =	simm.s32 $0xF;
	[tilespmem:v2+s25+$0x0] =	vst.idx.msk $0xffff, v1  }
0x4c: {  	v2 =	vor.u32 s19, v0;
	v1 =	vld [tilespmem:s6+$0x1380];
	_ =	sdelay $0x2  }
0x4d: {  	s8 =	simm.s32 $0x80;
	s9 =	simm.s32 $0x10;
	s15 =	simm.s32 $0x20F  }
0x4e: {  	s18 =	simm.s32 $0x10F;
	s19 =	sand.u32 $0xC00, s8;
	s6 =	sand.u32 $0x70, s9  }
.LBB2_3:
0x4f: {  	p3 =	sne.s32 s15, $0x1F0F;
	s19 =	sor.u32 s6, s19;
	s0 =	sadd.s32 $0xFFFFFFF1, s18;
	[tilespmem:v2+s25+$0x0] =	vst.idx.msk $0xffff, v1  }
0x50: {  	v1 =	vld [tilespmem:s19+$0x0];
	v2 =	vor.u32 s0, v0;
	_ =	sdelay $0x4  }
0x51: {  	s0 =	sadd.s32 $0xFFFFFFF2, s18;
	[tilespmem:v2+s25+$0x0] =	vst.idx.msk $0xffff, v1  }
0x52: {  	v2 =	vor.u32 s0, v0;
	v1 =	vld [tilespmem:s19+$0x80];
	_ =	sdelay $0x4  }
0x53: {  	s0 =	sadd.s32 $0xFFFFFFF3, s18;
	[tilespmem:v2+s25+$0x0] =	vst.idx.msk $0xffff, v1  }
0x54: {  	v2 =	vor.u32 s0, v0;
	v1 =	vld [tilespmem:s19+$0x100];
	_ =	sdelay $0x4  }
0x55: {  	s0 =	sadd.s32 $0xFFFFFFF4, s18;
	[tilespmem:v2+s25+$0x0] =	vst.idx.msk $0xffff, v1  }
0x56: {  	v2 =	vor.u32 s0, v0;
	v1 =	vld [tilespmem:s19+$0x180];
	_ =	sdelay $0x4  }
0x57: {  	s0 =	sadd.s32 $0xFFFFFFF5, s18;
	[tilespmem:v2+s25+$0x0] =	vst.idx.msk $0xffff, v1  }
0x58: {  	v2 =	vor.u32 s0, v0;
	v1 =	vld [tilespmem:s19+$0x200];
	_ =	sdelay $0x4  }
0x59: {  	s0 =	sadd.s32 $0xFFFFFFF6, s18;
	[tilespmem:v2+s25+$0x0] =	vst.idx.msk $0xffff, v1  }
0x5a: {  	v2 =	vor.u32 s0, v0;
	v1 =	vld [tilespmem:s19+$0x280];
	_ =	sdelay $0x4  }
0x5b: {  	s0 =	sadd.s32 $0xFFFFFFF7, s18;
	[tilespmem:v2+s25+$0x0] =	vst.idx.msk $0xffff, v1  }
0x5c: {  	v2 =	vor.u32 s0, v0;
	v1 =	vld [tilespmem:s19+$0x300];
	_ =	sdelay $0x3  }
0x5d: {  	s0 =	sor.u32 s8, s9  }
0x5e: {  	s6 =	sadd.s32 $0xFFFFFFF8, s18;
	s0 =	sor.u32 $0x380, s0;
	[tilespmem:v2+s25+$0x0] =	vst.idx.msk $0xffff, v1  }
0x5f: {  	v2 =	vor.u32 s6, v0;
	v1 =	vld [tilespmem:s0+$0x0];
	_ =	sdelay $0x4  }
0x60: {  	s0 =	sadd.s32 $0xFFFFFFF9, s18;
	[tilespmem:v2+s25+$0x0] =	vst.idx.msk $0xffff, v1  }
0x61: {  	v2 =	vor.u32 s0, v0;
	v1 =	vld [tilespmem:s19+$0x1000];
	_ =	sdelay $0x4  }
0x62: {  	s0 =	sadd.s32 $0xFFFFFFFA, s18;
	[tilespmem:v2+s25+$0x0] =	vst.idx.msk $0xffff, v1  }
0x63: {  	v2 =	vor.u32 s0, v0;
	v1 =	vld [tilespmem:s19+$0x1080];
	_ =	sdelay $0x4  }
0x64: {  	s0 =	sadd.s32 $0xFFFFFFFB, s18;
	[tilespmem:v2+s25+$0x0] =	vst.idx.msk $0xffff, v1  }
0x65: {  	v2 =	vor.u32 s0, v0;
	v1 =	vld [tilespmem:s19+$0x1100];
	_ =	sdelay $0x4  }
0x66: {  	s0 =	sadd.s32 $0xFFFFFFFC, s18;
	[tilespmem:v2+s25+$0x0] =	vst.idx.msk $0xffff, v1  }
0x67: {  	v2 =	vor.u32 s0, v0;
	v1 =	vld [tilespmem:s19+$0x1180];
	_ =	sdelay $0x4  }
0x68: {  	s0 =	sadd.s32 $0xFFFFFFFD, s18;
	[tilespmem:v2+s25+$0x0] =	vst.idx.msk $0xffff, v1  }
0x69: {  	v2 =	vor.u32 s0, v0;
	v1 =	vld [tilespmem:s19+$0x1200];
	_ =	sdelay $0x4  }
0x6a: {  	s0 =	sadd.s32 $0xFFFFFFFE, s18;
	[tilespmem:v2+s25+$0x0] =	vst.idx.msk $0xffff, v1  }
0x6b: {  	v2 =	vor.u32 s0, v0;
	v1 =	vld [tilespmem:s19+$0x1280];
	_ =	sdelay $0x4  }
0x6c: {  	s0 =	sadd.s32 $0xFFFFFFFF, s18;
	[tilespmem:v2+s25+$0x0] =	vst.idx.msk $0xffff, v1  }
0x6d: {  	v2 =	vor.u32 s0, v0;
	v1 =	vld [tilespmem:s19+$0x1300];
	_ =	sdelay $0x4  }
0x6e: {  	[tilespmem:v2+s25+$0x0] =	vst.idx.msk $0xffff, v1  }
.Ltmp2:
0x6f: {  	v2 =	vor.u32 s18, v0;
	s18 =	smov.u32 s15;
	v1 =	vld [tilespmem:s19+$0x1380];
	(pc) =	sbr.rel @p3 .LBB2_3-.Ltmp2, $3  }
0x70: {  	_ =	sdelay $0x1  }
0x71: {  	s8 =	sadd.s32 $0x80, s8;
	s9 =	sadd.s32 $0x10, s9  }
0x72: {  	s6 =	sand.u32 $0x70, s9;
	s15 =	sadd.s32 $0x100, s15;
	s19 =	sand.u32 $0xC00, s8  }
0x73: {  	_ =	sdelay $0x3  }
0x74: {  	s6 =	sor.u32 s6, s19;
	s0 =	sadd.s32 $0xFFFFFFF1, s18;
	[tilespmem:v2+s25+$0x0] =	vst.idx.msk $0xffff, v1  }
0x75: {  	v1 =	vld [tilespmem:s6+$0x0];
	v2 =	vor.u32 s0, v0;
	_ =	sdelay $0x4  }
0x76: {  	s15 =	sadd.s32 $0xFFFFFFF2, s18;
	[tilespmem:v2+s25+$0x0] =	vst.idx.msk $0xffff, v1  }
0x77: {  	v2 =	vor.u32 s15, v0;
	v1 =	vld [tilespmem:s6+$0x80];
	_ =	sdelay $0x4  }
0x78: {  	s19 =	sadd.s32 $0xFFFFFFF3, s18;
	[tilespmem:v2+s25+$0x0] =	vst.idx.msk $0xffff, v1  }
0x79: {  	v2 =	vor.u32 s19, v0;
	v1 =	vld [tilespmem:s6+$0x100];
	_ =	sdelay $0x4  }
0x7a: {  	s3 =	sadd.s32 $0xFFFFFFF4, s18;
	[tilespmem:v2+s25+$0x0] =	vst.idx.msk $0xffff, v1  }
0x7b: {  	v2 =	vor.u32 s3, v0;
	v1 =	vld [tilespmem:s6+$0x180];
	_ =	sdelay $0x4  }
0x7c: {  	s15 =	sadd.s32 $0xFFFFFFF5, s18;
	[tilespmem:v2+s25+$0x0] =	vst.idx.msk $0xffff, v1  }
0x7d: {  	v2 =	vor.u32 s15, v0;
	v1 =	vld [tilespmem:s6+$0x200];
	_ =	sdelay $0x4  }
0x7e: {  	s19 =	sadd.s32 $0xFFFFFFF6, s18;
	[tilespmem:v2+s25+$0x0] =	vst.idx.msk $0xffff, v1  }
0x7f: {  	v2 =	vor.u32 s19, v0;
	v1 =	vld [tilespmem:s6+$0x280];
	_ =	sdelay $0x4  }
0x80: {  	s3 =	sadd.s32 $0xFFFFFFF7, s18;
	[tilespmem:v2+s25+$0x0] =	vst.idx.msk $0xffff, v1  }
0x81: {  	v2 =	vor.u32 s3, v0;
	v1 =	vld [tilespmem:s6+$0x300];
	_ =	sdelay $0x3  }
0x82: {  	s9 =	sor.u32 s8, s9  }
0x83: {  	s0 =	sor.u32 $0x380, s9;
	s15 =	sadd.s32 $0xFFFFFFF8, s18;
	[tilespmem:v2+s25+$0x0] =	vst.idx.msk $0xffff, v1  }
0x84: {  	v2 =	vor.u32 s15, v0;
	v1 =	vld [tilespmem:s0+$0x0];
	_ =	sdelay $0x4  }
0x85: {  	s19 =	sadd.s32 $0xFFFFFFF9, s18;
	[tilespmem:v2+s25+$0x0] =	vst.idx.msk $0xffff, v1  }
0x86: {  	v2 =	vor.u32 s19, v0;
	v1 =	vld [tilespmem:s6+$0x1000];
	_ =	sdelay $0x4  }
0x87: {  	s3 =	sadd.s32 $0xFFFFFFFA, s18;
	[tilespmem:v2+s25+$0x0] =	vst.idx.msk $0xffff, v1  }
0x88: {  	v2 =	vor.u32 s3, v0;
	v1 =	vld [tilespmem:s6+$0x1080];
	_ =	sdelay $0x4  }
0x89: {  	s8 =	sadd.s32 $0xFFFFFFFB, s18;
	[tilespmem:v2+s25+$0x0] =	vst.idx.msk $0xffff, v1  }
0x8a: {  	v2 =	vor.u32 s8, v0;
	v1 =	vld [tilespmem:s6+$0x1100];
	_ =	sdelay $0x4  }
0x8b: {  	s9 =	sadd.s32 $0xFFFFFFFC, s18;
	[tilespmem:v2+s25+$0x0] =	vst.idx.msk $0xffff, v1  }
0x8c: {  	v2 =	vor.u32 s9, v0;
	v1 =	vld [tilespmem:s6+$0x1180];
	_ =	sdelay $0x4  }
0x8d: {  	s15 =	sadd.s32 $0xFFFFFFFD, s18;
	[tilespmem:v2+s25+$0x0] =	vst.idx.msk $0xffff, v1  }
0x8e: {  	v2 =	vor.u32 s15, v0;
	v1 =	vld [tilespmem:s6+$0x1200];
	_ =	sdelay $0x4  }
0x8f: {  	s19 =	sadd.s32 $0xFFFFFFFE, s18;
	[tilespmem:v2+s25+$0x0] =	vst.idx.msk $0xffff, v1  }
0x90: {  	v2 =	vor.u32 s19, v0;
	v1 =	vld [tilespmem:s6+$0x1280];
	_ =	sdelay $0x4  }
0x91: {  	s3 =	sadd.s32 $0xFFFFFFFF, s18;
	[tilespmem:v2+s25+$0x0] =	vst.idx.msk $0xffff, v1  }
0x92: {  	v2 =	vor.u32 s3, v0;
	v1 =	vld [tilespmem:s6+$0x1300];
	_ =	sdelay $0x4  }
0x93: {  	[tilespmem:v2+s25+$0x0] =	vst.idx.msk $0xffff, v1  }
0x94: {  	v2 =	vor.u32 s18, v0;
	v1 =	vld [tilespmem:s6+$0x1380]  }
0x95: {  	s18 =	smul.u32 $0x60, s17;
	_ =	sdelay $0x1  }
0x96: {  	s8 =	sor.u32 s5, s18  }
0x97: {  	s0 =	sshll.u32 s8, $0xA  }
0x98: {  	s9 =	sadd.s32 s10, s18;
	s0 =	sadd.s32 s7, s0;
	[tilespmem:v2+s25+$0x0] =	vst.idx.msk $0xffff, v1  }
0x99: {  	[hbm4b:s0+s4] =	stream.linear.scatter [tilespmem:s25], [sflag:$0x4], $0x2000, $0x38;
	[tilespmem:$0xC000] =	vst v63  }
0x9a: {  	s0 =	sshll.u32 s9, $0x9  }
0x9b: {  	s0 =	sadd.s32 s1, s0  }
0x9c: {  	[tilespmem:s4], [sflag:$0x1] =	stream.strided.gather [hbm4b:s0+s20], $0x2000, s21, s20, $0x38;
	[tilespmem:$0xC000] =	vst v63  }
0x9d: {  	_ =	swait.ge [sflag:s26], $0x2000  }
0x9e: {  	[sflag:s26] =	ssyncset.done $0x0  }
0x9f: {  	s0 =	simm.s32 @!p2 $0x5;
	[sflag:s26] =	ssyncadd.s32 $0xFFFFE000  }
0xa0: {  	s8 =	simm.s32 $0x0;
	_ =	swait.ge @!p2 [sflag:s0], $0x2000  }
0xa1: {  	s15 =	sand.u32 $0x70, s8;
	s19 =	sand.u32 $0xC00, s8;
	[sflag:s0] =	ssyncset.done @!p2 $0x0  }
0xa2: {  	s3 =	simm.s32 $0x0;
	s6 =	sor.u32 s15, s19;
	[sflag:s0] =	ssyncadd.s32 @!p2 $0xFFFFE000  }
0xa3: {  	v2 =	vor.u32 s3, v0;
	v1 =	vld [tilespmem:s6+$0x2000];
	_ =	sdelay $0x4  }
0xa4: {  	s9 =	simm.s32 $0x1;
	[tilespmem:v2+s28+$0x0] =	vst.idx.msk $0xffff, v1  }
0xa5: {  	v2 =	vor.u32 s9, v0;
	v1 =	vld [tilespmem:s6+$0x2080];
	_ =	sdelay $0x4  }
0xa6: {  	s15 =	simm.s32 $0x2;
	[tilespmem:v2+s28+$0x0] =	vst.idx.msk $0xffff, v1  }
0xa7: {  	v2 =	vor.u32 s15, v0;
	v1 =	vld [tilespmem:s6+$0x2100];
	_ =	sdelay $0x4  }
0xa8: {  	s19 =	simm.s32 $0x3;
	[tilespmem:v2+s28+$0x0] =	vst.idx.msk $0xffff, v1  }
0xa9: {  	v2 =	vor.u32 s19, v0;
	v1 =	vld [tilespmem:s6+$0x2180];
	_ =	sdelay $0x4  }
0xaa: {  	s3 =	simm.s32 $0x4;
	[tilespmem:v2+s28+$0x0] =	vst.idx.msk $0xffff, v1  }
0xab: {  	v2 =	vor.u32 s3, v0;
	v1 =	vld [tilespmem:s6+$0x2200];
	_ =	sdelay $0x4  }
0xac: {  	s9 =	simm.s32 $0x5;
	[tilespmem:v2+s28+$0x0] =	vst.idx.msk $0xffff, v1  }
0xad: {  	v2 =	vor.u32 s9, v0;
	v1 =	vld [tilespmem:s6+$0x2280];
	_ =	sdelay $0x4  }
0xae: {  	s15 =	simm.s32 $0x6;
	[tilespmem:v2+s28+$0x0] =	vst.idx.msk $0xffff, v1  }
0xaf: {  	v2 =	vor.u32 s15, v0;
	v1 =	vld [tilespmem:s6+$0x2300];
	_ =	sdelay $0x3  }
0xb0: {  	s19 =	sor.u32 s8, s8  }
0xb1: {  	s0 =	sor.u32 $0x380, s19;
	s3 =	simm.s32 $0x7;
	[tilespmem:v2+s28+$0x0] =	vst.idx.msk $0xffff, v1  }
0xb2: {  	v2 =	vor.u32 s3, v0;
	v1 =	vld [tilespmem:s0+$0x2000];
	_ =	sdelay $0x4  }
0xb3: {  	s9 =	simm.s32 $0x8;
	[tilespmem:v2+s28+$0x0] =	vst.idx.msk $0xffff, v1  }
0xb4: {  	v2 =	vor.u32 s9, v0;
	v1 =	vld [tilespmem:s6+$0x3000];
	_ =	sdelay $0x4  }
0xb5: {  	s15 =	simm.s32 $0x9;
	[tilespmem:v2+s28+$0x0] =	vst.idx.msk $0xffff, v1  }
0xb6: {  	v2 =	vor.u32 s15, v0;
	v1 =	vld [tilespmem:s6+$0x3080];
	_ =	sdelay $0x4  }
0xb7: {  	s19 =	simm.s32 $0xA;
	[tilespmem:v2+s28+$0x0] =	vst.idx.msk $0xffff, v1  }
0xb8: {  	v2 =	vor.u32 s19, v0;
	v1 =	vld [tilespmem:s6+$0x3100];
	_ =	sdelay $0x4  }
0xb9: {  	s3 =	simm.s32 $0xB;
	[tilespmem:v2+s28+$0x0] =	vst.idx.msk $0xffff, v1  }
0xba: {  	v2 =	vor.u32 s3, v0;
	v1 =	vld [tilespmem:s6+$0x3180];
	_ =	sdelay $0x4  }
0xbb: {  	s8 =	simm.s32 $0xC;
	[tilespmem:v2+s28+$0x0] =	vst.idx.msk $0xffff, v1  }
0xbc: {  	v2 =	vor.u32 s8, v0;
	v1 =	vld [tilespmem:s6+$0x3200];
	_ =	sdelay $0x4  }
0xbd: {  	s9 =	simm.s32 $0xD;
	[tilespmem:v2+s28+$0x0] =	vst.idx.msk $0xffff, v1  }
0xbe: {  	v2 =	vor.u32 s9, v0;
	v1 =	vld [tilespmem:s6+$0x3280];
	_ =	sdelay $0x4  }
0xbf: {  	s15 =	simm.s32 $0xE;
	[tilespmem:v2+s28+$0x0] =	vst.idx.msk $0xffff, v1  }
0xc0: {  	v2 =	vor.u32 s15, v0;
	v1 =	vld [tilespmem:s6+$0x3300];
	_ =	sdelay $0x4  }
0xc1: {  	s19 =	simm.s32 $0xF;
	[tilespmem:v2+s28+$0x0] =	vst.idx.msk $0xffff, v1  }
0xc2: {  	v2 =	vor.u32 s19, v0;
	v1 =	vld [tilespmem:s6+$0x3380];
	_ =	sdelay $0x2  }
0xc3: {  	s8 =	simm.s32 $0x10F;
	s9 =	simm.s32 $0x80;
	s15 =	simm.s32 $0x10  }
0xc4: {  	s0 =	sand.u32 $0xC00, s9;
	s19 =	simm.s32 $0x20F;
	s6 =	sand.u32 $0x70, s15  }
.LBB2_5:
0xc5: {  	p3 =	sne.s32 s19, $0x1F0F;
	s6 =	sor.u32 s6, s0;
	s0 =	sadd.s32 $0xFFFFFFF1, s8;
	[tilespmem:v2+s28+$0x0] =	vst.idx.msk $0xffff, v1  }
0xc6: {  	v1 =	vld [tilespmem:s6+$0x2000];
	v2 =	vor.u32 s0, v0;
	_ =	sdelay $0x4  }
0xc7: {  	s0 =	sadd.s32 $0xFFFFFFF2, s8;
	[tilespmem:v2+s28+$0x0] =	vst.idx.msk $0xffff, v1  }
0xc8: {  	v2 =	vor.u32 s0, v0;
	v1 =	vld [tilespmem:s6+$0x2080];
	_ =	sdelay $0x4  }
0xc9: {  	s0 =	sadd.s32 $0xFFFFFFF3, s8;
	[tilespmem:v2+s28+$0x0] =	vst.idx.msk $0xffff, v1  }
0xca: {  	v2 =	vor.u32 s0, v0;
	v1 =	vld [tilespmem:s6+$0x2100];
	_ =	sdelay $0x4  }
0xcb: {  	s0 =	sadd.s32 $0xFFFFFFF4, s8;
	[tilespmem:v2+s28+$0x0] =	vst.idx.msk $0xffff, v1  }
0xcc: {  	v2 =	vor.u32 s0, v0;
	v1 =	vld [tilespmem:s6+$0x2180];
	_ =	sdelay $0x4  }
0xcd: {  	s0 =	sadd.s32 $0xFFFFFFF5, s8;
	[tilespmem:v2+s28+$0x0] =	vst.idx.msk $0xffff, v1  }
0xce: {  	v2 =	vor.u32 s0, v0;
	v1 =	vld [tilespmem:s6+$0x2200];
	_ =	sdelay $0x4  }
0xcf: {  	s0 =	sadd.s32 $0xFFFFFFF6, s8;
	[tilespmem:v2+s28+$0x0] =	vst.idx.msk $0xffff, v1  }
0xd0: {  	v2 =	vor.u32 s0, v0;
	v1 =	vld [tilespmem:s6+$0x2280];
	_ =	sdelay $0x4  }
0xd1: {  	s0 =	sadd.s32 $0xFFFFFFF7, s8;
	[tilespmem:v2+s28+$0x0] =	vst.idx.msk $0xffff, v1  }
0xd2: {  	v2 =	vor.u32 s0, v0;
	v1 =	vld [tilespmem:s6+$0x2300];
	_ =	sdelay $0x3  }
0xd3: {  	s0 =	sor.u32 s9, s15  }
0xd4: {  	s3 =	sadd.s32 $0xFFFFFFF8, s8;
	s0 =	sor.u32 $0x380, s0;
	[tilespmem:v2+s28+$0x0] =	vst.idx.msk $0xffff, v1  }
0xd5: {  	v2 =	vor.u32 s3, v0;
	v1 =	vld [tilespmem:s0+$0x2000];
	_ =	sdelay $0x4  }
0xd6: {  	s0 =	sadd.s32 $0xFFFFFFF9, s8;
	[tilespmem:v2+s28+$0x0] =	vst.idx.msk $0xffff, v1  }
0xd7: {  	v2 =	vor.u32 s0, v0;
	v1 =	vld [tilespmem:s6+$0x3000];
	_ =	sdelay $0x4  }
0xd8: {  	s0 =	sadd.s32 $0xFFFFFFFA, s8;
	[tilespmem:v2+s28+$0x0] =	vst.idx.msk $0xffff, v1  }
0xd9: {  	v2 =	vor.u32 s0, v0;
	v1 =	vld [tilespmem:s6+$0x3080];
	_ =	sdelay $0x4  }
0xda: {  	s0 =	sadd.s32 $0xFFFFFFFB, s8;
	[tilespmem:v2+s28+$0x0] =	vst.idx.msk $0xffff, v1  }
0xdb: {  	v2 =	vor.u32 s0, v0;
	v1 =	vld [tilespmem:s6+$0x3100];
	_ =	sdelay $0x4  }
0xdc: {  	s0 =	sadd.s32 $0xFFFFFFFC, s8;
	[tilespmem:v2+s28+$0x0] =	vst.idx.msk $0xffff, v1  }
0xdd: {  	v2 =	vor.u32 s0, v0;
	v1 =	vld [tilespmem:s6+$0x3180];
	_ =	sdelay $0x4  }
0xde: {  	s0 =	sadd.s32 $0xFFFFFFFD, s8;
	[tilespmem:v2+s28+$0x0] =	vst.idx.msk $0xffff, v1  }
0xdf: {  	v2 =	vor.u32 s0, v0;
	v1 =	vld [tilespmem:s6+$0x3200];
	_ =	sdelay $0x4  }
0xe0: {  	s0 =	sadd.s32 $0xFFFFFFFE, s8;
	[tilespmem:v2+s28+$0x0] =	vst.idx.msk $0xffff, v1  }
0xe1: {  	v2 =	vor.u32 s0, v0;
	v1 =	vld [tilespmem:s6+$0x3280];
	_ =	sdelay $0x4  }
0xe2: {  	s0 =	sadd.s32 $0xFFFFFFFF, s8;
	[tilespmem:v2+s28+$0x0] =	vst.idx.msk $0xffff, v1  }
0xe3: {  	v2 =	vor.u32 s0, v0;
	v1 =	vld [tilespmem:s6+$0x3300];
	_ =	sdelay $0x4  }
0xe4: {  	[tilespmem:v2+s28+$0x0] =	vst.idx.msk $0xffff, v1  }
.Ltmp3:
0xe5: {  	v2 =	vor.u32 s8, v0;
	s8 =	smov.u32 s19;
	v1 =	vld [tilespmem:s6+$0x3380];
	(pc) =	sbr.rel @p3 .LBB2_5-.Ltmp3, $3  }
0xe6: {  	_ =	sdelay $0x1  }
0xe7: {  	s9 =	sadd.s32 $0x80, s9;
	s15 =	sadd.s32 $0x10, s15  }
0xe8: {  	s0 =	sand.u32 $0xC00, s9;
	s19 =	sadd.s32 $0x100, s19;
	s6 =	sand.u32 $0x70, s15  }
0xe9: {  	_ =	sdelay $0x3  }
0xea: {  	s6 =	sor.u32 s6, s0;
	s3 =	sadd.s32 $0xFFFFFFF1, s8;
	[tilespmem:v2+s28+$0x0] =	vst.idx.msk $0xffff, v1  }
0xeb: {  	v1 =	vld [tilespmem:s6+$0x2000];
	v2 =	vor.u32 s3, v0;
	_ =	sdelay $0x4  }
0xec: {  	s19 =	sadd.s32 $0xFFFFFFF2, s8;
	[tilespmem:v2+s28+$0x0] =	vst.idx.msk $0xffff, v1  }
0xed: {  	v2 =	vor.u32 s19, v0;
	v1 =	vld [tilespmem:s6+$0x2080];
	_ =	sdelay $0x4  }
0xee: {  	s3 =	sadd.s32 $0xFFFFFFF3, s8;
	[tilespmem:v2+s28+$0x0] =	vst.idx.msk $0xffff, v1  }
0xef: {  	v2 =	vor.u32 s3, v0;
	v1 =	vld [tilespmem:s6+$0x2100];
	_ =	sdelay $0x4  }
0xf0: {  	s19 =	sadd.s32 $0xFFFFFFF4, s8;
	[tilespmem:v2+s28+$0x0] =	vst.idx.msk $0xffff, v1  }
0xf1: {  	v2 =	vor.u32 s19, v0;
	v1 =	vld [tilespmem:s6+$0x2180];
	_ =	sdelay $0x4  }
0xf2: {  	s3 =	sadd.s32 $0xFFFFFFF5, s8;
	[tilespmem:v2+s28+$0x0] =	vst.idx.msk $0xffff, v1  }
0xf3: {  	v2 =	vor.u32 s3, v0;
	v1 =	vld [tilespmem:s6+$0x2200];
	_ =	sdelay $0x4  }
0xf4: {  	s19 =	sadd.s32 $0xFFFFFFF6, s8;
	[tilespmem:v2+s28+$0x0] =	vst.idx.msk $0xffff, v1  }
0xf5: {  	v2 =	vor.u32 s19, v0;
	v1 =	vld [tilespmem:s6+$0x2280];
	_ =	sdelay $0x4  }
0xf6: {  	s3 =	sadd.s32 $0xFFFFFFF7, s8;
	[tilespmem:v2+s28+$0x0] =	vst.idx.msk $0xffff, v1  }
0xf7: {  	v2 =	vor.u32 s3, v0;
	v1 =	vld [tilespmem:s6+$0x2300];
	_ =	sdelay $0x3  }
0xf8: {  	s19 =	sor.u32 s9, s15  }
0xf9: {  	s0 =	sor.u32 $0x380, s19;
	s3 =	sadd.s32 $0xFFFFFFF8, s8;
	[tilespmem:v2+s28+$0x0] =	vst.idx.msk $0xffff, v1  }
0xfa: {  	v2 =	vor.u32 s3, v0;
	v1 =	vld [tilespmem:s0+$0x2000];
	_ =	sdelay $0x4  }
0xfb: {  	s3 =	sadd.s32 $0xFFFFFFF9, s8;
	[tilespmem:v2+s28+$0x0] =	vst.idx.msk $0xffff, v1  }
0xfc: {  	v2 =	vor.u32 s3, v0;
	v1 =	vld [tilespmem:s6+$0x3000];
	_ =	sdelay $0x4  }
0xfd: {  	s9 =	sadd.s32 $0xFFFFFFFA, s8;
	[tilespmem:v2+s28+$0x0] =	vst.idx.msk $0xffff, v1  }
0xfe: {  	v2 =	vor.u32 s9, v0;
	v1 =	vld [tilespmem:s6+$0x3080];
	_ =	sdelay $0x4  }
0xff: {  	s15 =	sadd.s32 $0xFFFFFFFB, s8;
	[tilespmem:v2+s28+$0x0] =	vst.idx.msk $0xffff, v1  }
0x100: {  	v2 =	vor.u32 s15, v0;
	v1 =	vld [tilespmem:s6+$0x3100];
	_ =	sdelay $0x4  }
0x101: {  	s19 =	sadd.s32 $0xFFFFFFFC, s8;
	[tilespmem:v2+s28+$0x0] =	vst.idx.msk $0xffff, v1  }
0x102: {  	v2 =	vor.u32 s19, v0;
	v1 =	vld [tilespmem:s6+$0x3180];
	_ =	sdelay $0x4  }
0x103: {  	s3 =	sadd.s32 $0xFFFFFFFD, s8;
	[tilespmem:v2+s28+$0x0] =	vst.idx.msk $0xffff, v1  }
0x104: {  	v2 =	vor.u32 s3, v0;
	v1 =	vld [tilespmem:s6+$0x3200];
	_ =	sdelay $0x4  }
0x105: {  	s9 =	sadd.s32 $0xFFFFFFFE, s8;
	[tilespmem:v2+s28+$0x0] =	vst.idx.msk $0xffff, v1  }
0x106: {  	v2 =	vor.u32 s9, v0;
	v1 =	vld [tilespmem:s6+$0x3280];
	_ =	sdelay $0x4  }
0x107: {  	s15 =	sadd.s32 $0xFFFFFFFF, s8;
	[tilespmem:v2+s28+$0x0] =	vst.idx.msk $0xffff, v1  }
0x108: {  	v2 =	vor.u32 s15, v0;
	v1 =	vld [tilespmem:s6+$0x3300];
	_ =	sdelay $0x4  }
0x109: {  	[tilespmem:v2+s28+$0x0] =	vst.idx.msk $0xffff, v1  }
0x10a: {  	v2 =	vor.u32 s8, v0;
	v1 =	vld [tilespmem:s6+$0x3380]  }
0x10b: {  	p3 =	sne.s32 s17, $0x13  }
.Ltmp4:
0x10c: {  	_ = 	snop;
	(pc) =	sbr.rel @p3 .LBB2_8-.Ltmp4, $4  }
0x10d: {  	s19 =	sadd.s32 s11, s18  }
0x10e: {  	s0 =	sshll.u32 s19, $0xA  }
0x10f: {  	s0 =	sadd.s32 s7, s0;
	[tilespmem:v2+s28+$0x0] =	vst.idx.msk $0xffff, v1  }
0x110: {  	[hbm4b:s0+s4] =	stream.linear.scatter [tilespmem:s28], [sflag:$0x5], $0x2000, $0x38;
	[tilespmem:$0xC000] =	vst v63  }
.Ltmp5:
0x111: {  	(pc) =	sbr.rel .LBB2_9-.Ltmp5, $4  }
0x112: {  	_ = 	snop  }
0x113: {  	_ =	swait.ge [sflag:s29], $0x2000  }
0x114: {  	[sflag:s29] =	ssyncset.done $0x0  }
0x115: {  	[sflag:s29] =	ssyncadd.s32 $0xFFFFE000  }
.LBB2_8:
0x116: {  	s0 =	sadd.s32 s12, s18  }
0x117: {  	s0 =	sshll.u32 s0, $0x9  }
.Ltmp6:
0x118: {  	s0 =	sadd.s32 s1, s0;
	(pc) =	sbr.rel @p2 .LBB2_10-.Ltmp6, $4  }
0x119: {  	[tilespmem:s22], [sflag:$0x2] =	stream.strided.gather [hbm4b:s0+s20], $0x2000, s21, s20, $0x38;
	[tilespmem:$0xC000] =	vst v63  }
0x11a: {  	_ =	swait.ge [sflag:s29], $0x2000  }
0x11b: {  	[sflag:s29] =	ssyncset.done $0x0  }
0x11c: {  	[sflag:s29] =	ssyncadd.s32 $0xFFFFE000  }
.LBB2_9:
0x11d: {  	_ =	swait.ge [sflag:s30], $0x2000  }
0x11e: {  	[sflag:s30] =	ssyncset.done $0x0  }
0x11f: {  	[sflag:s30] =	ssyncadd.s32 $0xFFFFE000  }
.LBB2_10:
0x120: {  	s0 =	simm.s32 $0x0  }
0x121: {  	s3 =	sand.u32 $0x70, s0;
	s6 =	sand.u32 $0xC00, s0  }
0x122: {  	s9 =	simm.s32 $0x0;
	s6 =	sor.u32 s3, s6  }
0x123: {  	v2 =	vor.u32 s9, v0;
	v1 =	vld [tilespmem:s6+$0x4000];
	_ =	sdelay $0x4  }
0x124: {  	s15 =	simm.s32 $0x1;
	[tilespmem:v2+s31+$0x0] =	vst.idx.msk $0xffff, v1  }
0x125: {  	v2 =	vor.u32 s15, v0;
	v1 =	vld [tilespmem:s6+$0x4080];
	_ =	sdelay $0x4  }
0x126: {  	s19 =	simm.s32 $0x2;
	[tilespmem:v2+s31+$0x0] =	vst.idx.msk $0xffff, v1  }
0x127: {  	v2 =	vor.u32 s19, v0;
	v1 =	vld [tilespmem:s6+$0x4100];
	_ =	sdelay $0x4  }
0x128: {  	s8 =	simm.s32 $0x3;
	[tilespmem:v2+s31+$0x0] =	vst.idx.msk $0xffff, v1  }
0x129: {  	v2 =	vor.u32 s8, v0;
	v1 =	vld [tilespmem:s6+$0x4180];
	_ =	sdelay $0x4  }
0x12a: {  	s9 =	simm.s32 $0x4;
	[tilespmem:v2+s31+$0x0] =	vst.idx.msk $0xffff, v1  }
0x12b: {  	v2 =	vor.u32 s9, v0;
	v1 =	vld [tilespmem:s6+$0x4200];
	_ =	sdelay $0x4  }
0x12c: {  	s15 =	simm.s32 $0x5;
	[tilespmem:v2+s31+$0x0] =	vst.idx.msk $0xffff, v1  }
0x12d: {  	v2 =	vor.u32 s15, v0;
	v1 =	vld [tilespmem:s6+$0x4280];
	_ =	sdelay $0x4  }
0x12e: {  	s19 =	simm.s32 $0x6;
	[tilespmem:v2+s31+$0x0] =	vst.idx.msk $0xffff, v1  }
0x12f: {  	v2 =	vor.u32 s19, v0;
	v1 =	vld [tilespmem:s6+$0x4300];
	_ =	sdelay $0x3  }
0x130: {  	s0 =	sor.u32 s0, s0  }
0x131: {  	s0 =	sor.u32 $0x380, s0;
	s8 =	simm.s32 $0x7;
	[tilespmem:v2+s31+$0x0] =	vst.idx.msk $0xffff, v1  }
0x132: {  	v2 =	vor.u32 s8, v0;
	v1 =	vld [tilespmem:s0+$0x4000];
	_ =	sdelay $0x4  }
0x133: {  	s9 =	simm.s32 $0x8;
	[tilespmem:v2+s31+$0x0] =	vst.idx.msk $0xffff, v1  }
0x134: {  	v2 =	vor.u32 s9, v0;
	v1 =	vld [tilespmem:s6+$0x5000];
	_ =	sdelay $0x4  }
0x135: {  	s15 =	simm.s32 $0x9;
	[tilespmem:v2+s31+$0x0] =	vst.idx.msk $0xffff, v1  }
0x136: {  	v2 =	vor.u32 s15, v0;
	v1 =	vld [tilespmem:s6+$0x5080];
	_ =	sdelay $0x4  }
0x137: {  	s19 =	simm.s32 $0xA;
	[tilespmem:v2+s31+$0x0] =	vst.idx.msk $0xffff, v1  }
0x138: {  	v2 =	vor.u32 s19, v0;
	v1 =	vld [tilespmem:s6+$0x5100];
	_ =	sdelay $0x4  }
0x139: {  	s3 =	simm.s32 $0xB;
	[tilespmem:v2+s31+$0x0] =	vst.idx.msk $0xffff, v1  }
0x13a: {  	v2 =	vor.u32 s3, v0;
	v1 =	vld [tilespmem:s6+$0x5180];
	_ =	sdelay $0x4  }
0x13b: {  	s8 =	simm.s32 $0xC;
	[tilespmem:v2+s31+$0x0] =	vst.idx.msk $0xffff, v1  }
0x13c: {  	v2 =	vor.u32 s8, v0;
	v1 =	vld [tilespmem:s6+$0x5200];
	_ =	sdelay $0x4  }
0x13d: {  	s9 =	simm.s32 $0xD;
	[tilespmem:v2+s31+$0x0] =	vst.idx.msk $0xffff, v1  }
0x13e: {  	v2 =	vor.u32 s9, v0;
	v1 =	vld [tilespmem:s6+$0x5280];
	_ =	sdelay $0x4  }
0x13f: {  	s15 =	simm.s32 $0xE;
	[tilespmem:v2+s31+$0x0] =	vst.idx.msk $0xffff, v1  }
0x140: {  	v2 =	vor.u32 s15, v0;
	v1 =	vld [tilespmem:s6+$0x5300];
	_ =	sdelay $0x4  }
0x141: {  	s19 =	simm.s32 $0xF;
	[tilespmem:v2+s31+$0x0] =	vst.idx.msk $0xffff, v1  }
0x142: {  	v2 =	vor.u32 s19, v0;
	v1 =	vld [tilespmem:s6+$0x5380];
	_ =	sdelay $0x2  }
0x143: {  	s8 =	simm.s32 $0x10F;
	s9 =	simm.s32 $0x80;
	s15 =	simm.s32 $0x10  }
0x144: {  	s0 =	sand.u32 $0xC00, s9;
	s19 =	simm.s32 $0x20F;
	s6 =	sand.u32 $0x70, s15  }
.LBB2_11:
0x145: {  	p2 =	sne.s32 s19, $0x1F0F;
	s6 =	sor.u32 s6, s0;
	s0 =	sadd.s32 $0xFFFFFFF1, s8;
	[tilespmem:v2+s31+$0x0] =	vst.idx.msk $0xffff, v1  }
0x146: {  	v1 =	vld [tilespmem:s6+$0x4000];
	v2 =	vor.u32 s0, v0;
	_ =	sdelay $0x4  }
0x147: {  	s0 =	sadd.s32 $0xFFFFFFF2, s8;
	[tilespmem:v2+s31+$0x0] =	vst.idx.msk $0xffff, v1  }
0x148: {  	v2 =	vor.u32 s0, v0;
	v1 =	vld [tilespmem:s6+$0x4080];
	_ =	sdelay $0x4  }
0x149: {  	s0 =	sadd.s32 $0xFFFFFFF3, s8;
	[tilespmem:v2+s31+$0x0] =	vst.idx.msk $0xffff, v1  }
0x14a: {  	v2 =	vor.u32 s0, v0;
	v1 =	vld [tilespmem:s6+$0x4100];
	_ =	sdelay $0x4  }
0x14b: {  	s0 =	sadd.s32 $0xFFFFFFF4, s8;
	[tilespmem:v2+s31+$0x0] =	vst.idx.msk $0xffff, v1  }
0x14c: {  	v2 =	vor.u32 s0, v0;
	v1 =	vld [tilespmem:s6+$0x4180];
	_ =	sdelay $0x4  }
0x14d: {  	s0 =	sadd.s32 $0xFFFFFFF5, s8;
	[tilespmem:v2+s31+$0x0] =	vst.idx.msk $0xffff, v1  }
0x14e: {  	v2 =	vor.u32 s0, v0;
	v1 =	vld [tilespmem:s6+$0x4200];
	_ =	sdelay $0x4  }
0x14f: {  	s0 =	sadd.s32 $0xFFFFFFF6, s8;
	[tilespmem:v2+s31+$0x0] =	vst.idx.msk $0xffff, v1  }
0x150: {  	v2 =	vor.u32 s0, v0;
	v1 =	vld [tilespmem:s6+$0x4280];
	_ =	sdelay $0x4  }
0x151: {  	s0 =	sadd.s32 $0xFFFFFFF7, s8;
	[tilespmem:v2+s31+$0x0] =	vst.idx.msk $0xffff, v1  }
0x152: {  	v2 =	vor.u32 s0, v0;
	v1 =	vld [tilespmem:s6+$0x4300];
	_ =	sdelay $0x3  }
0x153: {  	s0 =	sor.u32 s9, s15  }
0x154: {  	s3 =	sadd.s32 $0xFFFFFFF8, s8;
	s0 =	sor.u32 $0x380, s0;
	[tilespmem:v2+s31+$0x0] =	vst.idx.msk $0xffff, v1  }
0x155: {  	v2 =	vor.u32 s3, v0;
	v1 =	vld [tilespmem:s0+$0x4000];
	_ =	sdelay $0x4  }
0x156: {  	s0 =	sadd.s32 $0xFFFFFFF9, s8;
	[tilespmem:v2+s31+$0x0] =	vst.idx.msk $0xffff, v1  }
0x157: {  	v2 =	vor.u32 s0, v0;
	v1 =	vld [tilespmem:s6+$0x5000];
	_ =	sdelay $0x4  }
0x158: {  	s0 =	sadd.s32 $0xFFFFFFFA, s8;
	[tilespmem:v2+s31+$0x0] =	vst.idx.msk $0xffff, v1  }
0x159: {  	v2 =	vor.u32 s0, v0;
	v1 =	vld [tilespmem:s6+$0x5080];
	_ =	sdelay $0x4  }
0x15a: {  	s0 =	sadd.s32 $0xFFFFFFFB, s8;
	[tilespmem:v2+s31+$0x0] =	vst.idx.msk $0xffff, v1  }
0x15b: {  	v2 =	vor.u32 s0, v0;
	v1 =	vld [tilespmem:s6+$0x5100];
	_ =	sdelay $0x4  }
0x15c: {  	s0 =	sadd.s32 $0xFFFFFFFC, s8;
	[tilespmem:v2+s31+$0x0] =	vst.idx.msk $0xffff, v1  }
0x15d: {  	v2 =	vor.u32 s0, v0;
	v1 =	vld [tilespmem:s6+$0x5180];
	_ =	sdelay $0x4  }
0x15e: {  	s0 =	sadd.s32 $0xFFFFFFFD, s8;
	[tilespmem:v2+s31+$0x0] =	vst.idx.msk $0xffff, v1  }
0x15f: {  	v2 =	vor.u32 s0, v0;
	v1 =	vld [tilespmem:s6+$0x5200];
	_ =	sdelay $0x4  }
0x160: {  	s0 =	sadd.s32 $0xFFFFFFFE, s8;
	[tilespmem:v2+s31+$0x0] =	vst.idx.msk $0xffff, v1  }
0x161: {  	v2 =	vor.u32 s0, v0;
	v1 =	vld [tilespmem:s6+$0x5280];
	_ =	sdelay $0x4  }
0x162: {  	s0 =	sadd.s32 $0xFFFFFFFF, s8;
	[tilespmem:v2+s31+$0x0] =	vst.idx.msk $0xffff, v1  }
0x163: {  	v2 =	vor.u32 s0, v0;
	v1 =	vld [tilespmem:s6+$0x5300];
	_ =	sdelay $0x4  }
0x164: {  	[tilespmem:v2+s31+$0x0] =	vst.idx.msk $0xffff, v1  }
.Ltmp7:
0x165: {  	v2 =	vor.u32 s8, v0;
	s8 =	smov.u32 s19;
	v1 =	vld [tilespmem:s6+$0x5380];
	(pc) =	sbr.rel @p2 .LBB2_11-.Ltmp7, $3  }
0x166: {  	_ =	sdelay $0x1  }
0x167: {  	s9 =	sadd.s32 $0x80, s9;
	s15 =	sadd.s32 $0x10, s15  }
0x168: {  	s0 =	sand.u32 $0xC00, s9;
	s19 =	sadd.s32 $0x100, s19;
	s6 =	sand.u32 $0x70, s15  }
0x169: {  	_ =	sdelay $0x3  }
0x16a: {  	s6 =	sor.u32 s6, s0;
	s3 =	sadd.s32 $0xFFFFFFF1, s8;
	[tilespmem:v2+s31+$0x0] =	vst.idx.msk $0xffff, v1  }
0x16b: {  	v1 =	vld [tilespmem:s6+$0x4000];
	v2 =	vor.u32 s3, v0;
	_ =	sdelay $0x4  }
0x16c: {  	s19 =	sadd.s32 $0xFFFFFFF2, s8;
	[tilespmem:v2+s31+$0x0] =	vst.idx.msk $0xffff, v1  }
0x16d: {  	v2 =	vor.u32 s19, v0;
	v1 =	vld [tilespmem:s6+$0x4080];
	_ =	sdelay $0x4  }
0x16e: {  	s3 =	sadd.s32 $0xFFFFFFF3, s8;
	[tilespmem:v2+s31+$0x0] =	vst.idx.msk $0xffff, v1  }
0x16f: {  	v2 =	vor.u32 s3, v0;
	v1 =	vld [tilespmem:s6+$0x4100];
	_ =	sdelay $0x4  }
0x170: {  	s19 =	sadd.s32 $0xFFFFFFF4, s8;
	[tilespmem:v2+s31+$0x0] =	vst.idx.msk $0xffff, v1  }
0x171: {  	v2 =	vor.u32 s19, v0;
	v1 =	vld [tilespmem:s6+$0x4180];
	_ =	sdelay $0x4  }
0x172: {  	s3 =	sadd.s32 $0xFFFFFFF5, s8;
	[tilespmem:v2+s31+$0x0] =	vst.idx.msk $0xffff, v1  }
0x173: {  	v2 =	vor.u32 s3, v0;
	v1 =	vld [tilespmem:s6+$0x4200];
	_ =	sdelay $0x4  }
0x174: {  	s19 =	sadd.s32 $0xFFFFFFF6, s8;
	[tilespmem:v2+s31+$0x0] =	vst.idx.msk $0xffff, v1  }
0x175: {  	v2 =	vor.u32 s19, v0;
	v1 =	vld [tilespmem:s6+$0x4280];
	_ =	sdelay $0x4  }
0x176: {  	s3 =	sadd.s32 $0xFFFFFFF7, s8;
	[tilespmem:v2+s31+$0x0] =	vst.idx.msk $0xffff, v1  }
0x177: {  	v2 =	vor.u32 s3, v0;
	v1 =	vld [tilespmem:s6+$0x4300];
	_ =	sdelay $0x3  }
0x178: {  	s19 =	sor.u32 s9, s15  }
0x179: {  	s0 =	sor.u32 $0x380, s19;
	s3 =	sadd.s32 $0xFFFFFFF8, s8;
	[tilespmem:v2+s31+$0x0] =	vst.idx.msk $0xffff, v1  }
0x17a: {  	v2 =	vor.u32 s3, v0;
	v1 =	vld [tilespmem:s0+$0x4000];
	_ =	sdelay $0x4  }
0x17b: {  	s3 =	sadd.s32 $0xFFFFFFF9, s8;
	[tilespmem:v2+s31+$0x0] =	vst.idx.msk $0xffff, v1  }
0x17c: {  	v2 =	vor.u32 s3, v0;
	v1 =	vld [tilespmem:s6+$0x5000];
	_ =	sdelay $0x4  }
0x17d: {  	s9 =	sadd.s32 $0xFFFFFFFA, s8;
	[tilespmem:v2+s31+$0x0] =	vst.idx.msk $0xffff, v1  }
0x17e: {  	v2 =	vor.u32 s9, v0;
	v1 =	vld [tilespmem:s6+$0x5080];
	_ =	sdelay $0x4  }
0x17f: {  	s15 =	sadd.s32 $0xFFFFFFFB, s8;
	[tilespmem:v2+s31+$0x0] =	vst.idx.msk $0xffff, v1  }
0x180: {  	v2 =	vor.u32 s15, v0;
	v1 =	vld [tilespmem:s6+$0x5100];
	_ =	sdelay $0x4  }
0x181: {  	s19 =	sadd.s32 $0xFFFFFFFC, s8;
	[tilespmem:v2+s31+$0x0] =	vst.idx.msk $0xffff, v1  }
0x182: {  	v2 =	vor.u32 s19, v0;
	v1 =	vld [tilespmem:s6+$0x5180];
	_ =	sdelay $0x4  }
0x183: {  	s3 =	sadd.s32 $0xFFFFFFFD, s8;
	[tilespmem:v2+s31+$0x0] =	vst.idx.msk $0xffff, v1  }
0x184: {  	v2 =	vor.u32 s3, v0;
	v1 =	vld [tilespmem:s6+$0x5200];
	_ =	sdelay $0x4  }
0x185: {  	s9 =	sadd.s32 $0xFFFFFFFE, s8;
	[tilespmem:v2+s31+$0x0] =	vst.idx.msk $0xffff, v1  }
0x186: {  	v2 =	vor.u32 s9, v0;
	v1 =	vld [tilespmem:s6+$0x5280];
	_ =	sdelay $0x4  }
0x187: {  	s15 =	sadd.s32 $0xFFFFFFFF, s8;
	[tilespmem:v2+s31+$0x0] =	vst.idx.msk $0xffff, v1  }
0x188: {  	v2 =	vor.u32 s15, v0;
	v1 =	vld [tilespmem:s6+$0x5300];
	_ =	sdelay $0x4  }
0x189: {  	[tilespmem:v2+s31+$0x0] =	vst.idx.msk $0xffff, v1  }
0x18a: {  	v2 =	vor.u32 s8, v0;
	v1 =	vld [tilespmem:s6+$0x5380]  }
0x18b: {  	p2 =	seq.s32 s17, $0x13  }
.Ltmp8:
0x18c: {  	_ = 	snop;
	(pc) =	sbr.rel @p2 .LBB2_14-.Ltmp8, $4  }
0x18d: {  	s19 =	sadd.s32 s13, s18  }
0x18e: {  	s0 =	sshll.u32 s19, $0xA  }
0x18f: {  	s0 =	sadd.s32 s7, s0;
	[tilespmem:v2+s31+$0x0] =	vst.idx.msk $0xffff, v1  }
0x190: {  	[hbm4b:s0+s4] =	stream.linear.scatter [tilespmem:s31], [sflag:$0x6], $0x2000, $0x38;
	[tilespmem:$0xC000] =	vst v63  }
.Ltmp9:
0x191: {  	(pc) =	sbr.rel .LBB2_2-.Ltmp9, $4  }
0x192: {  	s0 =	sadd.s32 s14, s18  }
0x193: {  	s0 =	sshll.u32 s0, $0x9  }
0x194: {  	s17 =	sadd.s32 $0x1, s17;
	s0 =	sadd.s32 s1, s0  }
0x195: {  	[tilespmem:s23], [sflag:$0x3] =	stream.strided.gather [hbm4b:s0+s20], $0x2000, s21, s20, $0x38;
	[tilespmem:$0xC000] =	vst v63  }
.LBB2_14:
0x196: {  	_ =	swait.ge [sflag:s24], $0x2000  }
0x197: {  	[sflag:s24] =	ssyncset.done $0x0  }
0x198: {  	[sflag:s24] =	ssyncadd.s32 $0xFFFFE000  }
0x199: {  	s0 =	simm.s32 $0x0;
	_ =	swait.ge [sflag:s2], $0x2000  }
0x19a: {  	s3 =	sand.u32 $0x70, s0;
	s6 =	sand.u32 $0xC00, s0;
	[sflag:s2] =	ssyncset.done $0x0  }
0x19b: {  	s17 =	simm.s32 $0x0;
	s6 =	sor.u32 s3, s6;
	[sflag:s2] =	ssyncadd.s32 $0xFFFFE000  }
0x19c: {  	v2 =	vor.u32 s17, v0;
	v1 =	vld [tilespmem:s6+$0x0];
	_ =	sdelay $0x4  }
0x19d: {  	s18 =	simm.s32 $0x1;
	[tilespmem:v2+s25+$0x0] =	vst.idx.msk $0xffff, v1  }
0x19e: {  	v2 =	vor.u32 s18, v0;
	v1 =	vld [tilespmem:s6+$0x80];
	_ =	sdelay $0x4  }
0x19f: {  	s19 =	simm.s32 $0x2;
	[tilespmem:v2+s25+$0x0] =	vst.idx.msk $0xffff, v1  }
0x1a0: {  	v2 =	vor.u32 s19, v0;
	v1 =	vld [tilespmem:s6+$0x100];
	_ =	sdelay $0x4  }
0x1a1: {  	s8 =	simm.s32 $0x3;
	[tilespmem:v2+s25+$0x0] =	vst.idx.msk $0xffff, v1  }
0x1a2: {  	v2 =	vor.u32 s8, v0;
	v1 =	vld [tilespmem:s6+$0x180];
	_ =	sdelay $0x4  }
0x1a3: {  	s9 =	simm.s32 $0x4;
	[tilespmem:v2+s25+$0x0] =	vst.idx.msk $0xffff, v1  }
0x1a4: {  	v2 =	vor.u32 s9, v0;
	v1 =	vld [tilespmem:s6+$0x200];
	_ =	sdelay $0x4  }
0x1a5: {  	s15 =	simm.s32 $0x5;
	[tilespmem:v2+s25+$0x0] =	vst.idx.msk $0xffff, v1  }
0x1a6: {  	v2 =	vor.u32 s15, v0;
	v1 =	vld [tilespmem:s6+$0x280];
	_ =	sdelay $0x4  }
0x1a7: {  	s17 =	simm.s32 $0x6;
	[tilespmem:v2+s25+$0x0] =	vst.idx.msk $0xffff, v1  }
0x1a8: {  	v2 =	vor.u32 s17, v0;
	v1 =	vld [tilespmem:s6+$0x300];
	_ =	sdelay $0x3  }
0x1a9: {  	s0 =	sor.u32 s0, s0  }
0x1aa: {  	s0 =	sor.u32 $0x380, s0;
	s18 =	simm.s32 $0x7;
	[tilespmem:v2+s25+$0x0] =	vst.idx.msk $0xffff, v1  }
0x1ab: {  	v2 =	vor.u32 s18, v0;
	v1 =	vld [tilespmem:s0+$0x0];
	_ =	sdelay $0x4  }
0x1ac: {  	s19 =	simm.s32 $0x8;
	[tilespmem:v2+s25+$0x0] =	vst.idx.msk $0xffff, v1  }
0x1ad: {  	v2 =	vor.u32 s19, v0;
	v1 =	vld [tilespmem:s6+$0x1000];
	_ =	sdelay $0x4  }
0x1ae: {  	s3 =	simm.s32 $0x9;
	[tilespmem:v2+s25+$0x0] =	vst.idx.msk $0xffff, v1  }
0x1af: {  	v2 =	vor.u32 s3, v0;
	v1 =	vld [tilespmem:s6+$0x1080];
	_ =	sdelay $0x4  }
0x1b0: {  	s8 =	simm.s32 $0xA;
	[tilespmem:v2+s25+$0x0] =	vst.idx.msk $0xffff, v1  }
0x1b1: {  	v2 =	vor.u32 s8, v0;
	v1 =	vld [tilespmem:s6+$0x1100];
	_ =	sdelay $0x4  }
0x1b2: {  	s9 =	simm.s32 $0xB;
	[tilespmem:v2+s25+$0x0] =	vst.idx.msk $0xffff, v1  }
0x1b3: {  	v2 =	vor.u32 s9, v0;
	v1 =	vld [tilespmem:s6+$0x1180];
	_ =	sdelay $0x4  }
0x1b4: {  	s15 =	simm.s32 $0xC;
	[tilespmem:v2+s25+$0x0] =	vst.idx.msk $0xffff, v1  }
0x1b5: {  	v2 =	vor.u32 s15, v0;
	v1 =	vld [tilespmem:s6+$0x1200];
	_ =	sdelay $0x4  }
0x1b6: {  	s17 =	simm.s32 $0xD;
	[tilespmem:v2+s25+$0x0] =	vst.idx.msk $0xffff, v1  }
0x1b7: {  	v2 =	vor.u32 s17, v0;
	v1 =	vld [tilespmem:s6+$0x1280];
	_ =	sdelay $0x4  }
0x1b8: {  	s18 =	simm.s32 $0xE;
	[tilespmem:v2+s25+$0x0] =	vst.idx.msk $0xffff, v1  }
0x1b9: {  	v2 =	vor.u32 s18, v0;
	v1 =	vld [tilespmem:s6+$0x1300];
	_ =	sdelay $0x4  }
0x1ba: {  	s19 =	simm.s32 $0xF;
	[tilespmem:v2+s25+$0x0] =	vst.idx.msk $0xffff, v1  }
0x1bb: {  	v2 =	vor.u32 s19, v0;
	v1 =	vld [tilespmem:s6+$0x1380];
	_ =	sdelay $0x2  }
0x1bc: {  	s8 =	simm.s32 $0x10F;
	s9 =	simm.s32 $0x80;
	s15 =	simm.s32 $0x10  }
0x1bd: {  	s0 =	sand.u32 $0xC00, s9;
	s17 =	simm.s32 $0x20F;
	s6 =	sand.u32 $0x70, s15  }
.LBB2_15:
0x1be: {  	p2 =	sne.s32 s17, $0x1F0F;
	s6 =	sor.u32 s6, s0;
	s0 =	sadd.s32 $0xFFFFFFF1, s8;
	[tilespmem:v2+s25+$0x0] =	vst.idx.msk $0xffff, v1  }
0x1bf: {  	v1 =	vld [tilespmem:s6+$0x0];
	v2 =	vor.u32 s0, v0;
	_ =	sdelay $0x4  }
0x1c0: {  	s0 =	sadd.s32 $0xFFFFFFF2, s8;
	[tilespmem:v2+s25+$0x0] =	vst.idx.msk $0xffff, v1  }
0x1c1: {  	v2 =	vor.u32 s0, v0;
	v1 =	vld [tilespmem:s6+$0x80];
	_ =	sdelay $0x4  }
0x1c2: {  	s0 =	sadd.s32 $0xFFFFFFF3, s8;
	[tilespmem:v2+s25+$0x0] =	vst.idx.msk $0xffff, v1  }
0x1c3: {  	v2 =	vor.u32 s0, v0;
	v1 =	vld [tilespmem:s6+$0x100];
	_ =	sdelay $0x4  }
0x1c4: {  	s0 =	sadd.s32 $0xFFFFFFF4, s8;
	[tilespmem:v2+s25+$0x0] =	vst.idx.msk $0xffff, v1  }
0x1c5: {  	v2 =	vor.u32 s0, v0;
	v1 =	vld [tilespmem:s6+$0x180];
	_ =	sdelay $0x4  }
0x1c6: {  	s0 =	sadd.s32 $0xFFFFFFF5, s8;
	[tilespmem:v2+s25+$0x0] =	vst.idx.msk $0xffff, v1  }
0x1c7: {  	v2 =	vor.u32 s0, v0;
	v1 =	vld [tilespmem:s6+$0x200];
	_ =	sdelay $0x4  }
0x1c8: {  	s0 =	sadd.s32 $0xFFFFFFF6, s8;
	[tilespmem:v2+s25+$0x0] =	vst.idx.msk $0xffff, v1  }
0x1c9: {  	v2 =	vor.u32 s0, v0;
	v1 =	vld [tilespmem:s6+$0x280];
	_ =	sdelay $0x4  }
0x1ca: {  	s0 =	sadd.s32 $0xFFFFFFF7, s8;
	[tilespmem:v2+s25+$0x0] =	vst.idx.msk $0xffff, v1  }
0x1cb: {  	v2 =	vor.u32 s0, v0;
	v1 =	vld [tilespmem:s6+$0x300];
	_ =	sdelay $0x3  }
0x1cc: {  	s0 =	sor.u32 s9, s15  }
0x1cd: {  	s3 =	sadd.s32 $0xFFFFFFF8, s8;
	s0 =	sor.u32 $0x380, s0;
	[tilespmem:v2+s25+$0x0] =	vst.idx.msk $0xffff, v1  }
0x1ce: {  	v2 =	vor.u32 s3, v0;
	v1 =	vld [tilespmem:s0+$0x0];
	_ =	sdelay $0x4  }
0x1cf: {  	s0 =	sadd.s32 $0xFFFFFFF9, s8;
	[tilespmem:v2+s25+$0x0] =	vst.idx.msk $0xffff, v1  }
0x1d0: {  	v2 =	vor.u32 s0, v0;
	v1 =	vld [tilespmem:s6+$0x1000];
	_ =	sdelay $0x4  }
0x1d1: {  	s0 =	sadd.s32 $0xFFFFFFFA, s8;
	[tilespmem:v2+s25+$0x0] =	vst.idx.msk $0xffff, v1  }
0x1d2: {  	v2 =	vor.u32 s0, v0;
	v1 =	vld [tilespmem:s6+$0x1080];
	_ =	sdelay $0x4  }
0x1d3: {  	s0 =	sadd.s32 $0xFFFFFFFB, s8;
	[tilespmem:v2+s25+$0x0] =	vst.idx.msk $0xffff, v1  }
0x1d4: {  	v2 =	vor.u32 s0, v0;
	v1 =	vld [tilespmem:s6+$0x1100];
	_ =	sdelay $0x4  }
0x1d5: {  	s0 =	sadd.s32 $0xFFFFFFFC, s8;
	[tilespmem:v2+s25+$0x0] =	vst.idx.msk $0xffff, v1  }
0x1d6: {  	v2 =	vor.u32 s0, v0;
	v1 =	vld [tilespmem:s6+$0x1180];
	_ =	sdelay $0x4  }
0x1d7: {  	s0 =	sadd.s32 $0xFFFFFFFD, s8;
	[tilespmem:v2+s25+$0x0] =	vst.idx.msk $0xffff, v1  }
0x1d8: {  	v2 =	vor.u32 s0, v0;
	v1 =	vld [tilespmem:s6+$0x1200];
	_ =	sdelay $0x4  }
0x1d9: {  	s0 =	sadd.s32 $0xFFFFFFFE, s8;
	[tilespmem:v2+s25+$0x0] =	vst.idx.msk $0xffff, v1  }
0x1da: {  	v2 =	vor.u32 s0, v0;
	v1 =	vld [tilespmem:s6+$0x1280];
	_ =	sdelay $0x4  }
0x1db: {  	s0 =	sadd.s32 $0xFFFFFFFF, s8;
	[tilespmem:v2+s25+$0x0] =	vst.idx.msk $0xffff, v1  }
0x1dc: {  	v2 =	vor.u32 s0, v0;
	v1 =	vld [tilespmem:s6+$0x1300];
	_ =	sdelay $0x4  }
0x1dd: {  	[tilespmem:v2+s25+$0x0] =	vst.idx.msk $0xffff, v1  }
.Ltmp10:
0x1de: {  	v2 =	vor.u32 s8, v0;
	s8 =	smov.u32 s17;
	v1 =	vld [tilespmem:s6+$0x1380];
	(pc) =	sbr.rel @p2 .LBB2_15-.Ltmp10, $3  }
0x1df: {  	_ =	sdelay $0x1  }
0x1e0: {  	s9 =	sadd.s32 $0x80, s9;
	s15 =	sadd.s32 $0x10, s15  }
0x1e1: {  	s0 =	sand.u32 $0xC00, s9;
	s17 =	sadd.s32 $0x100, s17;
	s6 =	sand.u32 $0x70, s15  }
0x1e2: {  	_ =	sdelay $0x3  }
0x1e3: {  	s6 =	sor.u32 s6, s0;
	s18 =	sadd.s32 $0xFFFFFFF1, s8;
	[tilespmem:v2+s25+$0x0] =	vst.idx.msk $0xffff, v1  }
0x1e4: {  	v1 =	vld [tilespmem:s6+$0x0];
	v2 =	vor.u32 s18, v0;
	_ =	sdelay $0x4  }
0x1e5: {  	s19 =	sadd.s32 $0xFFFFFFF2, s8;
	[tilespmem:v2+s25+$0x0] =	vst.idx.msk $0xffff, v1  }
0x1e6: {  	v2 =	vor.u32 s19, v0;
	v1 =	vld [tilespmem:s6+$0x80];
	_ =	sdelay $0x4  }
0x1e7: {  	s3 =	sadd.s32 $0xFFFFFFF3, s8;
	[tilespmem:v2+s25+$0x0] =	vst.idx.msk $0xffff, v1  }
0x1e8: {  	v2 =	vor.u32 s3, v0;
	v1 =	vld [tilespmem:s6+$0x100];
	_ =	sdelay $0x4  }
0x1e9: {  	s17 =	sadd.s32 $0xFFFFFFF4, s8;
	[tilespmem:v2+s25+$0x0] =	vst.idx.msk $0xffff, v1  }
0x1ea: {  	v2 =	vor.u32 s17, v0;
	v1 =	vld [tilespmem:s6+$0x180];
	_ =	sdelay $0x4  }
0x1eb: {  	s18 =	sadd.s32 $0xFFFFFFF5, s8;
	[tilespmem:v2+s25+$0x0] =	vst.idx.msk $0xffff, v1  }
0x1ec: {  	v2 =	vor.u32 s18, v0;
	v1 =	vld [tilespmem:s6+$0x200];
	_ =	sdelay $0x4  }
0x1ed: {  	s19 =	sadd.s32 $0xFFFFFFF6, s8;
	[tilespmem:v2+s25+$0x0] =	vst.idx.msk $0xffff, v1  }
0x1ee: {  	v2 =	vor.u32 s19, v0;
	v1 =	vld [tilespmem:s6+$0x280];
	_ =	sdelay $0x4  }
0x1ef: {  	s3 =	sadd.s32 $0xFFFFFFF7, s8;
	[tilespmem:v2+s25+$0x0] =	vst.idx.msk $0xffff, v1  }
0x1f0: {  	v2 =	vor.u32 s3, v0;
	v1 =	vld [tilespmem:s6+$0x300];
	_ =	sdelay $0x3  }
0x1f1: {  	s15 =	sor.u32 s9, s15  }
0x1f2: {  	s0 =	sor.u32 $0x380, s15;
	s3 =	sadd.s32 $0xFFFFFFF8, s8;
	[tilespmem:v2+s25+$0x0] =	vst.idx.msk $0xffff, v1  }
0x1f3: {  	v2 =	vor.u32 s3, v0;
	v1 =	vld [tilespmem:s0+$0x0];
	_ =	sdelay $0x4  }
0x1f4: {  	s17 =	sadd.s32 $0xFFFFFFF9, s8;
	[tilespmem:v2+s25+$0x0] =	vst.idx.msk $0xffff, v1  }
0x1f5: {  	v2 =	vor.u32 s17, v0;
	v1 =	vld [tilespmem:s6+$0x1000];
	_ =	sdelay $0x4  }
0x1f6: {  	s18 =	sadd.s32 $0xFFFFFFFA, s8;
	[tilespmem:v2+s25+$0x0] =	vst.idx.msk $0xffff, v1  }
0x1f7: {  	v2 =	vor.u32 s18, v0;
	v1 =	vld [tilespmem:s6+$0x1080];
	_ =	sdelay $0x4  }
0x1f8: {  	s19 =	sadd.s32 $0xFFFFFFFB, s8;
	[tilespmem:v2+s25+$0x0] =	vst.idx.msk $0xffff, v1  }
0x1f9: {  	v2 =	vor.u32 s19, v0;
	v1 =	vld [tilespmem:s6+$0x1100];
	_ =	sdelay $0x4  }
0x1fa: {  	s3 =	sadd.s32 $0xFFFFFFFC, s8;
	[tilespmem:v2+s25+$0x0] =	vst.idx.msk $0xffff, v1  }
0x1fb: {  	v2 =	vor.u32 s3, v0;
	v1 =	vld [tilespmem:s6+$0x1180];
	_ =	sdelay $0x4  }
0x1fc: {  	s9 =	sadd.s32 $0xFFFFFFFD, s8;
	[tilespmem:v2+s25+$0x0] =	vst.idx.msk $0xffff, v1  }
0x1fd: {  	v2 =	vor.u32 s9, v0;
	v1 =	vld [tilespmem:s6+$0x1200];
	_ =	sdelay $0x4  }
0x1fe: {  	s15 =	sadd.s32 $0xFFFFFFFE, s8;
	[tilespmem:v2+s25+$0x0] =	vst.idx.msk $0xffff, v1  }
0x1ff: {  	v2 =	vor.u32 s15, v0;
	v1 =	vld [tilespmem:s6+$0x1280];
	_ =	sdelay $0x4  }
0x200: {  	s17 =	sadd.s32 $0xFFFFFFFF, s8;
	[tilespmem:v2+s25+$0x0] =	vst.idx.msk $0xffff, v1  }
0x201: {  	v2 =	vor.u32 s17, v0;
	v1 =	vld [tilespmem:s6+$0x1300];
	_ =	sdelay $0x4  }
0x202: {  	[tilespmem:v2+s25+$0x0] =	vst.idx.msk $0xffff, v1  }
0x203: {  	v2 =	vor.u32 s8, v0;
	v1 =	vld [tilespmem:s6+$0x1380];
	_ =	sdelay $0x4  }
0x204: {  	s18 =	rddreg [dreg:$0x7];
	[tilespmem:v2+s25+$0x0] =	vst.idx.msk $0xffff, v1  }
0x205: {  	[hbm4b:s18+s4] =	stream.linear.scatter [tilespmem:s25], [sflag:$0x4], $0x2000, $0x38;
	[tilespmem:$0xC000] =	vst v63  }
0x206: {  	_ =	swait.ge [sflag:s2], $0x2000  }
0x207: {  	[sflag:s2] =	ssyncset.done $0x0  }
0x208: {  	s19 =	simm.s32 $0x5;
	[sflag:s2] =	ssyncadd.s32 $0xFFFFE000  }
0x209: {  	_ =	swait.ge [sflag:s19], $0x2000  }
.Ltmp11:
0x20a: {  	[sflag:s19] =	ssyncset.done $0x0;
	(pc) =	sbr.rel @p0 .LBB2_21-.Ltmp11, $4  }
0x20b: {  	[sflag:s19] =	ssyncadd.s32 $0xFFFFE000  }
0x20c: {  	_ =	swait.ge [sflag:s30], $0x2000  }
0x20d: {  	[sflag:s30] =	ssyncset.done $0x0  }
0x20e: {  	[sflag:s30] =	ssyncadd.s32 $0xFFFFE000  }
.Ltmp12:
0x20f: {  	(pc) =	sbr.rel @p1 .LBB2_22-.Ltmp12, $1  }
0x210: {  	_ =	sdelay $0x3  }
0x211: {  	s0 =	simm.s32 $0x0;
	s3 =	rddreg [dreg:$0x9];
	s8 =	simm.s32 $0x7  }
0x212: {  	[tilespmem:s0], [sflag:$0x7] =	stream.strided.gather [hbm4b:s3+s20], $0x2000, s21, s20, $0x38;
	[tilespmem:$0xC000] =	vst v63  }
0x213: {  	_ =	swait.ge [sflag:s8], $0x2000  }
0x214: {  	s15 =	sand.u32 $0x70, s0;
	s6 =	sand.u32 $0xC00, s0;
	[sflag:s8] =	ssyncset.done $0x0  }
0x215: {  	s17 =	simm.s32 $0x0;
	s6 =	sor.u32 s15, s6;
	[sflag:s8] =	ssyncadd.s32 $0xFFFFE000  }
0x216: {  	v2 =	vor.u32 s17, v0;
	v1 =	vld [tilespmem:s6+$0x0];
	_ =	sdelay $0x4  }
0x217: {  	s18 =	simm.s32 $0x1;
	[tilespmem:v2+s25+$0x0] =	vst.idx.msk $0xffff, v1  }
0x218: {  	v2 =	vor.u32 s18, v0;
	v1 =	vld [tilespmem:s6+$0x80];
	_ =	sdelay $0x4  }
0x219: {  	s19 =	simm.s32 $0x2;
	[tilespmem:v2+s25+$0x0] =	vst.idx.msk $0xffff, v1  }
0x21a: {  	v2 =	vor.u32 s19, v0;
	v1 =	vld [tilespmem:s6+$0x100];
	_ =	sdelay $0x4  }
0x21b: {  	s8 =	simm.s32 $0x3;
	[tilespmem:v2+s25+$0x0] =	vst.idx.msk $0xffff, v1  }
0x21c: {  	v2 =	vor.u32 s8, v0;
	v1 =	vld [tilespmem:s6+$0x180];
	_ =	sdelay $0x4  }
0x21d: {  	s9 =	simm.s32 $0x4;
	[tilespmem:v2+s25+$0x0] =	vst.idx.msk $0xffff, v1  }
0x21e: {  	v2 =	vor.u32 s9, v0;
	v1 =	vld [tilespmem:s6+$0x200];
	_ =	sdelay $0x4  }
0x21f: {  	s15 =	simm.s32 $0x5;
	[tilespmem:v2+s25+$0x0] =	vst.idx.msk $0xffff, v1  }
0x220: {  	v2 =	vor.u32 s15, v0;
	v1 =	vld [tilespmem:s6+$0x280];
	_ =	sdelay $0x4  }
0x221: {  	s17 =	simm.s32 $0x6;
	[tilespmem:v2+s25+$0x0] =	vst.idx.msk $0xffff, v1  }
0x222: {  	v2 =	vor.u32 s17, v0;
	v1 =	vld [tilespmem:s6+$0x300];
	_ =	sdelay $0x3  }
0x223: {  	s0 =	sor.u32 s0, s0  }
0x224: {  	s0 =	sor.u32 $0x380, s0;
	s18 =	simm.s32 $0x7;
	[tilespmem:v2+s25+$0x0] =	vst.idx.msk $0xffff, v1  }
0x225: {  	v2 =	vor.u32 s18, v0;
	v1 =	vld [tilespmem:s0+$0x0];
	_ =	sdelay $0x4  }
0x226: {  	s19 =	simm.s32 $0x8;
	[tilespmem:v2+s25+$0x0] =	vst.idx.msk $0xffff, v1  }
0x227: {  	v2 =	vor.u32 s19, v0;
	v1 =	vld [tilespmem:s6+$0x1000];
	_ =	sdelay $0x4  }
0x228: {  	s3 =	simm.s32 $0x9;
	[tilespmem:v2+s25+$0x0] =	vst.idx.msk $0xffff, v1  }
0x229: {  	v2 =	vor.u32 s3, v0;
	v1 =	vld [tilespmem:s6+$0x1080];
	_ =	sdelay $0x4  }
0x22a: {  	s8 =	simm.s32 $0xA;
	[tilespmem:v2+s25+$0x0] =	vst.idx.msk $0xffff, v1  }
0x22b: {  	v2 =	vor.u32 s8, v0;
	v1 =	vld [tilespmem:s6+$0x1100];
	_ =	sdelay $0x4  }
0x22c: {  	s9 =	simm.s32 $0xB;
	[tilespmem:v2+s25+$0x0] =	vst.idx.msk $0xffff, v1  }
0x22d: {  	v2 =	vor.u32 s9, v0;
	v1 =	vld [tilespmem:s6+$0x1180];
	_ =	sdelay $0x4  }
0x22e: {  	s15 =	simm.s32 $0xC;
	[tilespmem:v2+s25+$0x0] =	vst.idx.msk $0xffff, v1  }
0x22f: {  	v2 =	vor.u32 s15, v0;
	v1 =	vld [tilespmem:s6+$0x1200];
	_ =	sdelay $0x4  }
0x230: {  	s17 =	simm.s32 $0xD;
	[tilespmem:v2+s25+$0x0] =	vst.idx.msk $0xffff, v1  }
0x231: {  	v2 =	vor.u32 s17, v0;
	v1 =	vld [tilespmem:s6+$0x1280];
	_ =	sdelay $0x4  }
0x232: {  	s18 =	simm.s32 $0xE;
	[tilespmem:v2+s25+$0x0] =	vst.idx.msk $0xffff, v1  }
0x233: {  	v2 =	vor.u32 s18, v0;
	v1 =	vld [tilespmem:s6+$0x1300];
	_ =	sdelay $0x4  }
0x234: {  	s19 =	simm.s32 $0xF;
	[tilespmem:v2+s25+$0x0] =	vst.idx.msk $0xffff, v1  }
0x235: {  	v2 =	vor.u32 s19, v0;
	v1 =	vld [tilespmem:s6+$0x1380];
	_ =	sdelay $0x2  }
0x236: {  	s8 =	simm.s32 $0x10F;
	s9 =	simm.s32 $0x80;
	s15 =	simm.s32 $0x10  }
0x237: {  	s0 =	sand.u32 $0xC00, s9;
	s17 =	simm.s32 $0x20F;
	s6 =	sand.u32 $0x70, s15  }
.LBB2_19:
0x238: {  	p2 =	sne.s32 s17, $0x1F0F;
	s6 =	sor.u32 s6, s0;
	s0 =	sadd.s32 $0xFFFFFFF1, s8;
	[tilespmem:v2+s25+$0x0] =	vst.idx.msk $0xffff, v1  }
0x239: {  	v1 =	vld [tilespmem:s6+$0x0];
	v2 =	vor.u32 s0, v0;
	_ =	sdelay $0x4  }
0x23a: {  	s0 =	sadd.s32 $0xFFFFFFF2, s8;
	[tilespmem:v2+s25+$0x0] =	vst.idx.msk $0xffff, v1  }
0x23b: {  	v2 =	vor.u32 s0, v0;
	v1 =	vld [tilespmem:s6+$0x80];
	_ =	sdelay $0x4  }
0x23c: {  	s0 =	sadd.s32 $0xFFFFFFF3, s8;
	[tilespmem:v2+s25+$0x0] =	vst.idx.msk $0xffff, v1  }
0x23d: {  	v2 =	vor.u32 s0, v0;
	v1 =	vld [tilespmem:s6+$0x100];
	_ =	sdelay $0x4  }
0x23e: {  	s0 =	sadd.s32 $0xFFFFFFF4, s8;
	[tilespmem:v2+s25+$0x0] =	vst.idx.msk $0xffff, v1  }
0x23f: {  	v2 =	vor.u32 s0, v0;
	v1 =	vld [tilespmem:s6+$0x180];
	_ =	sdelay $0x4  }
0x240: {  	s0 =	sadd.s32 $0xFFFFFFF5, s8;
	[tilespmem:v2+s25+$0x0] =	vst.idx.msk $0xffff, v1  }
0x241: {  	v2 =	vor.u32 s0, v0;
	v1 =	vld [tilespmem:s6+$0x200];
	_ =	sdelay $0x4  }
0x242: {  	s0 =	sadd.s32 $0xFFFFFFF6, s8;
	[tilespmem:v2+s25+$0x0] =	vst.idx.msk $0xffff, v1  }
0x243: {  	v2 =	vor.u32 s0, v0;
	v1 =	vld [tilespmem:s6+$0x280];
	_ =	sdelay $0x4  }
0x244: {  	s0 =	sadd.s32 $0xFFFFFFF7, s8;
	[tilespmem:v2+s25+$0x0] =	vst.idx.msk $0xffff, v1  }
0x245: {  	v2 =	vor.u32 s0, v0;
	v1 =	vld [tilespmem:s6+$0x300];
	_ =	sdelay $0x3  }
0x246: {  	s0 =	sor.u32 s9, s15  }
0x247: {  	s3 =	sadd.s32 $0xFFFFFFF8, s8;
	s0 =	sor.u32 $0x380, s0;
	[tilespmem:v2+s25+$0x0] =	vst.idx.msk $0xffff, v1  }
0x248: {  	v2 =	vor.u32 s3, v0;
	v1 =	vld [tilespmem:s0+$0x0];
	_ =	sdelay $0x4  }
0x249: {  	s0 =	sadd.s32 $0xFFFFFFF9, s8;
	[tilespmem:v2+s25+$0x0] =	vst.idx.msk $0xffff, v1  }
0x24a: {  	v2 =	vor.u32 s0, v0;
	v1 =	vld [tilespmem:s6+$0x1000];
	_ =	sdelay $0x4  }
0x24b: {  	s0 =	sadd.s32 $0xFFFFFFFA, s8;
	[tilespmem:v2+s25+$0x0] =	vst.idx.msk $0xffff, v1  }
0x24c: {  	v2 =	vor.u32 s0, v0;
	v1 =	vld [tilespmem:s6+$0x1080];
	_ =	sdelay $0x4  }
0x24d: {  	s0 =	sadd.s32 $0xFFFFFFFB, s8;
	[tilespmem:v2+s25+$0x0] =	vst.idx.msk $0xffff, v1  }
0x24e: {  	v2 =	vor.u32 s0, v0;
	v1 =	vld [tilespmem:s6+$0x1100];
	_ =	sdelay $0x4  }
0x24f: {  	s0 =	sadd.s32 $0xFFFFFFFC, s8;
	[tilespmem:v2+s25+$0x0] =	vst.idx.msk $0xffff, v1  }
0x250: {  	v2 =	vor.u32 s0, v0;
	v1 =	vld [tilespmem:s6+$0x1180];
	_ =	sdelay $0x4  }
0x251: {  	s0 =	sadd.s32 $0xFFFFFFFD, s8;
	[tilespmem:v2+s25+$0x0] =	vst.idx.msk $0xffff, v1  }
0x252: {  	v2 =	vor.u32 s0, v0;
	v1 =	vld [tilespmem:s6+$0x1200];
	_ =	sdelay $0x4  }
0x253: {  	s0 =	sadd.s32 $0xFFFFFFFE, s8;
	[tilespmem:v2+s25+$0x0] =	vst.idx.msk $0xffff, v1  }
0x254: {  	v2 =	vor.u32 s0, v0;
	v1 =	vld [tilespmem:s6+$0x1280];
	_ =	sdelay $0x4  }
0x255: {  	s0 =	sadd.s32 $0xFFFFFFFF, s8;
	[tilespmem:v2+s25+$0x0] =	vst.idx.msk $0xffff, v1  }
0x256: {  	v2 =	vor.u32 s0, v0;
	v1 =	vld [tilespmem:s6+$0x1300];
	_ =	sdelay $0x4  }
0x257: {  	[tilespmem:v2+s25+$0x0] =	vst.idx.msk $0xffff, v1  }
.Ltmp13:
0x258: {  	v2 =	vor.u32 s8, v0;
	s8 =	smov.u32 s17;
	v1 =	vld [tilespmem:s6+$0x1380];
	(pc) =	sbr.rel @p2 .LBB2_19-.Ltmp13, $3  }
0x259: {  	_ =	sdelay $0x1  }
0x25a: {  	s9 =	sadd.s32 $0x80, s9;
	s15 =	sadd.s32 $0x10, s15  }
0x25b: {  	s0 =	sand.u32 $0xC00, s9;
	s17 =	sadd.s32 $0x100, s17;
	s6 =	sand.u32 $0x70, s15  }
0x25c: {  	_ =	sdelay $0x3  }
0x25d: {  	s6 =	sor.u32 s6, s0;
	s18 =	sadd.s32 $0xFFFFFFF1, s8;
	[tilespmem:v2+s25+$0x0] =	vst.idx.msk $0xffff, v1  }
0x25e: {  	v1 =	vld [tilespmem:s6+$0x0];
	v2 =	vor.u32 s18, v0;
	_ =	sdelay $0x4  }
0x25f: {  	s19 =	sadd.s32 $0xFFFFFFF2, s8;
	[tilespmem:v2+s25+$0x0] =	vst.idx.msk $0xffff, v1  }
0x260: {  	v2 =	vor.u32 s19, v0;
	v1 =	vld [tilespmem:s6+$0x80];
	_ =	sdelay $0x4  }
0x261: {  	s3 =	sadd.s32 $0xFFFFFFF3, s8;
	[tilespmem:v2+s25+$0x0] =	vst.idx.msk $0xffff, v1  }
0x262: {  	v2 =	vor.u32 s3, v0;
	v1 =	vld [tilespmem:s6+$0x100];
	_ =	sdelay $0x4  }
0x263: {  	s17 =	sadd.s32 $0xFFFFFFF4, s8;
	[tilespmem:v2+s25+$0x0] =	vst.idx.msk $0xffff, v1  }
0x264: {  	v2 =	vor.u32 s17, v0;
	v1 =	vld [tilespmem:s6+$0x180];
	_ =	sdelay $0x4  }
0x265: {  	s18 =	sadd.s32 $0xFFFFFFF5, s8;
	[tilespmem:v2+s25+$0x0] =	vst.idx.msk $0xffff, v1  }
0x266: {  	v2 =	vor.u32 s18, v0;
	v1 =	vld [tilespmem:s6+$0x200];
	_ =	sdelay $0x4  }
0x267: {  	s19 =	sadd.s32 $0xFFFFFFF6, s8;
	[tilespmem:v2+s25+$0x0] =	vst.idx.msk $0xffff, v1  }
0x268: {  	v2 =	vor.u32 s19, v0;
	v1 =	vld [tilespmem:s6+$0x280];
	_ =	sdelay $0x4  }
0x269: {  	s3 =	sadd.s32 $0xFFFFFFF7, s8;
	[tilespmem:v2+s25+$0x0] =	vst.idx.msk $0xffff, v1  }
0x26a: {  	v2 =	vor.u32 s3, v0;
	v1 =	vld [tilespmem:s6+$0x300];
	_ =	sdelay $0x3  }
0x26b: {  	s15 =	sor.u32 s9, s15  }
0x26c: {  	s0 =	sor.u32 $0x380, s15;
	s3 =	sadd.s32 $0xFFFFFFF8, s8;
	[tilespmem:v2+s25+$0x0] =	vst.idx.msk $0xffff, v1  }
0x26d: {  	v2 =	vor.u32 s3, v0;
	v1 =	vld [tilespmem:s0+$0x0];
	_ =	sdelay $0x4  }
0x26e: {  	s17 =	sadd.s32 $0xFFFFFFF9, s8;
	[tilespmem:v2+s25+$0x0] =	vst.idx.msk $0xffff, v1  }
0x26f: {  	v2 =	vor.u32 s17, v0;
	v1 =	vld [tilespmem:s6+$0x1000];
	_ =	sdelay $0x4  }
0x270: {  	s18 =	sadd.s32 $0xFFFFFFFA, s8;
	[tilespmem:v2+s25+$0x0] =	vst.idx.msk $0xffff, v1  }
0x271: {  	v2 =	vor.u32 s18, v0;
	v1 =	vld [tilespmem:s6+$0x1080];
	_ =	sdelay $0x4  }
0x272: {  	s19 =	sadd.s32 $0xFFFFFFFB, s8;
	[tilespmem:v2+s25+$0x0] =	vst.idx.msk $0xffff, v1  }
0x273: {  	v2 =	vor.u32 s19, v0;
	v1 =	vld [tilespmem:s6+$0x1100];
	_ =	sdelay $0x4  }
0x274: {  	s3 =	sadd.s32 $0xFFFFFFFC, s8;
	[tilespmem:v2+s25+$0x0] =	vst.idx.msk $0xffff, v1  }
0x275: {  	v2 =	vor.u32 s3, v0;
	v1 =	vld [tilespmem:s6+$0x1180];
	_ =	sdelay $0x4  }
0x276: {  	s9 =	sadd.s32 $0xFFFFFFFD, s8;
	[tilespmem:v2+s25+$0x0] =	vst.idx.msk $0xffff, v1  }
0x277: {  	v2 =	vor.u32 s9, v0;
	v1 =	vld [tilespmem:s6+$0x1200];
	_ =	sdelay $0x4  }
0x278: {  	s15 =	sadd.s32 $0xFFFFFFFE, s8;
	[tilespmem:v2+s25+$0x0] =	vst.idx.msk $0xffff, v1  }
0x279: {  	v2 =	vor.u32 s15, v0;
	v1 =	vld [tilespmem:s6+$0x1280];
	_ =	sdelay $0x4  }
0x27a: {  	s17 =	sadd.s32 $0xFFFFFFFF, s8;
	[tilespmem:v2+s25+$0x0] =	vst.idx.msk $0xffff, v1  }
0x27b: {  	v2 =	vor.u32 s17, v0;
	v1 =	vld [tilespmem:s6+$0x1300];
	_ =	sdelay $0x4  }
0x27c: {  	[tilespmem:v2+s25+$0x0] =	vst.idx.msk $0xffff, v1  }
0x27d: {  	v2 =	vor.u32 s8, v0;
	v1 =	vld [tilespmem:s6+$0x1380];
	_ =	sdelay $0x4  }
.Ltmp14:
0x27e: {  	s18 =	rddreg [dreg:$0xa];
	s19 =	simm.s32 $0x7;
	[tilespmem:v2+s25+$0x0] =	vst.idx.msk $0xffff, v1;
	(pc) =	sbr.rel .LBB2_22-.Ltmp14, $4  }
0x27f: {  	[hbm4b:s18+s4] =	stream.linear.scatter [tilespmem:s25], [sflag:$0x7], $0x2000, $0x38;
	[tilespmem:$0xC000] =	vst v63  }
0x280: {  	_ =	swait.ge [sflag:s19], $0x2000  }
0x281: {  	[sflag:s19] =	ssyncset.done $0x0  }
0x282: {  	[sflag:s19] =	ssyncadd.s32 $0xFFFFE000  }
.LBB2_23:
0x283: {  	_ =	sfence.sel $0x180000  }
0x284: {  	[bflag:$0x0] =	sbarrier.arrive $0xFFFF  }
0x285: {  	_ =	strace $0x90000047  }
0x286: {  	s0 =	stileid.u32;
	[bflag:$0x2] =	sbarrier.arrive $0xFFFF  }
0x287: {  	p0 =	sne.s32 s0, $0x0;
	s0 =	rddreg [dreg:$0x3]  }
0x288: {  	s0 =	sadd.s32 @!p0 $0x100000, s0  }
0x289: {  	[sflag:s0] =	ssyncadd.tile.s32 @!p0 $0x1;
	_ =	shalt  }
.Lfunc_end2:
_tile_overlayer_lowered:
.L_overlay_start_2:
0x28a: {  	(tag) =	ssettag $0x2  }
0x28b: {  	s0 =	rddreg [dreg:$0x0];
	s2 =	stileid.u32  }
0x28c: {  	s1 =	rddreg [dreg:$0x1];
	p0 =	sne.s32 s2, $0x0  }
0x28d: {  	s3 =	rddreg [dreg:$0x2];
	[bflag:$0x3] =	sbarrier.arrive $0xFFFF;
	s2 =	simm.s32 @!p0 $0x1C07  }
0x28e: {  	[timem:s3], [sflag:s2] =	dma.local @!p0 [hbm:s0], s1  }
0x28f: {  	s0 =	simm.s32 @!p0 $0x7  }
0x290: {  	_ =	swait.ge @!p0 [sflag:s0], s1  }
0x291: {  	s1 =	ssub.s32 @!p0 $0x0, s1;
	[sflag:s0] =	ssyncset.done @!p0 $0x0  }
0x292: {  	[sflag:s0] =	ssyncadd.s32 @!p0 s1  }
0x293: {  	[bflag:$0x3] =	sbarrier.arrive $0xFFFF  }
0x294: {  	_ =	shalt  }

</sc_bundles>
